<compile_context>
chip_gen: v7x
topology: tpu7x:2x2x1
jax: 0.10.2.dev20260603
libtpu: 0.0.44.dev20260713+nightly
codegen_flags: <defaults>
</compile_context>

<pallas_src>
import jax
import jax.numpy as jnp
import numpy as np
from jax import lax
from jax.experimental import pallas as pl
from jax.experimental.pallas import tpu as pltpu
from jax.experimental.pallas import tpu_sc as plsc

OUT_CHANNELS = 32
N_CAT = 26
N_NUM = 13
VOCAB = 100000
BATCH = 16384
N_COLS = 39
TAB_ROWS = N_CAT * VOCAB

NUM_CORES = 2
NUM_SUBCORES = 16
NW = NUM_CORES * NUM_SUBCORES
ROWS_PER_W = BATCH // NW
CB = 32
N_CHUNKS = ROWS_PER_W // CB


def _body(x_hbm, tab_hbm, out_hbm, x_v, idx_v, stage, sem, sem_s):
    wid = lax.axis_index("s") * NUM_CORES + lax.axis_index("c")
    row0 = wid * ROWS_PER_W

    iota = lax.iota(jnp.int32, 16)

    def load_fire(s):
        slot = s % 2
        base = row0 + s * CB
        pltpu.sync_copy(x_hbm.at[pl.ds(base, CB)], x_v.at[slot])

        def idx_body(c, carry):
            col = jnp.full((16,), 13 + c, jnp.int32)
            off = c * VOCAB
            for k in range(CB // 16):
                vals = plsc.load_gather(x_v.at[slot], [k * 16 + iota, col])
                idx_v[slot, c, pl.ds(k * 16, 16)] = vals.astype(jnp.int32) + off
            return carry

        lax.fori_loop(0, N_CAT, idx_body, 0)

        def fire_body(c, carry):
            pltpu.async_copy(
                tab_hbm.at[idx_v.at[slot, c]],
                stage.at[slot, pl.ds((N_NUM + c) * CB, CB)],
                sem,
            )
            return carry

        lax.fori_loop(0, N_CAT, fire_body, 0)

    def num_fill(s):
        slot = s % 2

        def num_body(b, carry):
            row = x_v[slot, b, pl.ds(0, 16)]
            for j in range(N_NUM):
                spl = jnp.full((16,), row[j], jnp.float32)
                stage[slot, j * CB + b, pl.ds(0, 16)] = spl
                stage[slot, j * CB + b, pl.ds(16, 16)] = spl
            return carry

        lax.fori_loop(0, CB, num_body, 0)

    def drain_gathers(s):
        slot = s % 2

        def drain_body(c, carry):
            pltpu.make_async_copy(
                tab_hbm.at[idx_v.at[slot, c]],
                stage.at[slot, pl.ds((N_NUM + c) * CB, CB)],
                sem,
            ).wait()
            return carry

        lax.fori_loop(0, N_CAT, drain_body, 0)

    def fire_stores(s):
        slot = s % 2
        base = row0 + s * CB

        def store_body(col, carry):
            pltpu.async_copy(
                stage.at[slot, pl.ds(col * CB, CB)],
                out_hbm.at[pl.ds(base, CB), col],
                sem_s,
            )
            return carry

        lax.fori_loop(0, N_COLS, store_body, 0)

    def drain_stores(s):
        slot = s % 2
        base = row0 + s * CB

        def drain_body(col, carry):
            pltpu.make_async_copy(
                stage.at[slot, pl.ds(col * CB, CB)],
                out_hbm.at[pl.ds(base, CB), col],
                sem_s,
            ).wait()
            return carry

        lax.fori_loop(0, N_COLS, drain_body, 0)

    load_fire(0)
    load_fire(1)
    num_fill(0)
    drain_gathers(0)
    fire_stores(0)

    def pipe_body(s, carry):
        drain_stores(s - 1)
        load_fire(s + 1)
        num_fill(s)
        drain_gathers(s)
        fire_stores(s)
        return carry

    lax.fori_loop(1, N_CHUNKS - 1, pipe_body, 0)

    s_last = N_CHUNKS - 1
    drain_stores(s_last - 1)
    num_fill(s_last)
    drain_gathers(s_last)
    fire_stores(s_last)
    drain_stores(s_last)


_mesh = plsc.VectorSubcoreMesh(
    core_axis_name="c", subcore_axis_name="s",
    num_cores=NUM_CORES, num_subcores=NUM_SUBCORES,
)

_encode = pl.kernel(
    _body,
    out_type=jax.ShapeDtypeStruct((BATCH, N_COLS + 1, OUT_CHANNELS), jnp.float32),
    mesh=_mesh,
    scratch_types=[
        pltpu.VMEM((2, CB, N_COLS + 1), jnp.float32),
        pltpu.VMEM((2, N_CAT, CB), jnp.int32),
        pltpu.VMEM((2, N_COLS * CB, OUT_CHANNELS), jnp.float32),
        pltpu.SemaphoreType.DMA,
        pltpu.SemaphoreType.DMA,
    ],
    compiler_params=pltpu.CompilerParams(
        use_tc_tiling_on_sc=False, needs_layout_passes=False
    ),
)


@jax.jit
def kernel(x, tables):
    tab_flat = tables[:, :VOCAB, :].reshape(TAB_ROWS, OUT_CHANNELS)
    x_p = jnp.pad(x, ((0, 0), (0, 1)))
    out = _encode(x_p, tab_flat)
    return out[:, :N_COLS, :]

# --- scband reference (transcript-rebuilt; emitter-appended) ---
"""Pipeline reference for scband-column-encoder-5944234737736 (READ-ONLY COPY).

The authoritative reference and input builder live on the scoring server;
editing this copy changes nothing except your own understanding.
"""

import jax, jax.numpy as jnp
import numpy as np

OUT_CHANNELS = 32
CAT_IDXS = tuple(range(13, 39))
N_CAT = 26
VOCAB = 100000
BATCH = 16384
N_COLS = 39


def setup_inputs(seed: int = 0) -> dict:
    key = jax.random.key(seed)
    k1, k2 = jax.random.split(key)
    # x holds integer category ids (for cat columns) stored as float32,
    # matching the torch module which calls x[:, idx].long() on cat columns.
    x = jax.random.randint(k1, (BATCH, N_COLS), 0, VOCAB).astype(jnp.float32)
    # 26 embedding tables, each (cat_dim + 1, out_channels), stacked since all dims equal.
    tables = jax.random.normal(k2, (N_CAT, VOCAB + 1, OUT_CHANNELS), dtype=jnp.float32)
    return {"x": x, "tables": tables}


def reference(x, tables):
    bs, ncols = x.shape
    cols = []
    cat_feat_counter = 0
    for idx in range(ncols):
        if idx in CAT_IDXS:
            inds = jax.lax.stop_gradient(x[:, idx]).astype(jnp.int32)
            cols.append(jnp.take(tables[cat_feat_counter], inds, axis=0))
            cat_feat_counter += 1
        else:
            cols.append(jnp.repeat(x[:, idx][:, None], OUT_CHANNELS, axis=1))
    return jnp.concatenate(cols, axis=1).reshape(bs, ncols, -1)

if __name__ == "__main__":
    import jax
    _d = setup_inputs()
    print(jax.jit(kernel)(*tuple(_d.values())))

</pallas_src>

<mosaic_0001>
#map = affine_map<(d0, d1) -> (0, 0)>
#map1 = affine_map<(d0, d1) -> (0, 0, 0)>
module attributes {stable_mosaic.version = 14 : i64} {
  func.func @_body(%arg0: i32, %arg1: i32, %arg2: memref<16384x40xf32, #tpu.memory_space<hbm>>, %arg3: memref<2600000x32xf32, #tpu.memory_space<hbm>>, %arg4: memref<16384x40x32xf32, #tpu.memory_space<hbm>>, %arg5: memref<2x32x40xf32, #tpu.memory_space<vmem>>, %arg6: memref<2x26x32xi32, #tpu.memory_space<vmem>>, %arg7: memref<2x1248x32xf32, #tpu.memory_space<vmem>>, %arg8: memref<!tpu.dma_semaphore, #tpu.memory_space<semaphore_mem>>, %arg9: memref<!tpu.dma_semaphore, #tpu.memory_space<semaphore_mem>>) attributes {dimension_semantics = [#tpu.dimension_semantics<core_parallel>, #tpu.dimension_semantics<subcore_parallel>], iteration_bounds = array<i64: 2, 16>, scalar_prefetch = 0 : i64, scratch_operands = 5 : i64, tpu.core_type = #tpu.core_type<sc_vector_subcore>, window_params = [{transform_indices = #map}, {transform_indices = #map}, {transform_indices = #map1}]} {
    %mul3A = arith.constant 2 : i32
    %mul3A_0 = arith.muli %arg1, %mul3A : i32
    %add3A = arith.addi %mul3A_0, %arg0 : i32
    %mul3A_1 = arith.constant 512 : i32
    %mul3A_2 = arith.muli %add3A, %mul3A_1 : i32
    %iota3A = tpu.iota {dimensions = array<i32: 0>} : vector<16xi32>
    %add3A_3 = arith.constant 0 : i32
    %add3A_4 = arith.addi %mul3A_2, %add3A_3 : i32
    %run_scoped3A = arith.constant 0 : i32
    "tpu.region"() ({
      %run_scoped3A_93 = tpu.sem_alloc : memref<!tpu.dma_semaphore, #tpu.memory_space<semaphore_mem>>
      %dma_start3A = arith.constant 0 : i32
      %dma_start3A_94 = arith.constant 0 : i32
      %dma_start3A_95 = tpu.memref_slice %arg5[%run_scoped3A, %dma_start3A, %dma_start3A_94] : memref<2x32x40xf32, #tpu.memory_space<vmem>> -> memref<1x32x40xf32, #tpu.memory_space<vmem>>
      %dma_start3A_96 = tpu.memref_squeeze %dma_start3A_95 : memref<1x32x40xf32, #tpu.memory_space<vmem>> -> memref<32x40xf32, #tpu.memory_space<vmem>>
      %dma_start3A_97 = arith.constant 0 : i32
      %dma_start3A_98 = tpu.memref_slice %arg2[%add3A_4, %dma_start3A_97] : memref<16384x40xf32, #tpu.memory_space<hbm>> -> memref<32x40xf32, #tpu.memory_space<hbm>>
      %dma_start3A_99 = arith.constant 0 : i32
      %dma_start3A_100 = arith.constant 0 : i32
      %dma_start3A_101 = tpu.memref_slice %arg5[%run_scoped3A, %dma_start3A_99, %dma_start3A_100] : memref<2x32x40xf32, #tpu.memory_space<vmem>> -> memref<1x32x40xf32, #tpu.memory_space<vmem>>
      %dma_start3A_102 = tpu.memref_squeeze %dma_start3A_101 : memref<1x32x40xf32, #tpu.memory_space<vmem>> -> memref<32x40xf32, #tpu.memory_space<vmem>>
      %dma_start3A_103 = arith.constant 0 : i32
      %dma_start3A_104 = tpu.memref_slice %arg2[%add3A_4, %dma_start3A_103] : memref<16384x40xf32, #tpu.memory_space<hbm>> -> memref<32x40xf32, #tpu.memory_space<hbm>>
      tpu.enqueue_dma source(%dma_start3A_104 : memref<32x40xf32, #tpu.memory_space<hbm>>) target(%dma_start3A_102 : memref<32x40xf32, #tpu.memory_space<vmem>>) target_semaphore(%run_scoped3A_93 : memref<!tpu.dma_semaphore, #tpu.memory_space<semaphore_mem>>)
      %dma_wait3A = arith.constant 0 : i32
      %dma_wait3A_105 = arith.constant 0 : i32
      %dma_wait3A_106 = tpu.memref_slice %arg5[%run_scoped3A, %dma_wait3A, %dma_wait3A_105] : memref<2x32x40xf32, #tpu.memory_space<vmem>> -> memref<1x32x40xf32, #tpu.memory_space<vmem>>
      %dma_wait3A_107 = tpu.memref_squeeze %dma_wait3A_106 : memref<1x32x40xf32, #tpu.memory_space<vmem>> -> memref<32x40xf32, #tpu.memory_space<vmem>>
      %dma_wait3A_108 = arith.constant 0 : i32
      %dma_wait3A_109 = tpu.memref_slice %arg2[%add3A_4, %dma_wait3A_108] : memref<16384x40xf32, #tpu.memory_space<hbm>> -> memref<32x40xf32, #tpu.memory_space<hbm>>
      %dma_wait3A_110 = arith.constant 0 : i32
      %dma_wait3A_111 = arith.constant 0 : i32
      %dma_wait3A_112 = tpu.memref_slice %arg5[%run_scoped3A, %dma_wait3A_110, %dma_wait3A_111] : memref<2x32x40xf32, #tpu.memory_space<vmem>> -> memref<1x32x40xf32, #tpu.memory_space<vmem>>
      %dma_wait3A_113 = tpu.memref_squeeze %dma_wait3A_112 : memref<1x32x40xf32, #tpu.memory_space<vmem>> -> memref<32x40xf32, #tpu.memory_space<vmem>>
      %dma_wait3A_114 = arith.constant 0 : i32
      %dma_wait3A_115 = tpu.memref_slice %arg2[%add3A_4, %dma_wait3A_114] : memref<16384x40xf32, #tpu.memory_space<hbm>> -> memref<32x40xf32, #tpu.memory_space<hbm>>
      tpu.wait_dma2 semaphore(%run_scoped3A_93 : memref<!tpu.dma_semaphore, #tpu.memory_space<semaphore_mem>>) src(%dma_wait3A_115 : memref<32x40xf32, #tpu.memory_space<hbm>>) dst(%dma_wait3A_113 : memref<32x40xf32, #tpu.memory_space<vmem>>)
      tpu.yield
    }) : () -> ()
    %scan3A = arith.constant 0 : i32
    %scan3A_5 = arith.constant 0 : i32
    %scan3A_6 = arith.constant 26 : i32
    %scan3A_7 = arith.addi %scan3A_5, %scan3A_6 : i32
    %scan3A_8 = arith.constant 1 : i32
    scf.for %scan3A_93 = %scan3A_5 to %scan3A_7 step %scan3A_8  : i32 {
      %add3A_94 = arith.constant 13 : i32
      %add3A_95 = arith.addi %add3A_94, %scan3A_93 : i32
      %broadcast_in_dim3A = vector.broadcast %add3A_95 : i32 to vector<16xi32>
      %mul3A_96 = arith.constant 100000 : i32
      %mul3A_97 = arith.muli %scan3A_93, %mul3A_96 : i32
      %add3A_98 = arith.constant 0 : i32
      %add3A_99 = vector.broadcast %add3A_98 : i32 to vector<16xi32>
      %add3A_100 = arith.addi %add3A_99, %iota3A : vector<16xi32>
      %gather3A = arith.constant 0 : i32
      %gather3A_101 = arith.constant 0 : i32
      %gather3A_102 = arith.constant 0 : i32
      %gather3A_103 = tpu.memref_slice %arg5[%gather3A, %gather3A_101, %gather3A_102] : memref<2x32x40xf32, #tpu.memory_space<vmem>> -> memref<1x32x40xf32, #tpu.memory_space<vmem>>
      %gather3A_104 = tpu.memref_squeeze %gather3A_103 : memref<1x32x40xf32, #tpu.memory_space<vmem>> -> memref<32x40xf32, #tpu.memory_space<vmem>>
      %gather3A_105 = tpu.vector_load_idx %gather3A_104[%add3A_100, %broadcast_in_dim3A] : memref<32x40xf32, #tpu.memory_space<vmem>>[vector<16xi32>, vector<16xi32>], vector<16xf32>,
      %convert_element_type3A = arith.fptosi %gather3A_105 : vector<16xf32> to vector<16xi32>
      %add3A_106 = vector.broadcast %mul3A_97 : i32 to vector<16xi32>
      %add3A_107 = arith.addi %convert_element_type3A, %add3A_106 : vector<16xi32>
      %swap3A = arith.constant 0 : i32
      %swap3A_108 = arith.index_cast %swap3A : i32 to index
      %swap3A_109 = arith.index_cast %scan3A_93 : i32 to index
      %swap3A_110 = arith.constant 0 : index
      %swap3A_111 = tpu.vector_load %arg6[%swap3A_108, %swap3A_109, %swap3A_110] {strides = array<i32>} : memref<2x26x32xi32, #tpu.memory_space<vmem>>, vector<16xi32>,
      tpu.vector_store %arg6[%swap3A_108, %swap3A_109, %swap3A_110], %add3A_107 {strides = array<i32>} : memref<2x26x32xi32, #tpu.memory_space<vmem>>, vector<16xi32>,
      %add3A_112 = arith.constant 16 : i32
      %add3A_113 = vector.broadcast %add3A_112 : i32 to vector<16xi32>
      %add3A_114 = arith.addi %add3A_113, %iota3A : vector<16xi32>
      %gather3A_115 = arith.constant 0 : i32
      %gather3A_116 = arith.constant 0 : i32
      %gather3A_117 = arith.constant 0 : i32
      %gather3A_118 = tpu.memref_slice %arg5[%gather3A_115, %gather3A_116, %gather3A_117] : memref<2x32x40xf32, #tpu.memory_space<vmem>> -> memref<1x32x40xf32, #tpu.memory_space<vmem>>
      %gather3A_119 = tpu.memref_squeeze %gather3A_118 : memref<1x32x40xf32, #tpu.memory_space<vmem>> -> memref<32x40xf32, #tpu.memory_space<vmem>>
      %gather3A_120 = tpu.vector_load_idx %gather3A_119[%add3A_114, %broadcast_in_dim3A] : memref<32x40xf32, #tpu.memory_space<vmem>>[vector<16xi32>, vector<16xi32>], vector<16xf32>,
      %convert_element_type3A_121 = arith.fptosi %gather3A_120 : vector<16xf32> to vector<16xi32>
      %add3A_122 = vector.broadcast %mul3A_97 : i32 to vector<16xi32>
      %add3A_123 = arith.addi %convert_element_type3A_121, %add3A_122 : vector<16xi32>
      %swap3A_124 = arith.constant 0 : i32
      %swap3A_125 = arith.index_cast %swap3A_124 : i32 to index
      %swap3A_126 = arith.index_cast %scan3A_93 : i32 to index
      %swap3A_127 = arith.constant 16 : index
      %swap3A_128 = tpu.vector_load %arg6[%swap3A_125, %swap3A_126, %swap3A_127] {strides = array<i32>} : memref<2x26x32xi32, #tpu.memory_space<vmem>>, vector<16xi32>,
      tpu.vector_store %arg6[%swap3A_125, %swap3A_126, %swap3A_127], %add3A_123 {strides = array<i32>} : memref<2x26x32xi32, #tpu.memory_space<vmem>>, vector<16xi32>,
    }
    %scan3A_9 = arith.constant 26 : i32
    %scan3A_10 = arith.constant 0 : i32
    %scan3A_11 = arith.constant 0 : i32
    %scan3A_12 = arith.constant 26 : i32
    %scan3A_13 = arith.addi %scan3A_11, %scan3A_12 : i32
    %scan3A_14 = arith.constant 1 : i32
    scf.for %scan3A_93 = %scan3A_11 to %scan3A_13 step %scan3A_14  : i32 {
      %add3A_94 = arith.constant 13 : i32
      %add3A_95 = arith.addi %add3A_94, %scan3A_93 : i32
      %mul3A_96 = arith.constant 32 : i32
      %mul3A_97 = arith.muli %add3A_95, %mul3A_96 : i32
      %dma_start3A = arith.constant 0 : i32
      %dma_start3A_98 = arith.constant 0 : i32
      %dma_start3A_99 = arith.constant 0 : i32
      %dma_start3A_100 = tpu.memref_slice %arg7[%dma_start3A_98, %mul3A_97, %dma_start3A_99] : memref<2x1248x32xf32, #tpu.memory_space<vmem>> -> memref<1x32x32xf32, #tpu.memory_space<vmem>>
      %dma_start3A_101 = tpu.memref_squeeze %dma_start3A_100 : memref<1x32x32xf32, #tpu.memory_space<vmem>> -> memref<32x32xf32, #tpu.memory_space<vmem>>
      %dma_start3A_102 = arith.constant 0 : i32
      %dma_start3A_103 = tpu.memref_slice %arg6[%dma_start3A, %scan3A_93, %dma_start3A_102] : memref<2x26x32xi32, #tpu.memory_space<vmem>> -> memref<1x1x32xi32, #tpu.memory_space<vmem>>
      %dma_start3A_104 = tpu.memref_squeeze %dma_start3A_103 : memref<1x1x32xi32, #tpu.memory_space<vmem>> -> memref<32xi32, #tpu.memory_space<vmem>>
      %dma_start3A_105 = arith.constant 0 : i32
      %dma_start3A_106 = arith.constant 0 : i32
      %dma_start3A_107 = tpu.memref_slice %arg3[%dma_start3A_105, %dma_start3A_106] : memref<2600000x32xf32, #tpu.memory_space<hbm>> -> memref<2600000x32xf32, #tpu.memory_space<hbm>>
      tpu.enqueue_indirect_dma source(%dma_start3A_107 : memref<2600000x32xf32, #tpu.memory_space<hbm>>) target(%dma_start3A_101 : memref<32x32xf32, #tpu.memory_space<vmem>>) offsets(%dma_start3A_104 : memref<32xi32, #tpu.memory_space<vmem>>) semaphore(%arg8 : memref<!tpu.dma_semaphore, #tpu.memory_space<semaphore_mem>>)
    }
    %scan3A_15 = arith.constant 26 : i32
    %add3A_16 = arith.constant 32 : i32
    %add3A_17 = arith.addi %mul3A_2, %add3A_16 : i32
    %run_scoped3A_18 = arith.constant 1 : i32
    "tpu.region"() ({
      %run_scoped3A_93 = tpu.sem_alloc : memref<!tpu.dma_semaphore, #tpu.memory_space<semaphore_mem>>
      %dma_start3A = arith.constant 0 : i32
      %dma_start3A_94 = arith.constant 0 : i32
      %dma_start3A_95 = tpu.memref_slice %arg5[%run_scoped3A_18, %dma_start3A, %dma_start3A_94] : memref<2x32x40xf32, #tpu.memory_space<vmem>> -> memref<1x32x40xf32, #tpu.memory_space<vmem>>
      %dma_start3A_96 = tpu.memref_squeeze %dma_start3A_95 : memref<1x32x40xf32, #tpu.memory_space<vmem>> -> memref<32x40xf32, #tpu.memory_space<vmem>>
      %dma_start3A_97 = arith.constant 0 : i32
      %dma_start3A_98 = tpu.memref_slice %arg2[%add3A_17, %dma_start3A_97] : memref<16384x40xf32, #tpu.memory_space<hbm>> -> memref<32x40xf32, #tpu.memory_space<hbm>>
      %dma_start3A_99 = arith.constant 0 : i32
      %dma_start3A_100 = arith.constant 0 : i32
      %dma_start3A_101 = tpu.memref_slice %arg5[%run_scoped3A_18, %dma_start3A_99, %dma_start3A_100] : memref<2x32x40xf32, #tpu.memory_space<vmem>> -> memref<1x32x40xf32, #tpu.memory_space<vmem>>
      %dma_start3A_102 = tpu.memref_squeeze %dma_start3A_101 : memref<1x32x40xf32, #tpu.memory_space<vmem>> -> memref<32x40xf32, #tpu.memory_space<vmem>>
      %dma_start3A_103 = arith.constant 0 : i32
      %dma_start3A_104 = tpu.memref_slice %arg2[%add3A_17, %dma_start3A_103] : memref<16384x40xf32, #tpu.memory_space<hbm>> -> memref<32x40xf32, #tpu.memory_space<hbm>>
      tpu.enqueue_dma source(%dma_start3A_104 : memref<32x40xf32, #tpu.memory_space<hbm>>) target(%dma_start3A_102 : memref<32x40xf32, #tpu.memory_space<vmem>>) target_semaphore(%run_scoped3A_93 : memref<!tpu.dma_semaphore, #tpu.memory_space<semaphore_mem>>)
      %dma_wait3A = arith.constant 0 : i32
      %dma_wait3A_105 = arith.constant 0 : i32
      %dma_wait3A_106 = tpu.memref_slice %arg5[%run_scoped3A_18, %dma_wait3A, %dma_wait3A_105] : memref<2x32x40xf32, #tpu.memory_space<vmem>> -> memref<1x32x40xf32, #tpu.memory_space<vmem>>
      %dma_wait3A_107 = tpu.memref_squeeze %dma_wait3A_106 : memref<1x32x40xf32, #tpu.memory_space<vmem>> -> memref<32x40xf32, #tpu.memory_space<vmem>>
      %dma_wait3A_108 = arith.constant 0 : i32
      %dma_wait3A_109 = tpu.memref_slice %arg2[%add3A_17, %dma_wait3A_108] : memref<16384x40xf32, #tpu.memory_space<hbm>> -> memref<32x40xf32, #tpu.memory_space<hbm>>
      %dma_wait3A_110 = arith.constant 0 : i32
      %dma_wait3A_111 = arith.constant 0 : i32
      %dma_wait3A_112 = tpu.memref_slice %arg5[%run_scoped3A_18, %dma_wait3A_110, %dma_wait3A_111] : memref<2x32x40xf32, #tpu.memory_space<vmem>> -> memref<1x32x40xf32, #tpu.memory_space<vmem>>
      %dma_wait3A_113 = tpu.memref_squeeze %dma_wait3A_112 : memref<1x32x40xf32, #tpu.memory_space<vmem>> -> memref<32x40xf32, #tpu.memory_space<vmem>>
      %dma_wait3A_114 = arith.constant 0 : i32
      %dma_wait3A_115 = tpu.memref_slice %arg2[%add3A_17, %dma_wait3A_114] : memref<16384x40xf32, #tpu.memory_space<hbm>> -> memref<32x40xf32, #tpu.memory_space<hbm>>
      tpu.wait_dma2 semaphore(%run_scoped3A_93 : memref<!tpu.dma_semaphore, #tpu.memory_space<semaphore_mem>>) src(%dma_wait3A_115 : memref<32x40xf32, #tpu.memory_space<hbm>>) dst(%dma_wait3A_113 : memref<32x40xf32, #tpu.memory_space<vmem>>)
      tpu.yield
    }) : () -> ()
    %scan3A_19 = arith.constant 0 : i32
    %scan3A_20 = arith.constant 0 : i32
    %scan3A_21 = arith.constant 26 : i32
    %scan3A_22 = arith.addi %scan3A_20, %scan3A_21 : i32
    %scan3A_23 = arith.constant 1 : i32
    scf.for %scan3A_93 = %scan3A_20 to %scan3A_22 step %scan3A_23  : i32 {
      %add3A_94 = arith.constant 13 : i32
      %add3A_95 = arith.addi %add3A_94, %scan3A_93 : i32
      %broadcast_in_dim3A = vector.broadcast %add3A_95 : i32 to vector<16xi32>
      %mul3A_96 = arith.constant 100000 : i32
      %mul3A_97 = arith.muli %scan3A_93, %mul3A_96 : i32
      %add3A_98 = arith.constant 0 : i32
      %add3A_99 = vector.broadcast %add3A_98 : i32 to vector<16xi32>
      %add3A_100 = arith.addi %add3A_99, %iota3A : vector<16xi32>
      %gather3A = arith.constant 1 : i32
      %gather3A_101 = arith.constant 0 : i32
      %gather3A_102 = arith.constant 0 : i32
      %gather3A_103 = tpu.memref_slice %arg5[%gather3A, %gather3A_101, %gather3A_102] : memref<2x32x40xf32, #tpu.memory_space<vmem>> -> memref<1x32x40xf32, #tpu.memory_space<vmem>>
      %gather3A_104 = tpu.memref_squeeze %gather3A_103 : memref<1x32x40xf32, #tpu.memory_space<vmem>> -> memref<32x40xf32, #tpu.memory_space<vmem>>
      %gather3A_105 = tpu.vector_load_idx %gather3A_104[%add3A_100, %broadcast_in_dim3A] : memref<32x40xf32, #tpu.memory_space<vmem>>[vector<16xi32>, vector<16xi32>], vector<16xf32>,
      %convert_element_type3A = arith.fptosi %gather3A_105 : vector<16xf32> to vector<16xi32>
      %add3A_106 = vector.broadcast %mul3A_97 : i32 to vector<16xi32>
      %add3A_107 = arith.addi %convert_element_type3A, %add3A_106 : vector<16xi32>
      %swap3A = arith.constant 1 : i32
      %swap3A_108 = arith.index_cast %swap3A : i32 to index
      %swap3A_109 = arith.index_cast %scan3A_93 : i32 to index
      %swap3A_110 = arith.constant 0 : index
      %swap3A_111 = tpu.vector_load %arg6[%swap3A_108, %swap3A_109, %swap3A_110] {strides = array<i32>} : memref<2x26x32xi32, #tpu.memory_space<vmem>>, vector<16xi32>,
      tpu.vector_store %arg6[%swap3A_108, %swap3A_109, %swap3A_110], %add3A_107 {strides = array<i32>} : memref<2x26x32xi32, #tpu.memory_space<vmem>>, vector<16xi32>,
      %add3A_112 = arith.constant 16 : i32
      %add3A_113 = vector.broadcast %add3A_112 : i32 to vector<16xi32>
      %add3A_114 = arith.addi %add3A_113, %iota3A : vector<16xi32>
      %gather3A_115 = arith.constant 1 : i32
      %gather3A_116 = arith.constant 0 : i32
      %gather3A_117 = arith.constant 0 : i32
      %gather3A_118 = tpu.memref_slice %arg5[%gather3A_115, %gather3A_116, %gather3A_117] : memref<2x32x40xf32, #tpu.memory_space<vmem>> -> memref<1x32x40xf32, #tpu.memory_space<vmem>>
      %gather3A_119 = tpu.memref_squeeze %gather3A_118 : memref<1x32x40xf32, #tpu.memory_space<vmem>> -> memref<32x40xf32, #tpu.memory_space<vmem>>
      %gather3A_120 = tpu.vector_load_idx %gather3A_119[%add3A_114, %broadcast_in_dim3A] : memref<32x40xf32, #tpu.memory_space<vmem>>[vector<16xi32>, vector<16xi32>], vector<16xf32>,
      %convert_element_type3A_121 = arith.fptosi %gather3A_120 : vector<16xf32> to vector<16xi32>
      %add3A_122 = vector.broadcast %mul3A_97 : i32 to vector<16xi32>
      %add3A_123 = arith.addi %convert_element_type3A_121, %add3A_122 : vector<16xi32>
      %swap3A_124 = arith.constant 1 : i32
      %swap3A_125 = arith.index_cast %swap3A_124 : i32 to index
      %swap3A_126 = arith.index_cast %scan3A_93 : i32 to index
      %swap3A_127 = arith.constant 16 : index
      %swap3A_128 = tpu.vector_load %arg6[%swap3A_125, %swap3A_126, %swap3A_127] {strides = array<i32>} : memref<2x26x32xi32, #tpu.memory_space<vmem>>, vector<16xi32>,
      tpu.vector_store %arg6[%swap3A_125, %swap3A_126, %swap3A_127], %add3A_123 {strides = array<i32>} : memref<2x26x32xi32, #tpu.memory_space<vmem>>, vector<16xi32>,
    }
    %scan3A_24 = arith.constant 26 : i32
    %scan3A_25 = arith.constant 0 : i32
    %scan3A_26 = arith.constant 0 : i32
    %scan3A_27 = arith.constant 26 : i32
    %scan3A_28 = arith.addi %scan3A_26, %scan3A_27 : i32
    %scan3A_29 = arith.constant 1 : i32
    scf.for %scan3A_93 = %scan3A_26 to %scan3A_28 step %scan3A_29  : i32 {
      %add3A_94 = arith.constant 13 : i32
      %add3A_95 = arith.addi %add3A_94, %scan3A_93 : i32
      %mul3A_96 = arith.constant 32 : i32
      %mul3A_97 = arith.muli %add3A_95, %mul3A_96 : i32
      %dma_start3A = arith.constant 1 : i32
      %dma_start3A_98 = arith.constant 1 : i32
      %dma_start3A_99 = arith.constant 0 : i32
      %dma_start3A_100 = tpu.memref_slice %arg7[%dma_start3A_98, %mul3A_97, %dma_start3A_99] : memref<2x1248x32xf32, #tpu.memory_space<vmem>> -> memref<1x32x32xf32, #tpu.memory_space<vmem>>
      %dma_start3A_101 = tpu.memref_squeeze %dma_start3A_100 : memref<1x32x32xf32, #tpu.memory_space<vmem>> -> memref<32x32xf32, #tpu.memory_space<vmem>>
      %dma_start3A_102 = arith.constant 0 : i32
      %dma_start3A_103 = tpu.memref_slice %arg6[%dma_start3A, %scan3A_93, %dma_start3A_102] : memref<2x26x32xi32, #tpu.memory_space<vmem>> -> memref<1x1x32xi32, #tpu.memory_space<vmem>>
      %dma_start3A_104 = tpu.memref_squeeze %dma_start3A_103 : memref<1x1x32xi32, #tpu.memory_space<vmem>> -> memref<32xi32, #tpu.memory_space<vmem>>
      %dma_start3A_105 = arith.constant 0 : i32
      %dma_start3A_106 = arith.constant 0 : i32
      %dma_start3A_107 = tpu.memref_slice %arg3[%dma_start3A_105, %dma_start3A_106] : memref<2600000x32xf32, #tpu.memory_space<hbm>> -> memref<2600000x32xf32, #tpu.memory_space<hbm>>
      tpu.enqueue_indirect_dma source(%dma_start3A_107 : memref<2600000x32xf32, #tpu.memory_space<hbm>>) target(%dma_start3A_101 : memref<32x32xf32, #tpu.memory_space<vmem>>) offsets(%dma_start3A_104 : memref<32xi32, #tpu.memory_space<vmem>>) semaphore(%arg8 : memref<!tpu.dma_semaphore, #tpu.memory_space<semaphore_mem>>)
    }
    %scan3A_30 = arith.constant 26 : i32
    %scan3A_31 = arith.constant 0 : i32
    %scan3A_32 = arith.constant 0 : i32
    %scan3A_33 = arith.constant 32 : i32
    %scan3A_34 = arith.addi %scan3A_32, %scan3A_33 : i32
    %scan3A_35 = arith.constant 1 : i32
    scf.for %scan3A_93 = %scan3A_32 to %scan3A_34 step %scan3A_35  : i32 {
      %get3A = arith.constant 0 : i32
      %get3A_94 = arith.index_cast %get3A : i32 to index
      %get3A_95 = arith.index_cast %scan3A_93 : i32 to index
      %get3A_96 = arith.constant 0 : index
      %get3A_97 = tpu.vector_load %arg5[%get3A_94, %get3A_95, %get3A_96] {strides = array<i32>} : memref<2x32x40xf32, #tpu.memory_space<vmem>>, vector<16xf32>,
      %slice3A = vector.extract_strided_slice %get3A_97 {offsets = [0], sizes = [1], strides = [1]} : vector<16xf32> to vector<1xf32>
      %squeeze3A = vector.extract %slice3A[0] : f32 from vector<1xf32>
      %broadcast_in_dim3A = vector.broadcast %squeeze3A : f32 to vector<16xf32>
      %add3A_98 = arith.constant 0 : i32
      %add3A_99 = arith.addi %add3A_98, %scan3A_93 : i32
      %swap3A = arith.constant 0 : i32
      %swap3A_100 = arith.index_cast %swap3A : i32 to index
      %swap3A_101 = arith.index_cast %add3A_99 : i32 to index
      %swap3A_102 = arith.constant 0 : index
      %swap3A_103 = tpu.vector_load %arg7[%swap3A_100, %swap3A_101, %swap3A_102] {strides = array<i32>} : memref<2x1248x32xf32, #tpu.memory_space<vmem>>, vector<16xf32>,
      tpu.vector_store %arg7[%swap3A_100, %swap3A_101, %swap3A_102], %broadcast_in_dim3A {strides = array<i32>} : memref<2x1248x32xf32, #tpu.memory_space<vmem>>, vector<16xf32>,
      %add3A_104 = arith.constant 0 : i32
      %add3A_105 = arith.addi %add3A_104, %scan3A_93 : i32
      %swap3A_106 = arith.constant 0 : i32
      %swap3A_107 = arith.index_cast %swap3A_106 : i32 to index
      %swap3A_108 = arith.index_cast %add3A_105 : i32 to index
      %swap3A_109 = arith.constant 16 : index
      %swap3A_110 = tpu.vector_load %arg7[%swap3A_107, %swap3A_108, %swap3A_109] {strides = array<i32>} : memref<2x1248x32xf32, #tpu.memory_space<vmem>>, vector<16xf32>,
      tpu.vector_store %arg7[%swap3A_107, %swap3A_108, %swap3A_109], %broadcast_in_dim3A {strides = array<i32>} : memref<2x1248x32xf32, #tpu.memory_space<vmem>>, vector<16xf32>,
      %slice3A_111 = vector.extract_strided_slice %get3A_97 {offsets = [1], sizes = [1], strides = [1]} : vector<16xf32> to vector<1xf32>
      %squeeze3A_112 = vector.extract %slice3A_111[0] : f32 from vector<1xf32>
      %broadcast_in_dim3A_113 = vector.broadcast %squeeze3A_112 : f32 to vector<16xf32>
      %add3A_114 = arith.constant 32 : i32
      %add3A_115 = arith.addi %add3A_114, %scan3A_93 : i32
      %swap3A_116 = arith.constant 0 : i32
      %swap3A_117 = arith.index_cast %swap3A_116 : i32 to index
      %swap3A_118 = arith.index_cast %add3A_115 : i32 to index
      %swap3A_119 = arith.constant 0 : index
      %swap3A_120 = tpu.vector_load %arg7[%swap3A_117, %swap3A_118, %swap3A_119] {strides = array<i32>} : memref<2x1248x32xf32, #tpu.memory_space<vmem>>, vector<16xf32>,
      tpu.vector_store %arg7[%swap3A_117, %swap3A_118, %swap3A_119], %broadcast_in_dim3A_113 {strides = array<i32>} : memref<2x1248x32xf32, #tpu.memory_space<vmem>>, vector<16xf32>,
      %add3A_121 = arith.constant 32 : i32
      %add3A_122 = arith.addi %add3A_121, %scan3A_93 : i32
      %swap3A_123 = arith.constant 0 : i32
      %swap3A_124 = arith.index_cast %swap3A_123 : i32 to index
      %swap3A_125 = arith.index_cast %add3A_122 : i32 to index
      %swap3A_126 = arith.constant 16 : index
      %swap3A_127 = tpu.vector_load %arg7[%swap3A_124, %swap3A_125, %swap3A_126] {strides = array<i32>} : memref<2x1248x32xf32, #tpu.memory_space<vmem>>, vector<16xf32>,
      tpu.vector_store %arg7[%swap3A_124, %swap3A_125, %swap3A_126], %broadcast_in_dim3A_113 {strides = array<i32>} : memref<2x1248x32xf32, #tpu.memory_space<vmem>>, vector<16xf32>,
      %slice3A_128 = vector.extract_strided_slice %get3A_97 {offsets = [2], sizes = [1], strides = [1]} : vector<16xf32> to vector<1xf32>
      %squeeze3A_129 = vector.extract %slice3A_128[0] : f32 from vector<1xf32>
      %broadcast_in_dim3A_130 = vector.broadcast %squeeze3A_129 : f32 to vector<16xf32>
      %add3A_131 = arith.constant 64 : i32
      %add3A_132 = arith.addi %add3A_131, %scan3A_93 : i32
      %swap3A_133 = arith.constant 0 : i32
      %swap3A_134 = arith.index_cast %swap3A_133 : i32 to index
      %swap3A_135 = arith.index_cast %add3A_132 : i32 to index
      %swap3A_136 = arith.constant 0 : index
      %swap3A_137 = tpu.vector_load %arg7[%swap3A_134, %swap3A_135, %swap3A_136] {strides = array<i32>} : memref<2x1248x32xf32, #tpu.memory_space<vmem>>, vector<16xf32>,
      tpu.vector_store %arg7[%swap3A_134, %swap3A_135, %swap3A_136], %broadcast_in_dim3A_130 {strides = array<i32>} : memref<2x1248x32xf32, #tpu.memory_space<vmem>>, vector<16xf32>,
      %add3A_138 = arith.constant 64 : i32
      %add3A_139 = arith.addi %add3A_138, %scan3A_93 : i32
      %swap3A_140 = arith.constant 0 : i32
      %swap3A_141 = arith.index_cast %swap3A_140 : i32 to index
      %swap3A_142 = arith.index_cast %add3A_139 : i32 to index
      %swap3A_143 = arith.constant 16 : index
      %swap3A_144 = tpu.vector_load %arg7[%swap3A_141, %swap3A_142, %swap3A_143] {strides = array<i32>} : memref<2x1248x32xf32, #tpu.memory_space<vmem>>, vector<16xf32>,
      tpu.vector_store %arg7[%swap3A_141, %swap3A_142, %swap3A_143], %broadcast_in_dim3A_130 {strides = array<i32>} : memref<2x1248x32xf32, #tpu.memory_space<vmem>>, vector<16xf32>,
      %slice3A_145 = vector.extract_strided_slice %get3A_97 {offsets = [3], sizes = [1], strides = [1]} : vector<16xf32> to vector<1xf32>
      %squeeze3A_146 = vector.extract %slice3A_145[0] : f32 from vector<1xf32>
      %broadcast_in_dim3A_147 = vector.broadcast %squeeze3A_146 : f32 to vector<16xf32>
      %add3A_148 = arith.constant 96 : i32
      %add3A_149 = arith.addi %add3A_148, %scan3A_93 : i32
      %swap3A_150 = arith.constant 0 : i32
      %swap3A_151 = arith.index_cast %swap3A_150 : i32 to index
      %swap3A_152 = arith.index_cast %add3A_149 : i32 to index
      %swap3A_153 = arith.constant 0 : index
      %swap3A_154 = tpu.vector_load %arg7[%swap3A_151, %swap3A_152, %swap3A_153] {strides = array<i32>} : memref<2x1248x32xf32, #tpu.memory_space<vmem>>, vector<16xf32>,
      tpu.vector_store %arg7[%swap3A_151, %swap3A_152, %swap3A_153], %broadcast_in_dim3A_147 {strides = array<i32>} : memref<2x1248x32xf32, #tpu.memory_space<vmem>>, vector<16xf32>,
      %add3A_155 = arith.constant 96 : i32
      %add3A_156 = arith.addi %add3A_155, %scan3A_93 : i32
      %swap3A_157 = arith.constant 0 : i32
      %swap3A_158 = arith.index_cast %swap3A_157 : i32 to index
      %swap3A_159 = arith.index_cast %add3A_156 : i32 to index
      %swap3A_160 = arith.constant 16 : index
      %swap3A_161 = tpu.vector_load %arg7[%swap3A_158, %swap3A_159, %swap3A_160] {strides = array<i32>} : memref<2x1248x32xf32, #tpu.memory_space<vmem>>, vector<16xf32>,
      tpu.vector_store %arg7[%swap3A_158, %swap3A_159, %swap3A_160], %broadcast_in_dim3A_147 {strides = array<i32>} : memref<2x1248x32xf32, #tpu.memory_space<vmem>>, vector<16xf32>,
      %slice3A_162 = vector.extract_strided_slice %get3A_97 {offsets = [4], sizes = [1], strides = [1]} : vector<16xf32> to vector<1xf32>
      %squeeze3A_163 = vector.extract %slice3A_162[0] : f32 from vector<1xf32>
      %broadcast_in_dim3A_164 = vector.broadcast %squeeze3A_163 : f32 to vector<16xf32>
      %add3A_165 = arith.constant 128 : i32
      %add3A_166 = arith.addi %add3A_165, %scan3A_93 : i32
      %swap3A_167 = arith.constant 0 : i32
      %swap3A_168 = arith.index_cast %swap3A_167 : i32 to index
      %swap3A_169 = arith.index_cast %add3A_166 : i32 to index
      %swap3A_170 = arith.constant 0 : index
      %swap3A_171 = tpu.vector_load %arg7[%swap3A_168, %swap3A_169, %swap3A_170] {strides = array<i32>} : memref<2x1248x32xf32, #tpu.memory_space<vmem>>, vector<16xf32>,
      tpu.vector_store %arg7[%swap3A_168, %swap3A_169, %swap3A_170], %broadcast_in_dim3A_164 {strides = array<i32>} : memref<2x1248x32xf32, #tpu.memory_space<vmem>>, vector<16xf32>,
      %add3A_172 = arith.constant 128 : i32
      %add3A_173 = arith.addi %add3A_172, %scan3A_93 : i32
      %swap3A_174 = arith.constant 0 : i32
      %swap3A_175 = arith.index_cast %swap3A_174 : i32 to index
      %swap3A_176 = arith.index_cast %add3A_173 : i32 to index
      %swap3A_177 = arith.constant 16 : index
      %swap3A_178 = tpu.vector_load %arg7[%swap3A_175, %swap3A_176, %swap3A_177] {strides = array<i32>} : memref<2x1248x32xf32, #tpu.memory_space<vmem>>, vector<16xf32>,
      tpu.vector_store %arg7[%swap3A_175, %swap3A_176, %swap3A_177], %broadcast_in_dim3A_164 {strides = array<i32>} : memref<2x1248x32xf32, #tpu.memory_space<vmem>>, vector<16xf32>,
      %slice3A_179 = vector.extract_strided_slice %get3A_97 {offsets = [5], sizes = [1], strides = [1]} : vector<16xf32> to vector<1xf32>
      %squeeze3A_180 = vector.extract %slice3A_179[0] : f32 from vector<1xf32>
      %broadcast_in_dim3A_181 = vector.broadcast %squeeze3A_180 : f32 to vector<16xf32>
      %add3A_182 = arith.constant 160 : i32
      %add3A_183 = arith.addi %add3A_182, %scan3A_93 : i32
      %swap3A_184 = arith.constant 0 : i32
      %swap3A_185 = arith.index_cast %swap3A_184 : i32 to index
      %swap3A_186 = arith.index_cast %add3A_183 : i32 to index
      %swap3A_187 = arith.constant 0 : index
      %swap3A_188 = tpu.vector_load %arg7[%swap3A_185, %swap3A_186, %swap3A_187] {strides = array<i32>} : memref<2x1248x32xf32, #tpu.memory_space<vmem>>, vector<16xf32>,
      tpu.vector_store %arg7[%swap3A_185, %swap3A_186, %swap3A_187], %broadcast_in_dim3A_181 {strides = array<i32>} : memref<2x1248x32xf32, #tpu.memory_space<vmem>>, vector<16xf32>,
      %add3A_189 = arith.constant 160 : i32
      %add3A_190 = arith.addi %add3A_189, %scan3A_93 : i32
      %swap3A_191 = arith.constant 0 : i32
      %swap3A_192 = arith.index_cast %swap3A_191 : i32 to index
      %swap3A_193 = arith.index_cast %add3A_190 : i32 to index
      %swap3A_194 = arith.constant 16 : index
      %swap3A_195 = tpu.vector_load %arg7[%swap3A_192, %swap3A_193, %swap3A_194] {strides = array<i32>} : memref<2x1248x32xf32, #tpu.memory_space<vmem>>, vector<16xf32>,
      tpu.vector_store %arg7[%swap3A_192, %swap3A_193, %swap3A_194], %broadcast_in_dim3A_181 {strides = array<i32>} : memref<2x1248x32xf32, #tpu.memory_space<vmem>>, vector<16xf32>,
      %slice3A_196 = vector.extract_strided_slice %get3A_97 {offsets = [6], sizes = [1], strides = [1]} : vector<16xf32> to vector<1xf32>
      %squeeze3A_197 = vector.extract %slice3A_196[0] : f32 from vector<1xf32>
      %broadcast_in_dim3A_198 = vector.broadcast %squeeze3A_197 : f32 to vector<16xf32>
      %add3A_199 = arith.constant 192 : i32
      %add3A_200 = arith.addi %add3A_199, %scan3A_93 : i32
      %swap3A_201 = arith.constant 0 : i32
      %swap3A_202 = arith.index_cast %swap3A_201 : i32 to index
      %swap3A_203 = arith.index_cast %add3A_200 : i32 to index
      %swap3A_204 = arith.constant 0 : index
      %swap3A_205 = tpu.vector_load %arg7[%swap3A_202, %swap3A_203, %swap3A_204] {strides = array<i32>} : memref<2x1248x32xf32, #tpu.memory_space<vmem>>, vector<16xf32>,
      tpu.vector_store %arg7[%swap3A_202, %swap3A_203, %swap3A_204], %broadcast_in_dim3A_198 {strides = array<i32>} : memref<2x1248x32xf32, #tpu.memory_space<vmem>>, vector<16xf32>,
      %add3A_206 = arith.constant 192 : i32
      %add3A_207 = arith.addi %add3A_206, %scan3A_93 : i32
      %swap3A_208 = arith.constant 0 : i32
      %swap3A_209 = arith.index_cast %swap3A_208 : i32 to index
      %swap3A_210 = arith.index_cast %add3A_207 : i32 to index
      %swap3A_211 = arith.constant 16 : index
      %swap3A_212 = tpu.vector_load %arg7[%swap3A_209, %swap3A_210, %swap3A_211] {strides = array<i32>} : memref<2x1248x32xf32, #tpu.memory_space<vmem>>, vector<16xf32>,
      tpu.vector_store %arg7[%swap3A_209, %swap3A_210, %swap3A_211], %broadcast_in_dim3A_198 {strides = array<i32>} : memref<2x1248x32xf32, #tpu.memory_space<vmem>>, vector<16xf32>,
      %slice3A_213 = vector.extract_strided_slice %get3A_97 {offsets = [7], sizes = [1], strides = [1]} : vector<16xf32> to vector<1xf32>
      %squeeze3A_214 = vector.extract %slice3A_213[0] : f32 from vector<1xf32>
      %broadcast_in_dim3A_215 = vector.broadcast %squeeze3A_214 : f32 to vector<16xf32>
      %add3A_216 = arith.constant 224 : i32
      %add3A_217 = arith.addi %add3A_216, %scan3A_93 : i32
      %swap3A_218 = arith.constant 0 : i32
      %swap3A_219 = arith.index_cast %swap3A_218 : i32 to index
      %swap3A_220 = arith.index_cast %add3A_217 : i32 to index
      %swap3A_221 = arith.constant 0 : index
      %swap3A_222 = tpu.vector_load %arg7[%swap3A_219, %swap3A_220, %swap3A_221] {strides = array<i32>} : memref<2x1248x32xf32, #tpu.memory_space<vmem>>, vector<16xf32>,
      tpu.vector_store %arg7[%swap3A_219, %swap3A_220, %swap3A_221], %broadcast_in_dim3A_215 {strides = array<i32>} : memref<2x1248x32xf32, #tpu.memory_space<vmem>>, vector<16xf32>,
      %add3A_223 = arith.constant 224 : i32
      %add3A_224 = arith.addi %add3A_223, %scan3A_93 : i32
      %swap3A_225 = arith.constant 0 : i32
      %swap3A_226 = arith.index_cast %swap3A_225 : i32 to index
      %swap3A_227 = arith.index_cast %add3A_224 : i32 to index
      %swap3A_228 = arith.constant 16 : index
      %swap3A_229 = tpu.vector_load %arg7[%swap3A_226, %swap3A_227, %swap3A_228] {strides = array<i32>} : memref<2x1248x32xf32, #tpu.memory_space<vmem>>, vector<16xf32>,
      tpu.vector_store %arg7[%swap3A_226, %swap3A_227, %swap3A_228], %broadcast_in_dim3A_215 {strides = array<i32>} : memref<2x1248x32xf32, #tpu.memory_space<vmem>>, vector<16xf32>,
      %slice3A_230 = vector.extract_strided_slice %get3A_97 {offsets = [8], sizes = [1], strides = [1]} : vector<16xf32> to vector<1xf32>
      %squeeze3A_231 = vector.extract %slice3A_230[0] : f32 from vector<1xf32>
      %broadcast_in_dim3A_232 = vector.broadcast %squeeze3A_231 : f32 to vector<16xf32>
      %add3A_233 = arith.constant 256 : i32
      %add3A_234 = arith.addi %add3A_233, %scan3A_93 : i32
      %swap3A_235 = arith.constant 0 : i32
      %swap3A_236 = arith.index_cast %swap3A_235 : i32 to index
      %swap3A_237 = arith.index_cast %add3A_234 : i32 to index
      %swap3A_238 = arith.constant 0 : index
      %swap3A_239 = tpu.vector_load %arg7[%swap3A_236, %swap3A_237, %swap3A_238] {strides = array<i32>} : memref<2x1248x32xf32, #tpu.memory_space<vmem>>, vector<16xf32>,
      tpu.vector_store %arg7[%swap3A_236, %swap3A_237, %swap3A_238], %broadcast_in_dim3A_232 {strides = array<i32>} : memref<2x1248x32xf32, #tpu.memory_space<vmem>>, vector<16xf32>,
      %add3A_240 = arith.constant 256 : i32
      %add3A_241 = arith.addi %add3A_240, %scan3A_93 : i32
      %swap3A_242 = arith.constant 0 : i32
      %swap3A_243 = arith.index_cast %swap3A_242 : i32 to index
      %swap3A_244 = arith.index_cast %add3A_241 : i32 to index
      %swap3A_245 = arith.constant 16 : index
      %swap3A_246 = tpu.vector_load %arg7[%swap3A_243, %swap3A_244, %swap3A_245] {strides = array<i32>} : memref<2x1248x32xf32, #tpu.memory_space<vmem>>, vector<16xf32>,
      tpu.vector_store %arg7[%swap3A_243, %swap3A_244, %swap3A_245], %broadcast_in_dim3A_232 {strides = array<i32>} : memref<2x1248x32xf32, #tpu.memory_space<vmem>>, vector<16xf32>,
      %slice3A_247 = vector.extract_strided_slice %get3A_97 {offsets = [9], sizes = [1], strides = [1]} : vector<16xf32> to vector<1xf32>
      %squeeze3A_248 = vector.extract %slice3A_247[0] : f32 from vector<1xf32>
      %broadcast_in_dim3A_249 = vector.broadcast %squeeze3A_248 : f32 to vector<16xf32>
      %add3A_250 = arith.constant 288 : i32
      %add3A_251 = arith.addi %add3A_250, %scan3A_93 : i32
      %swap3A_252 = arith.constant 0 : i32
      %swap3A_253 = arith.index_cast %swap3A_252 : i32 to index
      %swap3A_254 = arith.index_cast %add3A_251 : i32 to index
      %swap3A_255 = arith.constant 0 : index
      %swap3A_256 = tpu.vector_load %arg7[%swap3A_253, %swap3A_254, %swap3A_255] {strides = array<i32>} : memref<2x1248x32xf32, #tpu.memory_space<vmem>>, vector<16xf32>,
      tpu.vector_store %arg7[%swap3A_253, %swap3A_254, %swap3A_255], %broadcast_in_dim3A_249 {strides = array<i32>} : memref<2x1248x32xf32, #tpu.memory_space<vmem>>, vector<16xf32>,
      %add3A_257 = arith.constant 288 : i32
      %add3A_258 = arith.addi %add3A_257, %scan3A_93 : i32
      %swap3A_259 = arith.constant 0 : i32
      %swap3A_260 = arith.index_cast %swap3A_259 : i32 to index
      %swap3A_261 = arith.index_cast %add3A_258 : i32 to index
      %swap3A_262 = arith.constant 16 : index
      %swap3A_263 = tpu.vector_load %arg7[%swap3A_260, %swap3A_261, %swap3A_262] {strides = array<i32>} : memref<2x1248x32xf32, #tpu.memory_space<vmem>>, vector<16xf32>,
      tpu.vector_store %arg7[%swap3A_260, %swap3A_261, %swap3A_262], %broadcast_in_dim3A_249 {strides = array<i32>} : memref<2x1248x32xf32, #tpu.memory_space<vmem>>, vector<16xf32>,
      %slice3A_264 = vector.extract_strided_slice %get3A_97 {offsets = [10], sizes = [1], strides = [1]} : vector<16xf32> to vector<1xf32>
      %squeeze3A_265 = vector.extract %slice3A_264[0] : f32 from vector<1xf32>
      %broadcast_in_dim3A_266 = vector.broadcast %squeeze3A_265 : f32 to vector<16xf32>
      %add3A_267 = arith.constant 320 : i32
      %add3A_268 = arith.addi %add3A_267, %scan3A_93 : i32
      %swap3A_269 = arith.constant 0 : i32
      %swap3A_270 = arith.index_cast %swap3A_269 : i32 to index
      %swap3A_271 = arith.index_cast %add3A_268 : i32 to index
      %swap3A_272 = arith.constant 0 : index
      %swap3A_273 = tpu.vector_load %arg7[%swap3A_270, %swap3A_271, %swap3A_272] {strides = array<i32>} : memref<2x1248x32xf32, #tpu.memory_space<vmem>>, vector<16xf32>,
      tpu.vector_store %arg7[%swap3A_270, %swap3A_271, %swap3A_272], %broadcast_in_dim3A_266 {strides = array<i32>} : memref<2x1248x32xf32, #tpu.memory_space<vmem>>, vector<16xf32>,
      %add3A_274 = arith.constant 320 : i32
      %add3A_275 = arith.addi %add3A_274, %scan3A_93 : i32
      %swap3A_276 = arith.constant 0 : i32
      %swap3A_277 = arith.index_cast %swap3A_276 : i32 to index
      %swap3A_278 = arith.index_cast %add3A_275 : i32 to index
      %swap3A_279 = arith.constant 16 : index
      %swap3A_280 = tpu.vector_load %arg7[%swap3A_277, %swap3A_278, %swap3A_279] {strides = array<i32>} : memref<2x1248x32xf32, #tpu.memory_space<vmem>>, vector<16xf32>,
      tpu.vector_store %arg7[%swap3A_277, %swap3A_278, %swap3A_279], %broadcast_in_dim3A_266 {strides = array<i32>} : memref<2x1248x32xf32, #tpu.memory_space<vmem>>, vector<16xf32>,
      %slice3A_281 = vector.extract_strided_slice %get3A_97 {offsets = [11], sizes = [1], strides = [1]} : vector<16xf32> to vector<1xf32>
      %squeeze3A_282 = vector.extract %slice3A_281[0] : f32 from vector<1xf32>
      %broadcast_in_dim3A_283 = vector.broadcast %squeeze3A_282 : f32 to vector<16xf32>
      %add3A_284 = arith.constant 352 : i32
      %add3A_285 = arith.addi %add3A_284, %scan3A_93 : i32
      %swap3A_286 = arith.constant 0 : i32
      %swap3A_287 = arith.index_cast %swap3A_286 : i32 to index
      %swap3A_288 = arith.index_cast %add3A_285 : i32 to index
      %swap3A_289 = arith.constant 0 : index
      %swap3A_290 = tpu.vector_load %arg7[%swap3A_287, %swap3A_288, %swap3A_289] {strides = array<i32>} : memref<2x1248x32xf32, #tpu.memory_space<vmem>>, vector<16xf32>,
      tpu.vector_store %arg7[%swap3A_287, %swap3A_288, %swap3A_289], %broadcast_in_dim3A_283 {strides = array<i32>} : memref<2x1248x32xf32, #tpu.memory_space<vmem>>, vector<16xf32>,
      %add3A_291 = arith.constant 352 : i32
      %add3A_292 = arith.addi %add3A_291, %scan3A_93 : i32
      %swap3A_293 = arith.constant 0 : i32
      %swap3A_294 = arith.index_cast %swap3A_293 : i32 to index
      %swap3A_295 = arith.index_cast %add3A_292 : i32 to index
      %swap3A_296 = arith.constant 16 : index
      %swap3A_297 = tpu.vector_load %arg7[%swap3A_294, %swap3A_295, %swap3A_296] {strides = array<i32>} : memref<2x1248x32xf32, #tpu.memory_space<vmem>>, vector<16xf32>,
      tpu.vector_store %arg7[%swap3A_294, %swap3A_295, %swap3A_296], %broadcast_in_dim3A_283 {strides = array<i32>} : memref<2x1248x32xf32, #tpu.memory_space<vmem>>, vector<16xf32>,
      %slice3A_298 = vector.extract_strided_slice %get3A_97 {offsets = [12], sizes = [1], strides = [1]} : vector<16xf32> to vector<1xf32>
      %squeeze3A_299 = vector.extract %slice3A_298[0] : f32 from vector<1xf32>
      %broadcast_in_dim3A_300 = vector.broadcast %squeeze3A_299 : f32 to vector<16xf32>
      %add3A_301 = arith.constant 384 : i32
      %add3A_302 = arith.addi %add3A_301, %scan3A_93 : i32
      %swap3A_303 = arith.constant 0 : i32
      %swap3A_304 = arith.index_cast %swap3A_303 : i32 to index
      %swap3A_305 = arith.index_cast %add3A_302 : i32 to index
      %swap3A_306 = arith.constant 0 : index
      %swap3A_307 = tpu.vector_load %arg7[%swap3A_304, %swap3A_305, %swap3A_306] {strides = array<i32>} : memref<2x1248x32xf32, #tpu.memory_space<vmem>>, vector<16xf32>,
      tpu.vector_store %arg7[%swap3A_304, %swap3A_305, %swap3A_306], %broadcast_in_dim3A_300 {strides = array<i32>} : memref<2x1248x32xf32, #tpu.memory_space<vmem>>, vector<16xf32>,
      %add3A_308 = arith.constant 384 : i32
      %add3A_309 = arith.addi %add3A_308, %scan3A_93 : i32
      %swap3A_310 = arith.constant 0 : i32
      %swap3A_311 = arith.index_cast %swap3A_310 : i32 to index
      %swap3A_312 = arith.index_cast %add3A_309 : i32 to index
      %swap3A_313 = arith.constant 16 : index
      %swap3A_314 = tpu.vector_load %arg7[%swap3A_311, %swap3A_312, %swap3A_313] {strides = array<i32>} : memref<2x1248x32xf32, #tpu.memory_space<vmem>>, vector<16xf32>,
      tpu.vector_store %arg7[%swap3A_311, %swap3A_312, %swap3A_313], %broadcast_in_dim3A_300 {strides = array<i32>} : memref<2x1248x32xf32, #tpu.memory_space<vmem>>, vector<16xf32>,
    }
    %scan3A_36 = arith.constant 32 : i32
    %scan3A_37 = arith.constant 0 : i32
    %scan3A_38 = arith.constant 0 : i32
    %scan3A_39 = arith.constant 26 : i32
    %scan3A_40 = arith.addi %scan3A_38, %scan3A_39 : i32
    %scan3A_41 = arith.constant 1 : i32
    scf.for %scan3A_93 = %scan3A_38 to %scan3A_40 step %scan3A_41  : i32 {
      %add3A_94 = arith.constant 13 : i32
      %add3A_95 = arith.addi %add3A_94, %scan3A_93 : i32
      %mul3A_96 = arith.constant 32 : i32
      %mul3A_97 = arith.muli %add3A_95, %mul3A_96 : i32
      %dma_wait3A = arith.constant 0 : i32
      %dma_wait3A_98 = arith.constant 0 : i32
      %dma_wait3A_99 = arith.constant 0 : i32
      %dma_wait3A_100 = tpu.memref_slice %arg7[%dma_wait3A_98, %mul3A_97, %dma_wait3A_99] : memref<2x1248x32xf32, #tpu.memory_space<vmem>> -> memref<1x32x32xf32, #tpu.memory_space<vmem>>
      %dma_wait3A_101 = tpu.memref_squeeze %dma_wait3A_100 : memref<1x32x32xf32, #tpu.memory_space<vmem>> -> memref<32x32xf32, #tpu.memory_space<vmem>>
      %dma_wait3A_102 = arith.constant 0 : i32
      %dma_wait3A_103 = tpu.memref_slice %arg6[%dma_wait3A, %scan3A_93, %dma_wait3A_102] : memref<2x26x32xi32, #tpu.memory_space<vmem>> -> memref<1x1x32xi32, #tpu.memory_space<vmem>>
      %dma_wait3A_104 = tpu.memref_squeeze %dma_wait3A_103 : memref<1x1x32xi32, #tpu.memory_space<vmem>> -> memref<32xi32, #tpu.memory_space<vmem>>
      %dma_wait3A_105 = arith.constant 0 : i32
      %dma_wait3A_106 = arith.constant 0 : i32
      %dma_wait3A_107 = tpu.memref_slice %arg3[%dma_wait3A_105, %dma_wait3A_106] : memref<2600000x32xf32, #tpu.memory_space<hbm>> -> memref<2600000x32xf32, #tpu.memory_space<hbm>>
      tpu.wait_indirect_dma semaphore(%arg8 : memref<!tpu.dma_semaphore, #tpu.memory_space<semaphore_mem>>) src(%dma_wait3A_107 : memref<2600000x32xf32, #tpu.memory_space<hbm>>) dst(%dma_wait3A_101 : memref<32x32xf32, #tpu.memory_space<vmem>>)
    }
    %scan3A_42 = arith.constant 26 : i32
    %add3A_43 = arith.constant 0 : i32
    %add3A_44 = arith.addi %mul3A_2, %add3A_43 : i32
    %scan3A_45 = arith.constant 0 : i32
    %scan3A_46 = arith.constant 0 : i32
    %scan3A_47 = arith.constant 39 : i32
    %scan3A_48 = arith.addi %scan3A_46, %scan3A_47 : i32
    %scan3A_49 = arith.constant 1 : i32
    scf.for %scan3A_93 = %scan3A_46 to %scan3A_48 step %scan3A_49  : i32 {
      %mul3A_94 = arith.constant 32 : i32
      %mul3A_95 = arith.muli %scan3A_93, %mul3A_94 : i32
      %dma_start3A = arith.constant 0 : i32
      %dma_start3A_96 = arith.constant 0 : i32
      %dma_start3A_97 = tpu.memref_slice %arg7[%dma_start3A, %mul3A_95, %dma_start3A_96] : memref<2x1248x32xf32, #tpu.memory_space<vmem>> -> memref<1x32x32xf32, #tpu.memory_space<vmem>>
      %dma_start3A_98 = tpu.memref_squeeze %dma_start3A_97 : memref<1x32x32xf32, #tpu.memory_space<vmem>> -> memref<32x32xf32, #tpu.memory_space<vmem>>
      %dma_start3A_99 = arith.constant 0 : i32
      %dma_start3A_100 = tpu.memref_slice %arg4[%add3A_44, %scan3A_93, %dma_start3A_99] : memref<16384x40x32xf32, #tpu.memory_space<hbm>> -> memref<32x1x32xf32, #tpu.memory_space<hbm>>
      %dma_start3A_101 = tpu.memref_squeeze %dma_start3A_100 : memref<32x1x32xf32, #tpu.memory_space<hbm>> -> memref<32x32xf32, #tpu.memory_space<hbm>>
      %dma_start3A_102 = arith.constant 0 : i32
      %dma_start3A_103 = tpu.memref_slice %arg4[%add3A_44, %scan3A_93, %dma_start3A_102] : memref<16384x40x32xf32, #tpu.memory_space<hbm>> -> memref<32x1x32xf32, #tpu.memory_space<hbm>>
      %dma_start3A_104 = tpu.memref_squeeze %dma_start3A_103 : memref<32x1x32xf32, #tpu.memory_space<hbm>> -> memref<32x32xf32, #tpu.memory_space<hbm>>
      %dma_start3A_105 = arith.constant 0 : i32
      %dma_start3A_106 = tpu.memref_slice %arg7[%dma_start3A, %mul3A_95, %dma_start3A_105] : memref<2x1248x32xf32, #tpu.memory_space<vmem>> -> memref<1x32x32xf32, #tpu.memory_space<vmem>>
      %dma_start3A_107 = tpu.memref_squeeze %dma_start3A_106 : memref<1x32x32xf32, #tpu.memory_space<vmem>> -> memref<32x32xf32, #tpu.memory_space<vmem>>
      tpu.enqueue_dma source(%dma_start3A_107 : memref<32x32xf32, #tpu.memory_space<vmem>>) target(%dma_start3A_104 : memref<32x32xf32, #tpu.memory_space<hbm>>) target_semaphore(%arg9 : memref<!tpu.dma_semaphore, #tpu.memory_space<semaphore_mem>>)
    }
    %scan3A_50 = arith.constant 39 : i32
    %scan3A_51 = arith.constant 0 : i32
    %scan3A_52 = arith.constant 1 : i32
    %scan3A_53 = arith.constant 14 : i32
    %scan3A_54 = arith.addi %scan3A_52, %scan3A_53 : i32
    %scan3A_55 = arith.constant 1 : i32
    scf.for %scan3A_93 = %scan3A_52 to %scan3A_54 step %scan3A_55  : i32 {
      %sub3A = arith.constant 1 : i32
      %sub3A_94 = arith.subi %scan3A_93, %sub3A : i32
      %jit3A = arith.constant 2 : i32
      %eq3A = arith.constant 0 : i32
      %eq3A_95 = arith.cmpi eq, %jit3A, %eq3A : i32
      %jit3A_96 = arith.constant 1 : i32
      %select_n3A = arith.select %eq3A_95, %jit3A_96, %jit3A : i32
      %rem3A = arith.remsi %sub3A_94, %select_n3A : i32
      %ne3A = arith.constant 0 : i32
      %ne3A_97 = arith.cmpi ne, %rem3A, %ne3A : i32
      %lt3A = arith.constant 0 : i32
      %lt3A_98 = arith.cmpi slt, %rem3A, %lt3A : i32
      %lt3A_99 = arith.constant 0 : i32
      %lt3A_100 = arith.cmpi slt, %select_n3A, %lt3A_99 : i32
      %ne3A_101 = arith.xori %lt3A_98, %lt3A_100 : i1
      %and3A = arith.andi %ne3A_101, %ne3A_97 : i1
      %add3A_102 = arith.addi %rem3A, %select_n3A : i32
      %select_n3A_103 = arith.select %and3A, %add3A_102, %rem3A : i32
      %mul3A_104 = arith.constant 32 : i32
      %mul3A_105 = arith.muli %sub3A_94, %mul3A_104 : i32
      %add3A_106 = arith.addi %mul3A_2, %mul3A_105 : i32
      %scan3A_107 = arith.constant 0 : i32
      %scan3A_108 = arith.constant 0 : i32
      %scan3A_109 = arith.constant 39 : i32
      %scan3A_110 = arith.addi %scan3A_108, %scan3A_109 : i32
      %scan3A_111 = arith.constant 1 : i32
      scf.for %scan3A_215 = %scan3A_108 to %scan3A_110 step %scan3A_111  : i32 {
        %mul3A_216 = arith.constant 32 : i32
        %mul3A_217 = arith.muli %scan3A_215, %mul3A_216 : i32
        %dma_wait3A = arith.constant 0 : i32
        %dma_wait3A_218 = tpu.memref_slice %arg7[%select_n3A_103, %mul3A_217, %dma_wait3A] : memref<2x1248x32xf32, #tpu.memory_space<vmem>> -> memref<1x32x32xf32, #tpu.memory_space<vmem>>
        %dma_wait3A_219 = tpu.memref_squeeze %dma_wait3A_218 : memref<1x32x32xf32, #tpu.memory_space<vmem>> -> memref<32x32xf32, #tpu.memory_space<vmem>>
        %dma_wait3A_220 = arith.constant 0 : i32
        %dma_wait3A_221 = tpu.memref_slice %arg4[%add3A_106, %scan3A_215, %dma_wait3A_220] : memref<16384x40x32xf32, #tpu.memory_space<hbm>> -> memref<32x1x32xf32, #tpu.memory_space<hbm>>
        %dma_wait3A_222 = tpu.memref_squeeze %dma_wait3A_221 : memref<32x1x32xf32, #tpu.memory_space<hbm>> -> memref<32x32xf32, #tpu.memory_space<hbm>>
        %dma_wait3A_223 = arith.constant 0 : i32
        %dma_wait3A_224 = tpu.memref_slice %arg4[%add3A_106, %scan3A_215, %dma_wait3A_223] : memref<16384x40x32xf32, #tpu.memory_space<hbm>> -> memref<32x1x32xf32, #tpu.memory_space<hbm>>
        %dma_wait3A_225 = tpu.memref_squeeze %dma_wait3A_224 : memref<32x1x32xf32, #tpu.memory_space<hbm>> -> memref<32x32xf32, #tpu.memory_space<hbm>>
        %dma_wait3A_226 = arith.constant 0 : i32
        %dma_wait3A_227 = tpu.memref_slice %arg7[%select_n3A_103, %mul3A_217, %dma_wait3A_226] : memref<2x1248x32xf32, #tpu.memory_space<vmem>> -> memref<1x32x32xf32, #tpu.memory_space<vmem>>
        %dma_wait3A_228 = tpu.memref_squeeze %dma_wait3A_227 : memref<1x32x32xf32, #tpu.memory_space<vmem>> -> memref<32x32xf32, #tpu.memory_space<vmem>>
        tpu.wait_dma2 semaphore(%arg9 : memref<!tpu.dma_semaphore, #tpu.memory_space<semaphore_mem>>) src(%dma_wait3A_228 : memref<32x32xf32, #tpu.memory_space<vmem>>) dst(%dma_wait3A_225 : memref<32x32xf32, #tpu.memory_space<hbm>>)
      }
      %scan3A_112 = arith.constant 39 : i32
      %add3A_113 = arith.constant 1 : i32
      %add3A_114 = arith.addi %scan3A_93, %add3A_113 : i32
      %jit3A_115 = arith.constant 2 : i32
      %eq3A_116 = arith.constant 0 : i32
      %eq3A_117 = arith.cmpi eq, %jit3A_115, %eq3A_116 : i32
      %jit3A_118 = arith.constant 1 : i32
      %select_n3A_119 = arith.select %eq3A_117, %jit3A_118, %jit3A_115 : i32
      %rem3A_120 = arith.remsi %add3A_114, %select_n3A_119 : i32
      %ne3A_121 = arith.constant 0 : i32
      %ne3A_122 = arith.cmpi ne, %rem3A_120, %ne3A_121 : i32
      %lt3A_123 = arith.constant 0 : i32
      %lt3A_124 = arith.cmpi slt, %rem3A_120, %lt3A_123 : i32
      %lt3A_125 = arith.constant 0 : i32
      %lt3A_126 = arith.cmpi slt, %select_n3A_119, %lt3A_125 : i32
      %ne3A_127 = arith.xori %lt3A_124, %lt3A_126 : i1
      %and3A_128 = arith.andi %ne3A_127, %ne3A_122 : i1
      %add3A_129 = arith.addi %rem3A_120, %select_n3A_119 : i32
      %select_n3A_130 = arith.select %and3A_128, %add3A_129, %rem3A_120 : i32
      %mul3A_131 = arith.constant 32 : i32
      %mul3A_132 = arith.muli %add3A_114, %mul3A_131 : i32
      %add3A_133 = arith.addi %mul3A_2, %mul3A_132 : i32
      "tpu.region"() ({
        %run_scoped3A_215 = tpu.sem_alloc : memref<!tpu.dma_semaphore, #tpu.memory_space<semaphore_mem>>
        %dma_start3A = arith.constant 0 : i32
        %dma_start3A_216 = arith.constant 0 : i32
        %dma_start3A_217 = tpu.memref_slice %arg5[%select_n3A_130, %dma_start3A, %dma_start3A_216] : memref<2x32x40xf32, #tpu.memory_space<vmem>> -> memref<1x32x40xf32, #tpu.memory_space<vmem>>
        %dma_start3A_218 = tpu.memref_squeeze %dma_start3A_217 : memref<1x32x40xf32, #tpu.memory_space<vmem>> -> memref<32x40xf32, #tpu.memory_space<vmem>>
        %dma_start3A_219 = arith.constant 0 : i32
        %dma_start3A_220 = tpu.memref_slice %arg2[%add3A_133, %dma_start3A_219] : memref<16384x40xf32, #tpu.memory_space<hbm>> -> memref<32x40xf32, #tpu.memory_space<hbm>>
        %dma_start3A_221 = arith.constant 0 : i32
        %dma_start3A_222 = arith.constant 0 : i32
        %dma_start3A_223 = tpu.memref_slice %arg5[%select_n3A_130, %dma_start3A_221, %dma_start3A_222] : memref<2x32x40xf32, #tpu.memory_space<vmem>> -> memref<1x32x40xf32, #tpu.memory_space<vmem>>
        %dma_start3A_224 = tpu.memref_squeeze %dma_start3A_223 : memref<1x32x40xf32, #tpu.memory_space<vmem>> -> memref<32x40xf32, #tpu.memory_space<vmem>>
        %dma_start3A_225 = arith.constant 0 : i32
        %dma_start3A_226 = tpu.memref_slice %arg2[%add3A_133, %dma_start3A_225] : memref<16384x40xf32, #tpu.memory_space<hbm>> -> memref<32x40xf32, #tpu.memory_space<hbm>>
        tpu.enqueue_dma source(%dma_start3A_226 : memref<32x40xf32, #tpu.memory_space<hbm>>) target(%dma_start3A_224 : memref<32x40xf32, #tpu.memory_space<vmem>>) target_semaphore(%run_scoped3A_215 : memref<!tpu.dma_semaphore, #tpu.memory_space<semaphore_mem>>)
        %dma_wait3A = arith.constant 0 : i32
        %dma_wait3A_227 = arith.constant 0 : i32
        %dma_wait3A_228 = tpu.memref_slice %arg5[%select_n3A_130, %dma_wait3A, %dma_wait3A_227] : memref<2x32x40xf32, #tpu.memory_space<vmem>> -> memref<1x32x40xf32, #tpu.memory_space<vmem>>
        %dma_wait3A_229 = tpu.memref_squeeze %dma_wait3A_228 : memref<1x32x40xf32, #tpu.memory_space<vmem>> -> memref<32x40xf32, #tpu.memory_space<vmem>>
        %dma_wait3A_230 = arith.constant 0 : i32
        %dma_wait3A_231 = tpu.memref_slice %arg2[%add3A_133, %dma_wait3A_230] : memref<16384x40xf32, #tpu.memory_space<hbm>> -> memref<32x40xf32, #tpu.memory_space<hbm>>
        %dma_wait3A_232 = arith.constant 0 : i32
        %dma_wait3A_233 = arith.constant 0 : i32
        %dma_wait3A_234 = tpu.memref_slice %arg5[%select_n3A_130, %dma_wait3A_232, %dma_wait3A_233] : memref<2x32x40xf32, #tpu.memory_space<vmem>> -> memref<1x32x40xf32, #tpu.memory_space<vmem>>
        %dma_wait3A_235 = tpu.memref_squeeze %dma_wait3A_234 : memref<1x32x40xf32, #tpu.memory_space<vmem>> -> memref<32x40xf32, #tpu.memory_space<vmem>>
        %dma_wait3A_236 = arith.constant 0 : i32
        %dma_wait3A_237 = tpu.memref_slice %arg2[%add3A_133, %dma_wait3A_236] : memref<16384x40xf32, #tpu.memory_space<hbm>> -> memref<32x40xf32, #tpu.memory_space<hbm>>
        tpu.wait_dma2 semaphore(%run_scoped3A_215 : memref<!tpu.dma_semaphore, #tpu.memory_space<semaphore_mem>>) src(%dma_wait3A_237 : memref<32x40xf32, #tpu.memory_space<hbm>>) dst(%dma_wait3A_235 : memref<32x40xf32, #tpu.memory_space<vmem>>)
        tpu.yield
      }) : () -> ()
      %scan3A_134 = arith.constant 0 : i32
      %scan3A_135 = arith.constant 0 : i32
      %scan3A_136 = arith.constant 26 : i32
      %scan3A_137 = arith.addi %scan3A_135, %scan3A_136 : i32
      %scan3A_138 = arith.constant 1 : i32
      scf.for %scan3A_215 = %scan3A_135 to %scan3A_137 step %scan3A_138  : i32 {
        %add3A_216 = arith.constant 13 : i32
        %add3A_217 = arith.addi %add3A_216, %scan3A_215 : i32
        %broadcast_in_dim3A = vector.broadcast %add3A_217 : i32 to vector<16xi32>
        %mul3A_218 = arith.constant 100000 : i32
        %mul3A_219 = arith.muli %scan3A_215, %mul3A_218 : i32
        %add3A_220 = arith.constant 0 : i32
        %add3A_221 = vector.broadcast %add3A_220 : i32 to vector<16xi32>
        %add3A_222 = arith.addi %add3A_221, %iota3A : vector<16xi32>
        %gather3A = arith.constant 0 : i32
        %gather3A_223 = arith.constant 0 : i32
        %gather3A_224 = tpu.memref_slice %arg5[%select_n3A_130, %gather3A, %gather3A_223] : memref<2x32x40xf32, #tpu.memory_space<vmem>> -> memref<1x32x40xf32, #tpu.memory_space<vmem>>
        %gather3A_225 = tpu.memref_squeeze %gather3A_224 : memref<1x32x40xf32, #tpu.memory_space<vmem>> -> memref<32x40xf32, #tpu.memory_space<vmem>>
        %gather3A_226 = tpu.vector_load_idx %gather3A_225[%add3A_222, %broadcast_in_dim3A] : memref<32x40xf32, #tpu.memory_space<vmem>>[vector<16xi32>, vector<16xi32>], vector<16xf32>,
        %convert_element_type3A = arith.fptosi %gather3A_226 : vector<16xf32> to vector<16xi32>
        %add3A_227 = vector.broadcast %mul3A_219 : i32 to vector<16xi32>
        %add3A_228 = arith.addi %convert_element_type3A, %add3A_227 : vector<16xi32>
        %swap3A = arith.index_cast %select_n3A_130 : i32 to index
        %swap3A_229 = arith.index_cast %scan3A_215 : i32 to index
        %swap3A_230 = arith.constant 0 : index
        %swap3A_231 = tpu.vector_load %arg6[%swap3A, %swap3A_229, %swap3A_230] {strides = array<i32>} : memref<2x26x32xi32, #tpu.memory_space<vmem>>, vector<16xi32>,
        tpu.vector_store %arg6[%swap3A, %swap3A_229, %swap3A_230], %add3A_228 {strides = array<i32>} : memref<2x26x32xi32, #tpu.memory_space<vmem>>, vector<16xi32>,
        %add3A_232 = arith.constant 16 : i32
        %add3A_233 = vector.broadcast %add3A_232 : i32 to vector<16xi32>
        %add3A_234 = arith.addi %add3A_233, %iota3A : vector<16xi32>
        %gather3A_235 = arith.constant 0 : i32
        %gather3A_236 = arith.constant 0 : i32
        %gather3A_237 = tpu.memref_slice %arg5[%select_n3A_130, %gather3A_235, %gather3A_236] : memref<2x32x40xf32, #tpu.memory_space<vmem>> -> memref<1x32x40xf32, #tpu.memory_space<vmem>>
        %gather3A_238 = tpu.memref_squeeze %gather3A_237 : memref<1x32x40xf32, #tpu.memory_space<vmem>> -> memref<32x40xf32, #tpu.memory_space<vmem>>
        %gather3A_239 = tpu.vector_load_idx %gather3A_238[%add3A_234, %broadcast_in_dim3A] : memref<32x40xf32, #tpu.memory_space<vmem>>[vector<16xi32>, vector<16xi32>], vector<16xf32>,
        %convert_element_type3A_240 = arith.fptosi %gather3A_239 : vector<16xf32> to vector<16xi32>
        %add3A_241 = vector.broadcast %mul3A_219 : i32 to vector<16xi32>
        %add3A_242 = arith.addi %convert_element_type3A_240, %add3A_241 : vector<16xi32>
        %swap3A_243 = arith.index_cast %select_n3A_130 : i32 to index
        %swap3A_244 = arith.index_cast %scan3A_215 : i32 to index
        %swap3A_245 = arith.constant 16 : index
        %swap3A_246 = tpu.vector_load %arg6[%swap3A_243, %swap3A_244, %swap3A_245] {strides = array<i32>} : memref<2x26x32xi32, #tpu.memory_space<vmem>>, vector<16xi32>,
        tpu.vector_store %arg6[%swap3A_243, %swap3A_244, %swap3A_245], %add3A_242 {strides = array<i32>} : memref<2x26x32xi32, #tpu.memory_space<vmem>>, vector<16xi32>,
      }
      %scan3A_139 = arith.constant 26 : i32
      %scan3A_140 = arith.constant 0 : i32
      %scan3A_141 = arith.constant 0 : i32
      %scan3A_142 = arith.constant 26 : i32
      %scan3A_143 = arith.addi %scan3A_141, %scan3A_142 : i32
      %scan3A_144 = arith.constant 1 : i32
      scf.for %scan3A_215 = %scan3A_141 to %scan3A_143 step %scan3A_144  : i32 {
        %add3A_216 = arith.constant 13 : i32
        %add3A_217 = arith.addi %add3A_216, %scan3A_215 : i32
        %mul3A_218 = arith.constant 32 : i32
        %mul3A_219 = arith.muli %add3A_217, %mul3A_218 : i32
        %dma_start3A = arith.constant 0 : i32
        %dma_start3A_220 = tpu.memref_slice %arg7[%select_n3A_130, %mul3A_219, %dma_start3A] : memref<2x1248x32xf32, #tpu.memory_space<vmem>> -> memref<1x32x32xf32, #tpu.memory_space<vmem>>
        %dma_start3A_221 = tpu.memref_squeeze %dma_start3A_220 : memref<1x32x32xf32, #tpu.memory_space<vmem>> -> memref<32x32xf32, #tpu.memory_space<vmem>>
        %dma_start3A_222 = arith.constant 0 : i32
        %dma_start3A_223 = tpu.memref_slice %arg6[%select_n3A_130, %scan3A_215, %dma_start3A_222] : memref<2x26x32xi32, #tpu.memory_space<vmem>> -> memref<1x1x32xi32, #tpu.memory_space<vmem>>
        %dma_start3A_224 = tpu.memref_squeeze %dma_start3A_223 : memref<1x1x32xi32, #tpu.memory_space<vmem>> -> memref<32xi32, #tpu.memory_space<vmem>>
        %dma_start3A_225 = arith.constant 0 : i32
        %dma_start3A_226 = arith.constant 0 : i32
        %dma_start3A_227 = tpu.memref_slice %arg3[%dma_start3A_225, %dma_start3A_226] : memref<2600000x32xf32, #tpu.memory_space<hbm>> -> memref<2600000x32xf32, #tpu.memory_space<hbm>>
        tpu.enqueue_indirect_dma source(%dma_start3A_227 : memref<2600000x32xf32, #tpu.memory_space<hbm>>) target(%dma_start3A_221 : memref<32x32xf32, #tpu.memory_space<vmem>>) offsets(%dma_start3A_224 : memref<32xi32, #tpu.memory_space<vmem>>) semaphore(%arg8 : memref<!tpu.dma_semaphore, #tpu.memory_space<semaphore_mem>>)
      }
      %scan3A_145 = arith.constant 26 : i32
      %jit3A_146 = arith.constant 2 : i32
      %eq3A_147 = arith.constant 0 : i32
      %eq3A_148 = arith.cmpi eq, %jit3A_146, %eq3A_147 : i32
      %jit3A_149 = arith.constant 1 : i32
      %select_n3A_150 = arith.select %eq3A_148, %jit3A_149, %jit3A_146 : i32
      %rem3A_151 = arith.remsi %scan3A_93, %select_n3A_150 : i32
      %ne3A_152 = arith.constant 0 : i32
      %ne3A_153 = arith.cmpi ne, %rem3A_151, %ne3A_152 : i32
      %lt3A_154 = arith.constant 0 : i32
      %lt3A_155 = arith.cmpi slt, %rem3A_151, %lt3A_154 : i32
      %lt3A_156 = arith.constant 0 : i32
      %lt3A_157 = arith.cmpi slt, %select_n3A_150, %lt3A_156 : i32
      %ne3A_158 = arith.xori %lt3A_155, %lt3A_157 : i1
      %and3A_159 = arith.andi %ne3A_158, %ne3A_153 : i1
      %add3A_160 = arith.addi %rem3A_151, %select_n3A_150 : i32
      %select_n3A_161 = arith.select %and3A_159, %add3A_160, %rem3A_151 : i32
      %scan3A_162 = arith.constant 0 : i32
      %scan3A_163 = arith.constant 0 : i32
      %scan3A_164 = arith.constant 32 : i32
      %scan3A_165 = arith.addi %scan3A_163, %scan3A_164 : i32
      %scan3A_166 = arith.constant 1 : i32
      scf.for %scan3A_215 = %scan3A_163 to %scan3A_165 step %scan3A_166  : i32 {
        %get3A = arith.index_cast %select_n3A_161 : i32 to index
        %get3A_216 = arith.index_cast %scan3A_215 : i32 to index
        %get3A_217 = arith.constant 0 : index
        %get3A_218 = tpu.vector_load %arg5[%get3A, %get3A_216, %get3A_217] {strides = array<i32>} : memref<2x32x40xf32, #tpu.memory_space<vmem>>, vector<16xf32>,
        %slice3A = vector.extract_strided_slice %get3A_218 {offsets = [0], sizes = [1], strides = [1]} : vector<16xf32> to vector<1xf32>
        %squeeze3A = vector.extract %slice3A[0] : f32 from vector<1xf32>
        %broadcast_in_dim3A = vector.broadcast %squeeze3A : f32 to vector<16xf32>
        %add3A_219 = arith.constant 0 : i32
        %add3A_220 = arith.addi %add3A_219, %scan3A_215 : i32
        %swap3A = arith.index_cast %select_n3A_161 : i32 to index
        %swap3A_221 = arith.index_cast %add3A_220 : i32 to index
        %swap3A_222 = arith.constant 0 : index
        %swap3A_223 = tpu.vector_load %arg7[%swap3A, %swap3A_221, %swap3A_222] {strides = array<i32>} : memref<2x1248x32xf32, #tpu.memory_space<vmem>>, vector<16xf32>,
        tpu.vector_store %arg7[%swap3A, %swap3A_221, %swap3A_222], %broadcast_in_dim3A {strides = array<i32>} : memref<2x1248x32xf32, #tpu.memory_space<vmem>>, vector<16xf32>,
        %add3A_224 = arith.constant 0 : i32
        %add3A_225 = arith.addi %add3A_224, %scan3A_215 : i32
        %swap3A_226 = arith.index_cast %select_n3A_161 : i32 to index
        %swap3A_227 = arith.index_cast %add3A_225 : i32 to index
        %swap3A_228 = arith.constant 16 : index
        %swap3A_229 = tpu.vector_load %arg7[%swap3A_226, %swap3A_227, %swap3A_228] {strides = array<i32>} : memref<2x1248x32xf32, #tpu.memory_space<vmem>>, vector<16xf32>,
        tpu.vector_store %arg7[%swap3A_226, %swap3A_227, %swap3A_228], %broadcast_in_dim3A {strides = array<i32>} : memref<2x1248x32xf32, #tpu.memory_space<vmem>>, vector<16xf32>,
        %slice3A_230 = vector.extract_strided_slice %get3A_218 {offsets = [1], sizes = [1], strides = [1]} : vector<16xf32> to vector<1xf32>
        %squeeze3A_231 = vector.extract %slice3A_230[0] : f32 from vector<1xf32>
        %broadcast_in_dim3A_232 = vector.broadcast %squeeze3A_231 : f32 to vector<16xf32>
        %add3A_233 = arith.constant 32 : i32
        %add3A_234 = arith.addi %add3A_233, %scan3A_215 : i32
        %swap3A_235 = arith.index_cast %select_n3A_161 : i32 to index
        %swap3A_236 = arith.index_cast %add3A_234 : i32 to index
        %swap3A_237 = arith.constant 0 : index
        %swap3A_238 = tpu.vector_load %arg7[%swap3A_235, %swap3A_236, %swap3A_237] {strides = array<i32>} : memref<2x1248x32xf32, #tpu.memory_space<vmem>>, vector<16xf32>,
        tpu.vector_store %arg7[%swap3A_235, %swap3A_236, %swap3A_237], %broadcast_in_dim3A_232 {strides = array<i32>} : memref<2x1248x32xf32, #tpu.memory_space<vmem>>, vector<16xf32>,
        %add3A_239 = arith.constant 32 : i32
        %add3A_240 = arith.addi %add3A_239, %scan3A_215 : i32
        %swap3A_241 = arith.index_cast %select_n3A_161 : i32 to index
        %swap3A_242 = arith.index_cast %add3A_240 : i32 to index
        %swap3A_243 = arith.constant 16 : index
        %swap3A_244 = tpu.vector_load %arg7[%swap3A_241, %swap3A_242, %swap3A_243] {strides = array<i32>} : memref<2x1248x32xf32, #tpu.memory_space<vmem>>, vector<16xf32>,
        tpu.vector_store %arg7[%swap3A_241, %swap3A_242, %swap3A_243], %broadcast_in_dim3A_232 {strides = array<i32>} : memref<2x1248x32xf32, #tpu.memory_space<vmem>>, vector<16xf32>,
        %slice3A_245 = vector.extract_strided_slice %get3A_218 {offsets = [2], sizes = [1], strides = [1]} : vector<16xf32> to vector<1xf32>
        %squeeze3A_246 = vector.extract %slice3A_245[0] : f32 from vector<1xf32>
        %broadcast_in_dim3A_247 = vector.broadcast %squeeze3A_246 : f32 to vector<16xf32>
        %add3A_248 = arith.constant 64 : i32
        %add3A_249 = arith.addi %add3A_248, %scan3A_215 : i32
        %swap3A_250 = arith.index_cast %select_n3A_161 : i32 to index
        %swap3A_251 = arith.index_cast %add3A_249 : i32 to index
        %swap3A_252 = arith.constant 0 : index
        %swap3A_253 = tpu.vector_load %arg7[%swap3A_250, %swap3A_251, %swap3A_252] {strides = array<i32>} : memref<2x1248x32xf32, #tpu.memory_space<vmem>>, vector<16xf32>,
        tpu.vector_store %arg7[%swap3A_250, %swap3A_251, %swap3A_252], %broadcast_in_dim3A_247 {strides = array<i32>} : memref<2x1248x32xf32, #tpu.memory_space<vmem>>, vector<16xf32>,
        %add3A_254 = arith.constant 64 : i32
        %add3A_255 = arith.addi %add3A_254, %scan3A_215 : i32
        %swap3A_256 = arith.index_cast %select_n3A_161 : i32 to index
        %swap3A_257 = arith.index_cast %add3A_255 : i32 to index
        %swap3A_258 = arith.constant 16 : index
        %swap3A_259 = tpu.vector_load %arg7[%swap3A_256, %swap3A_257, %swap3A_258] {strides = array<i32>} : memref<2x1248x32xf32, #tpu.memory_space<vmem>>, vector<16xf32>,
        tpu.vector_store %arg7[%swap3A_256, %swap3A_257, %swap3A_258], %broadcast_in_dim3A_247 {strides = array<i32>} : memref<2x1248x32xf32, #tpu.memory_space<vmem>>, vector<16xf32>,
        %slice3A_260 = vector.extract_strided_slice %get3A_218 {offsets = [3], sizes = [1], strides = [1]} : vector<16xf32> to vector<1xf32>
        %squeeze3A_261 = vector.extract %slice3A_260[0] : f32 from vector<1xf32>
        %broadcast_in_dim3A_262 = vector.broadcast %squeeze3A_261 : f32 to vector<16xf32>
        %add3A_263 = arith.constant 96 : i32
        %add3A_264 = arith.addi %add3A_263, %scan3A_215 : i32
        %swap3A_265 = arith.index_cast %select_n3A_161 : i32 to index
        %swap3A_266 = arith.index_cast %add3A_264 : i32 to index
        %swap3A_267 = arith.constant 0 : index
        %swap3A_268 = tpu.vector_load %arg7[%swap3A_265, %swap3A_266, %swap3A_267] {strides = array<i32>} : memref<2x1248x32xf32, #tpu.memory_space<vmem>>, vector<16xf32>,
        tpu.vector_store %arg7[%swap3A_265, %swap3A_266, %swap3A_267], %broadcast_in_dim3A_262 {strides = array<i32>} : memref<2x1248x32xf32, #tpu.memory_space<vmem>>, vector<16xf32>,
        %add3A_269 = arith.constant 96 : i32
        %add3A_270 = arith.addi %add3A_269, %scan3A_215 : i32
        %swap3A_271 = arith.index_cast %select_n3A_161 : i32 to index
        %swap3A_272 = arith.index_cast %add3A_270 : i32 to index
        %swap3A_273 = arith.constant 16 : index
        %swap3A_274 = tpu.vector_load %arg7[%swap3A_271, %swap3A_272, %swap3A_273] {strides = array<i32>} : memref<2x1248x32xf32, #tpu.memory_space<vmem>>, vector<16xf32>,
        tpu.vector_store %arg7[%swap3A_271, %swap3A_272, %swap3A_273], %broadcast_in_dim3A_262 {strides = array<i32>} : memref<2x1248x32xf32, #tpu.memory_space<vmem>>, vector<16xf32>,
        %slice3A_275 = vector.extract_strided_slice %get3A_218 {offsets = [4], sizes = [1], strides = [1]} : vector<16xf32> to vector<1xf32>
        %squeeze3A_276 = vector.extract %slice3A_275[0] : f32 from vector<1xf32>
        %broadcast_in_dim3A_277 = vector.broadcast %squeeze3A_276 : f32 to vector<16xf32>
        %add3A_278 = arith.constant 128 : i32
        %add3A_279 = arith.addi %add3A_278, %scan3A_215 : i32
        %swap3A_280 = arith.index_cast %select_n3A_161 : i32 to index
        %swap3A_281 = arith.index_cast %add3A_279 : i32 to index
        %swap3A_282 = arith.constant 0 : index
        %swap3A_283 = tpu.vector_load %arg7[%swap3A_280, %swap3A_281, %swap3A_282] {strides = array<i32>} : memref<2x1248x32xf32, #tpu.memory_space<vmem>>, vector<16xf32>,
        tpu.vector_store %arg7[%swap3A_280, %swap3A_281, %swap3A_282], %broadcast_in_dim3A_277 {strides = array<i32>} : memref<2x1248x32xf32, #tpu.memory_space<vmem>>, vector<16xf32>,
        %add3A_284 = arith.constant 128 : i32
        %add3A_285 = arith.addi %add3A_284, %scan3A_215 : i32
        %swap3A_286 = arith.index_cast %select_n3A_161 : i32 to index
        %swap3A_287 = arith.index_cast %add3A_285 : i32 to index
        %swap3A_288 = arith.constant 16 : index
        %swap3A_289 = tpu.vector_load %arg7[%swap3A_286, %swap3A_287, %swap3A_288] {strides = array<i32>} : memref<2x1248x32xf32, #tpu.memory_space<vmem>>, vector<16xf32>,
        tpu.vector_store %arg7[%swap3A_286, %swap3A_287, %swap3A_288], %broadcast_in_dim3A_277 {strides = array<i32>} : memref<2x1248x32xf32, #tpu.memory_space<vmem>>, vector<16xf32>,
        %slice3A_290 = vector.extract_strided_slice %get3A_218 {offsets = [5], sizes = [1], strides = [1]} : vector<16xf32> to vector<1xf32>
        %squeeze3A_291 = vector.extract %slice3A_290[0] : f32 from vector<1xf32>
        %broadcast_in_dim3A_292 = vector.broadcast %squeeze3A_291 : f32 to vector<16xf32>
        %add3A_293 = arith.constant 160 : i32
        %add3A_294 = arith.addi %add3A_293, %scan3A_215 : i32
        %swap3A_295 = arith.index_cast %select_n3A_161 : i32 to index
        %swap3A_296 = arith.index_cast %add3A_294 : i32 to index
        %swap3A_297 = arith.constant 0 : index
        %swap3A_298 = tpu.vector_load %arg7[%swap3A_295, %swap3A_296, %swap3A_297] {strides = array<i32>} : memref<2x1248x32xf32, #tpu.memory_space<vmem>>, vector<16xf32>,
        tpu.vector_store %arg7[%swap3A_295, %swap3A_296, %swap3A_297], %broadcast_in_dim3A_292 {strides = array<i32>} : memref<2x1248x32xf32, #tpu.memory_space<vmem>>, vector<16xf32>,
        %add3A_299 = arith.constant 160 : i32
        %add3A_300 = arith.addi %add3A_299, %scan3A_215 : i32
        %swap3A_301 = arith.index_cast %select_n3A_161 : i32 to index
        %swap3A_302 = arith.index_cast %add3A_300 : i32 to index
        %swap3A_303 = arith.constant 16 : index
        %swap3A_304 = tpu.vector_load %arg7[%swap3A_301, %swap3A_302, %swap3A_303] {strides = array<i32>} : memref<2x1248x32xf32, #tpu.memory_space<vmem>>, vector<16xf32>,
        tpu.vector_store %arg7[%swap3A_301, %swap3A_302, %swap3A_303], %broadcast_in_dim3A_292 {strides = array<i32>} : memref<2x1248x32xf32, #tpu.memory_space<vmem>>, vector<16xf32>,
        %slice3A_305 = vector.extract_strided_slice %get3A_218 {offsets = [6], sizes = [1], strides = [1]} : vector<16xf32> to vector<1xf32>
        %squeeze3A_306 = vector.extract %slice3A_305[0] : f32 from vector<1xf32>
        %broadcast_in_dim3A_307 = vector.broadcast %squeeze3A_306 : f32 to vector<16xf32>
        %add3A_308 = arith.constant 192 : i32
        %add3A_309 = arith.addi %add3A_308, %scan3A_215 : i32
        %swap3A_310 = arith.index_cast %select_n3A_161 : i32 to index
        %swap3A_311 = arith.index_cast %add3A_309 : i32 to index
        %swap3A_312 = arith.constant 0 : index
        %swap3A_313 = tpu.vector_load %arg7[%swap3A_310, %swap3A_311, %swap3A_312] {strides = array<i32>} : memref<2x1248x32xf32, #tpu.memory_space<vmem>>, vector<16xf32>,
        tpu.vector_store %arg7[%swap3A_310, %swap3A_311, %swap3A_312], %broadcast_in_dim3A_307 {strides = array<i32>} : memref<2x1248x32xf32, #tpu.memory_space<vmem>>, vector<16xf32>,
        %add3A_314 = arith.constant 192 : i32
        %add3A_315 = arith.addi %add3A_314, %scan3A_215 : i32
        %swap3A_316 = arith.index_cast %select_n3A_161 : i32 to index
        %swap3A_317 = arith.index_cast %add3A_315 : i32 to index
        %swap3A_318 = arith.constant 16 : index
        %swap3A_319 = tpu.vector_load %arg7[%swap3A_316, %swap3A_317, %swap3A_318] {strides = array<i32>} : memref<2x1248x32xf32, #tpu.memory_space<vmem>>, vector<16xf32>,
        tpu.vector_store %arg7[%swap3A_316, %swap3A_317, %swap3A_318], %broadcast_in_dim3A_307 {strides = array<i32>} : memref<2x1248x32xf32, #tpu.memory_space<vmem>>, vector<16xf32>,
        %slice3A_320 = vector.extract_strided_slice %get3A_218 {offsets = [7], sizes = [1], strides = [1]} : vector<16xf32> to vector<1xf32>
        %squeeze3A_321 = vector.extract %slice3A_320[0] : f32 from vector<1xf32>
        %broadcast_in_dim3A_322 = vector.broadcast %squeeze3A_321 : f32 to vector<16xf32>
        %add3A_323 = arith.constant 224 : i32
        %add3A_324 = arith.addi %add3A_323, %scan3A_215 : i32
        %swap3A_325 = arith.index_cast %select_n3A_161 : i32 to index
        %swap3A_326 = arith.index_cast %add3A_324 : i32 to index
        %swap3A_327 = arith.constant 0 : index
        %swap3A_328 = tpu.vector_load %arg7[%swap3A_325, %swap3A_326, %swap3A_327] {strides = array<i32>} : memref<2x1248x32xf32, #tpu.memory_space<vmem>>, vector<16xf32>,
        tpu.vector_store %arg7[%swap3A_325, %swap3A_326, %swap3A_327], %broadcast_in_dim3A_322 {strides = array<i32>} : memref<2x1248x32xf32, #tpu.memory_space<vmem>>, vector<16xf32>,
        %add3A_329 = arith.constant 224 : i32
        %add3A_330 = arith.addi %add3A_329, %scan3A_215 : i32
        %swap3A_331 = arith.index_cast %select_n3A_161 : i32 to index
        %swap3A_332 = arith.index_cast %add3A_330 : i32 to index
        %swap3A_333 = arith.constant 16 : index
        %swap3A_334 = tpu.vector_load %arg7[%swap3A_331, %swap3A_332, %swap3A_333] {strides = array<i32>} : memref<2x1248x32xf32, #tpu.memory_space<vmem>>, vector<16xf32>,
        tpu.vector_store %arg7[%swap3A_331, %swap3A_332, %swap3A_333], %broadcast_in_dim3A_322 {strides = array<i32>} : memref<2x1248x32xf32, #tpu.memory_space<vmem>>, vector<16xf32>,
        %slice3A_335 = vector.extract_strided_slice %get3A_218 {offsets = [8], sizes = [1], strides = [1]} : vector<16xf32> to vector<1xf32>
        %squeeze3A_336 = vector.extract %slice3A_335[0] : f32 from vector<1xf32>
        %broadcast_in_dim3A_337 = vector.broadcast %squeeze3A_336 : f32 to vector<16xf32>
        %add3A_338 = arith.constant 256 : i32
        %add3A_339 = arith.addi %add3A_338, %scan3A_215 : i32
        %swap3A_340 = arith.index_cast %select_n3A_161 : i32 to index
        %swap3A_341 = arith.index_cast %add3A_339 : i32 to index
        %swap3A_342 = arith.constant 0 : index
        %swap3A_343 = tpu.vector_load %arg7[%swap3A_340, %swap3A_341, %swap3A_342] {strides = array<i32>} : memref<2x1248x32xf32, #tpu.memory_space<vmem>>, vector<16xf32>,
        tpu.vector_store %arg7[%swap3A_340, %swap3A_341, %swap3A_342], %broadcast_in_dim3A_337 {strides = array<i32>} : memref<2x1248x32xf32, #tpu.memory_space<vmem>>, vector<16xf32>,
        %add3A_344 = arith.constant 256 : i32
        %add3A_345 = arith.addi %add3A_344, %scan3A_215 : i32
        %swap3A_346 = arith.index_cast %select_n3A_161 : i32 to index
        %swap3A_347 = arith.index_cast %add3A_345 : i32 to index
        %swap3A_348 = arith.constant 16 : index
        %swap3A_349 = tpu.vector_load %arg7[%swap3A_346, %swap3A_347, %swap3A_348] {strides = array<i32>} : memref<2x1248x32xf32, #tpu.memory_space<vmem>>, vector<16xf32>,
        tpu.vector_store %arg7[%swap3A_346, %swap3A_347, %swap3A_348], %broadcast_in_dim3A_337 {strides = array<i32>} : memref<2x1248x32xf32, #tpu.memory_space<vmem>>, vector<16xf32>,
        %slice3A_350 = vector.extract_strided_slice %get3A_218 {offsets = [9], sizes = [1], strides = [1]} : vector<16xf32> to vector<1xf32>
        %squeeze3A_351 = vector.extract %slice3A_350[0] : f32 from vector<1xf32>
        %broadcast_in_dim3A_352 = vector.broadcast %squeeze3A_351 : f32 to vector<16xf32>
        %add3A_353 = arith.constant 288 : i32
        %add3A_354 = arith.addi %add3A_353, %scan3A_215 : i32
        %swap3A_355 = arith.index_cast %select_n3A_161 : i32 to index
        %swap3A_356 = arith.index_cast %add3A_354 : i32 to index
        %swap3A_357 = arith.constant 0 : index
        %swap3A_358 = tpu.vector_load %arg7[%swap3A_355, %swap3A_356, %swap3A_357] {strides = array<i32>} : memref<2x1248x32xf32, #tpu.memory_space<vmem>>, vector<16xf32>,
        tpu.vector_store %arg7[%swap3A_355, %swap3A_356, %swap3A_357], %broadcast_in_dim3A_352 {strides = array<i32>} : memref<2x1248x32xf32, #tpu.memory_space<vmem>>, vector<16xf32>,
        %add3A_359 = arith.constant 288 : i32
        %add3A_360 = arith.addi %add3A_359, %scan3A_215 : i32
        %swap3A_361 = arith.index_cast %select_n3A_161 : i32 to index
        %swap3A_362 = arith.index_cast %add3A_360 : i32 to index
        %swap3A_363 = arith.constant 16 : index
        %swap3A_364 = tpu.vector_load %arg7[%swap3A_361, %swap3A_362, %swap3A_363] {strides = array<i32>} : memref<2x1248x32xf32, #tpu.memory_space<vmem>>, vector<16xf32>,
        tpu.vector_store %arg7[%swap3A_361, %swap3A_362, %swap3A_363], %broadcast_in_dim3A_352 {strides = array<i32>} : memref<2x1248x32xf32, #tpu.memory_space<vmem>>, vector<16xf32>,
        %slice3A_365 = vector.extract_strided_slice %get3A_218 {offsets = [10], sizes = [1], strides = [1]} : vector<16xf32> to vector<1xf32>
        %squeeze3A_366 = vector.extract %slice3A_365[0] : f32 from vector<1xf32>
        %broadcast_in_dim3A_367 = vector.broadcast %squeeze3A_366 : f32 to vector<16xf32>
        %add3A_368 = arith.constant 320 : i32
        %add3A_369 = arith.addi %add3A_368, %scan3A_215 : i32
        %swap3A_370 = arith.index_cast %select_n3A_161 : i32 to index
        %swap3A_371 = arith.index_cast %add3A_369 : i32 to index
        %swap3A_372 = arith.constant 0 : index
        %swap3A_373 = tpu.vector_load %arg7[%swap3A_370, %swap3A_371, %swap3A_372] {strides = array<i32>} : memref<2x1248x32xf32, #tpu.memory_space<vmem>>, vector<16xf32>,
        tpu.vector_store %arg7[%swap3A_370, %swap3A_371, %swap3A_372], %broadcast_in_dim3A_367 {strides = array<i32>} : memref<2x1248x32xf32, #tpu.memory_space<vmem>>, vector<16xf32>,
        %add3A_374 = arith.constant 320 : i32
        %add3A_375 = arith.addi %add3A_374, %scan3A_215 : i32
        %swap3A_376 = arith.index_cast %select_n3A_161 : i32 to index
        %swap3A_377 = arith.index_cast %add3A_375 : i32 to index
        %swap3A_378 = arith.constant 16 : index
        %swap3A_379 = tpu.vector_load %arg7[%swap3A_376, %swap3A_377, %swap3A_378] {strides = array<i32>} : memref<2x1248x32xf32, #tpu.memory_space<vmem>>, vector<16xf32>,
        tpu.vector_store %arg7[%swap3A_376, %swap3A_377, %swap3A_378], %broadcast_in_dim3A_367 {strides = array<i32>} : memref<2x1248x32xf32, #tpu.memory_space<vmem>>, vector<16xf32>,
        %slice3A_380 = vector.extract_strided_slice %get3A_218 {offsets = [11], sizes = [1], strides = [1]} : vector<16xf32> to vector<1xf32>
        %squeeze3A_381 = vector.extract %slice3A_380[0] : f32 from vector<1xf32>
        %broadcast_in_dim3A_382 = vector.broadcast %squeeze3A_381 : f32 to vector<16xf32>
        %add3A_383 = arith.constant 352 : i32
        %add3A_384 = arith.addi %add3A_383, %scan3A_215 : i32
        %swap3A_385 = arith.index_cast %select_n3A_161 : i32 to index
        %swap3A_386 = arith.index_cast %add3A_384 : i32 to index
        %swap3A_387 = arith.constant 0 : index
        %swap3A_388 = tpu.vector_load %arg7[%swap3A_385, %swap3A_386, %swap3A_387] {strides = array<i32>} : memref<2x1248x32xf32, #tpu.memory_space<vmem>>, vector<16xf32>,
        tpu.vector_store %arg7[%swap3A_385, %swap3A_386, %swap3A_387], %broadcast_in_dim3A_382 {strides = array<i32>} : memref<2x1248x32xf32, #tpu.memory_space<vmem>>, vector<16xf32>,
        %add3A_389 = arith.constant 352 : i32
        %add3A_390 = arith.addi %add3A_389, %scan3A_215 : i32
        %swap3A_391 = arith.index_cast %select_n3A_161 : i32 to index
        %swap3A_392 = arith.index_cast %add3A_390 : i32 to index
        %swap3A_393 = arith.constant 16 : index
        %swap3A_394 = tpu.vector_load %arg7[%swap3A_391, %swap3A_392, %swap3A_393] {strides = array<i32>} : memref<2x1248x32xf32, #tpu.memory_space<vmem>>, vector<16xf32>,
        tpu.vector_store %arg7[%swap3A_391, %swap3A_392, %swap3A_393], %broadcast_in_dim3A_382 {strides = array<i32>} : memref<2x1248x32xf32, #tpu.memory_space<vmem>>, vector<16xf32>,
        %slice3A_395 = vector.extract_strided_slice %get3A_218 {offsets = [12], sizes = [1], strides = [1]} : vector<16xf32> to vector<1xf32>
        %squeeze3A_396 = vector.extract %slice3A_395[0] : f32 from vector<1xf32>
        %broadcast_in_dim3A_397 = vector.broadcast %squeeze3A_396 : f32 to vector<16xf32>
        %add3A_398 = arith.constant 384 : i32
        %add3A_399 = arith.addi %add3A_398, %scan3A_215 : i32
        %swap3A_400 = arith.index_cast %select_n3A_161 : i32 to index
        %swap3A_401 = arith.index_cast %add3A_399 : i32 to index
        %swap3A_402 = arith.constant 0 : index
        %swap3A_403 = tpu.vector_load %arg7[%swap3A_400, %swap3A_401, %swap3A_402] {strides = array<i32>} : memref<2x1248x32xf32, #tpu.memory_space<vmem>>, vector<16xf32>,
        tpu.vector_store %arg7[%swap3A_400, %swap3A_401, %swap3A_402], %broadcast_in_dim3A_397 {strides = array<i32>} : memref<2x1248x32xf32, #tpu.memory_space<vmem>>, vector<16xf32>,
        %add3A_404 = arith.constant 384 : i32
        %add3A_405 = arith.addi %add3A_404, %scan3A_215 : i32
        %swap3A_406 = arith.index_cast %select_n3A_161 : i32 to index
        %swap3A_407 = arith.index_cast %add3A_405 : i32 to index
        %swap3A_408 = arith.constant 16 : index
        %swap3A_409 = tpu.vector_load %arg7[%swap3A_406, %swap3A_407, %swap3A_408] {strides = array<i32>} : memref<2x1248x32xf32, #tpu.memory_space<vmem>>, vector<16xf32>,
        tpu.vector_store %arg7[%swap3A_406, %swap3A_407, %swap3A_408], %broadcast_in_dim3A_397 {strides = array<i32>} : memref<2x1248x32xf32, #tpu.memory_space<vmem>>, vector<16xf32>,
      }
      %scan3A_167 = arith.constant 32 : i32
      %jit3A_168 = arith.constant 2 : i32
      %eq3A_169 = arith.constant 0 : i32
      %eq3A_170 = arith.cmpi eq, %jit3A_168, %eq3A_169 : i32
      %jit3A_171 = arith.constant 1 : i32
      %select_n3A_172 = arith.select %eq3A_170, %jit3A_171, %jit3A_168 : i32
      %rem3A_173 = arith.remsi %scan3A_93, %select_n3A_172 : i32
      %ne3A_174 = arith.constant 0 : i32
      %ne3A_175 = arith.cmpi ne, %rem3A_173, %ne3A_174 : i32
      %lt3A_176 = arith.constant 0 : i32
      %lt3A_177 = arith.cmpi slt, %rem3A_173, %lt3A_176 : i32
      %lt3A_178 = arith.constant 0 : i32
      %lt3A_179 = arith.cmpi slt, %select_n3A_172, %lt3A_178 : i32
      %ne3A_180 = arith.xori %lt3A_177, %lt3A_179 : i1
      %and3A_181 = arith.andi %ne3A_180, %ne3A_175 : i1
      %add3A_182 = arith.addi %rem3A_173, %select_n3A_172 : i32
      %select_n3A_183 = arith.select %and3A_181, %add3A_182, %rem3A_173 : i32
      %scan3A_184 = arith.constant 0 : i32
      %scan3A_185 = arith.constant 0 : i32
      %scan3A_186 = arith.constant 26 : i32
      %scan3A_187 = arith.addi %scan3A_185, %scan3A_186 : i32
      %scan3A_188 = arith.constant 1 : i32
      scf.for %scan3A_215 = %scan3A_185 to %scan3A_187 step %scan3A_188  : i32 {
        %add3A_216 = arith.constant 13 : i32
        %add3A_217 = arith.addi %add3A_216, %scan3A_215 : i32
        %mul3A_218 = arith.constant 32 : i32
        %mul3A_219 = arith.muli %add3A_217, %mul3A_218 : i32
        %dma_wait3A = arith.constant 0 : i32
        %dma_wait3A_220 = tpu.memref_slice %arg7[%select_n3A_183, %mul3A_219, %dma_wait3A] : memref<2x1248x32xf32, #tpu.memory_space<vmem>> -> memref<1x32x32xf32, #tpu.memory_space<vmem>>
        %dma_wait3A_221 = tpu.memref_squeeze %dma_wait3A_220 : memref<1x32x32xf32, #tpu.memory_space<vmem>> -> memref<32x32xf32, #tpu.memory_space<vmem>>
        %dma_wait3A_222 = arith.constant 0 : i32
        %dma_wait3A_223 = tpu.memref_slice %arg6[%select_n3A_183, %scan3A_215, %dma_wait3A_222] : memref<2x26x32xi32, #tpu.memory_space<vmem>> -> memref<1x1x32xi32, #tpu.memory_space<vmem>>
        %dma_wait3A_224 = tpu.memref_squeeze %dma_wait3A_223 : memref<1x1x32xi32, #tpu.memory_space<vmem>> -> memref<32xi32, #tpu.memory_space<vmem>>
        %dma_wait3A_225 = arith.constant 0 : i32
        %dma_wait3A_226 = arith.constant 0 : i32
        %dma_wait3A_227 = tpu.memref_slice %arg3[%dma_wait3A_225, %dma_wait3A_226] : memref<2600000x32xf32, #tpu.memory_space<hbm>> -> memref<2600000x32xf32, #tpu.memory_space<hbm>>
        tpu.wait_indirect_dma semaphore(%arg8 : memref<!tpu.dma_semaphore, #tpu.memory_space<semaphore_mem>>) src(%dma_wait3A_227 : memref<2600000x32xf32, #tpu.memory_space<hbm>>) dst(%dma_wait3A_221 : memref<32x32xf32, #tpu.memory_space<vmem>>)
      }
      %scan3A_189 = arith.constant 26 : i32
      %jit3A_190 = arith.constant 2 : i32
      %eq3A_191 = arith.constant 0 : i32
      %eq3A_192 = arith.cmpi eq, %jit3A_190, %eq3A_191 : i32
      %jit3A_193 = arith.constant 1 : i32
      %select_n3A_194 = arith.select %eq3A_192, %jit3A_193, %jit3A_190 : i32
      %rem3A_195 = arith.remsi %scan3A_93, %select_n3A_194 : i32
      %ne3A_196 = arith.constant 0 : i32
      %ne3A_197 = arith.cmpi ne, %rem3A_195, %ne3A_196 : i32
      %lt3A_198 = arith.constant 0 : i32
      %lt3A_199 = arith.cmpi slt, %rem3A_195, %lt3A_198 : i32
      %lt3A_200 = arith.constant 0 : i32
      %lt3A_201 = arith.cmpi slt, %select_n3A_194, %lt3A_200 : i32
      %ne3A_202 = arith.xori %lt3A_199, %lt3A_201 : i1
      %and3A_203 = arith.andi %ne3A_202, %ne3A_197 : i1
      %add3A_204 = arith.addi %rem3A_195, %select_n3A_194 : i32
      %select_n3A_205 = arith.select %and3A_203, %add3A_204, %rem3A_195 : i32
      %mul3A_206 = arith.constant 32 : i32
      %mul3A_207 = arith.muli %scan3A_93, %mul3A_206 : i32
      %add3A_208 = arith.addi %mul3A_2, %mul3A_207 : i32
      %scan3A_209 = arith.constant 0 : i32
      %scan3A_210 = arith.constant 0 : i32
      %scan3A_211 = arith.constant 39 : i32
      %scan3A_212 = arith.addi %scan3A_210, %scan3A_211 : i32
      %scan3A_213 = arith.constant 1 : i32
      scf.for %scan3A_215 = %scan3A_210 to %scan3A_212 step %scan3A_213  : i32 {
        %mul3A_216 = arith.constant 32 : i32
        %mul3A_217 = arith.muli %scan3A_215, %mul3A_216 : i32
        %dma_start3A = arith.constant 0 : i32
        %dma_start3A_218 = tpu.memref_slice %arg7[%select_n3A_205, %mul3A_217, %dma_start3A] : memref<2x1248x32xf32, #tpu.memory_space<vmem>> -> memref<1x32x32xf32, #tpu.memory_space<vmem>>
        %dma_start3A_219 = tpu.memref_squeeze %dma_start3A_218 : memref<1x32x32xf32, #tpu.memory_space<vmem>> -> memref<32x32xf32, #tpu.memory_space<vmem>>
        %dma_start3A_220 = arith.constant 0 : i32
        %dma_start3A_221 = tpu.memref_slice %arg4[%add3A_208, %scan3A_215, %dma_start3A_220] : memref<16384x40x32xf32, #tpu.memory_space<hbm>> -> memref<32x1x32xf32, #tpu.memory_space<hbm>>
        %dma_start3A_222 = tpu.memref_squeeze %dma_start3A_221 : memref<32x1x32xf32, #tpu.memory_space<hbm>> -> memref<32x32xf32, #tpu.memory_space<hbm>>
        %dma_start3A_223 = arith.constant 0 : i32
        %dma_start3A_224 = tpu.memref_slice %arg4[%add3A_208, %scan3A_215, %dma_start3A_223] : memref<16384x40x32xf32, #tpu.memory_space<hbm>> -> memref<32x1x32xf32, #tpu.memory_space<hbm>>
        %dma_start3A_225 = tpu.memref_squeeze %dma_start3A_224 : memref<32x1x32xf32, #tpu.memory_space<hbm>> -> memref<32x32xf32, #tpu.memory_space<hbm>>
        %dma_start3A_226 = arith.constant 0 : i32
        %dma_start3A_227 = tpu.memref_slice %arg7[%select_n3A_205, %mul3A_217, %dma_start3A_226] : memref<2x1248x32xf32, #tpu.memory_space<vmem>> -> memref<1x32x32xf32, #tpu.memory_space<vmem>>
        %dma_start3A_228 = tpu.memref_squeeze %dma_start3A_227 : memref<1x32x32xf32, #tpu.memory_space<vmem>> -> memref<32x32xf32, #tpu.memory_space<vmem>>
        tpu.enqueue_dma source(%dma_start3A_228 : memref<32x32xf32, #tpu.memory_space<vmem>>) target(%dma_start3A_225 : memref<32x32xf32, #tpu.memory_space<hbm>>) target_semaphore(%arg9 : memref<!tpu.dma_semaphore, #tpu.memory_space<semaphore_mem>>)
      }
      %scan3A_214 = arith.constant 39 : i32
    }
    %scan3A_56 = arith.constant 14 : i32
    %add3A_57 = arith.constant 448 : i32
    %add3A_58 = arith.addi %mul3A_2, %add3A_57 : i32
    %scan3A_59 = arith.constant 0 : i32
    %scan3A_60 = arith.constant 0 : i32
    %scan3A_61 = arith.constant 39 : i32
    %scan3A_62 = arith.addi %scan3A_60, %scan3A_61 : i32
    %scan3A_63 = arith.constant 1 : i32
    scf.for %scan3A_93 = %scan3A_60 to %scan3A_62 step %scan3A_63  : i32 {
      %mul3A_94 = arith.constant 32 : i32
      %mul3A_95 = arith.muli %scan3A_93, %mul3A_94 : i32
      %dma_wait3A = arith.constant 0 : i32
      %dma_wait3A_96 = arith.constant 0 : i32
      %dma_wait3A_97 = tpu.memref_slice %arg7[%dma_wait3A, %mul3A_95, %dma_wait3A_96] : memref<2x1248x32xf32, #tpu.memory_space<vmem>> -> memref<1x32x32xf32, #tpu.memory_space<vmem>>
      %dma_wait3A_98 = tpu.memref_squeeze %dma_wait3A_97 : memref<1x32x32xf32, #tpu.memory_space<vmem>> -> memref<32x32xf32, #tpu.memory_space<vmem>>
      %dma_wait3A_99 = arith.constant 0 : i32
      %dma_wait3A_100 = tpu.memref_slice %arg4[%add3A_58, %scan3A_93, %dma_wait3A_99] : memref<16384x40x32xf32, #tpu.memory_space<hbm>> -> memref<32x1x32xf32, #tpu.memory_space<hbm>>
      %dma_wait3A_101 = tpu.memref_squeeze %dma_wait3A_100 : memref<32x1x32xf32, #tpu.memory_space<hbm>> -> memref<32x32xf32, #tpu.memory_space<hbm>>
      %dma_wait3A_102 = arith.constant 0 : i32
      %dma_wait3A_103 = tpu.memref_slice %arg4[%add3A_58, %scan3A_93, %dma_wait3A_102] : memref<16384x40x32xf32, #tpu.memory_space<hbm>> -> memref<32x1x32xf32, #tpu.memory_space<hbm>>
      %dma_wait3A_104 = tpu.memref_squeeze %dma_wait3A_103 : memref<32x1x32xf32, #tpu.memory_space<hbm>> -> memref<32x32xf32, #tpu.memory_space<hbm>>
      %dma_wait3A_105 = arith.constant 0 : i32
      %dma_wait3A_106 = tpu.memref_slice %arg7[%dma_wait3A, %mul3A_95, %dma_wait3A_105] : memref<2x1248x32xf32, #tpu.memory_space<vmem>> -> memref<1x32x32xf32, #tpu.memory_space<vmem>>
      %dma_wait3A_107 = tpu.memref_squeeze %dma_wait3A_106 : memref<1x32x32xf32, #tpu.memory_space<vmem>> -> memref<32x32xf32, #tpu.memory_space<vmem>>
      tpu.wait_dma2 semaphore(%arg9 : memref<!tpu.dma_semaphore, #tpu.memory_space<semaphore_mem>>) src(%dma_wait3A_107 : memref<32x32xf32, #tpu.memory_space<vmem>>) dst(%dma_wait3A_104 : memref<32x32xf32, #tpu.memory_space<hbm>>)
    }
    %scan3A_64 = arith.constant 39 : i32
    %scan3A_65 = arith.constant 0 : i32
    %scan3A_66 = arith.constant 0 : i32
    %scan3A_67 = arith.constant 32 : i32
    %scan3A_68 = arith.addi %scan3A_66, %scan3A_67 : i32
    %scan3A_69 = arith.constant 1 : i32
    scf.for %scan3A_93 = %scan3A_66 to %scan3A_68 step %scan3A_69  : i32 {
      %get3A = arith.constant 1 : i32
      %get3A_94 = arith.index_cast %get3A : i32 to index
      %get3A_95 = arith.index_cast %scan3A_93 : i32 to index
      %get3A_96 = arith.constant 0 : index
      %get3A_97 = tpu.vector_load %arg5[%get3A_94, %get3A_95, %get3A_96] {strides = array<i32>} : memref<2x32x40xf32, #tpu.memory_space<vmem>>, vector<16xf32>,
      %slice3A = vector.extract_strided_slice %get3A_97 {offsets = [0], sizes = [1], strides = [1]} : vector<16xf32> to vector<1xf32>
      %squeeze3A = vector.extract %slice3A[0] : f32 from vector<1xf32>
      %broadcast_in_dim3A = vector.broadcast %squeeze3A : f32 to vector<16xf32>
      %add3A_98 = arith.constant 0 : i32
      %add3A_99 = arith.addi %add3A_98, %scan3A_93 : i32
      %swap3A = arith.constant 1 : i32
      %swap3A_100 = arith.index_cast %swap3A : i32 to index
      %swap3A_101 = arith.index_cast %add3A_99 : i32 to index
      %swap3A_102 = arith.constant 0 : index
      %swap3A_103 = tpu.vector_load %arg7[%swap3A_100, %swap3A_101, %swap3A_102] {strides = array<i32>} : memref<2x1248x32xf32, #tpu.memory_space<vmem>>, vector<16xf32>,
      tpu.vector_store %arg7[%swap3A_100, %swap3A_101, %swap3A_102], %broadcast_in_dim3A {strides = array<i32>} : memref<2x1248x32xf32, #tpu.memory_space<vmem>>, vector<16xf32>,
      %add3A_104 = arith.constant 0 : i32
      %add3A_105 = arith.addi %add3A_104, %scan3A_93 : i32
      %swap3A_106 = arith.constant 1 : i32
      %swap3A_107 = arith.index_cast %swap3A_106 : i32 to index
      %swap3A_108 = arith.index_cast %add3A_105 : i32 to index
      %swap3A_109 = arith.constant 16 : index
      %swap3A_110 = tpu.vector_load %arg7[%swap3A_107, %swap3A_108, %swap3A_109] {strides = array<i32>} : memref<2x1248x32xf32, #tpu.memory_space<vmem>>, vector<16xf32>,
      tpu.vector_store %arg7[%swap3A_107, %swap3A_108, %swap3A_109], %broadcast_in_dim3A {strides = array<i32>} : memref<2x1248x32xf32, #tpu.memory_space<vmem>>, vector<16xf32>,
      %slice3A_111 = vector.extract_strided_slice %get3A_97 {offsets = [1], sizes = [1], strides = [1]} : vector<16xf32> to vector<1xf32>
      %squeeze3A_112 = vector.extract %slice3A_111[0] : f32 from vector<1xf32>
      %broadcast_in_dim3A_113 = vector.broadcast %squeeze3A_112 : f32 to vector<16xf32>
      %add3A_114 = arith.constant 32 : i32
      %add3A_115 = arith.addi %add3A_114, %scan3A_93 : i32
      %swap3A_116 = arith.constant 1 : i32
      %swap3A_117 = arith.index_cast %swap3A_116 : i32 to index
      %swap3A_118 = arith.index_cast %add3A_115 : i32 to index
      %swap3A_119 = arith.constant 0 : index
      %swap3A_120 = tpu.vector_load %arg7[%swap3A_117, %swap3A_118, %swap3A_119] {strides = array<i32>} : memref<2x1248x32xf32, #tpu.memory_space<vmem>>, vector<16xf32>,
      tpu.vector_store %arg7[%swap3A_117, %swap3A_118, %swap3A_119], %broadcast_in_dim3A_113 {strides = array<i32>} : memref<2x1248x32xf32, #tpu.memory_space<vmem>>, vector<16xf32>,
      %add3A_121 = arith.constant 32 : i32
      %add3A_122 = arith.addi %add3A_121, %scan3A_93 : i32
      %swap3A_123 = arith.constant 1 : i32
      %swap3A_124 = arith.index_cast %swap3A_123 : i32 to index
      %swap3A_125 = arith.index_cast %add3A_122 : i32 to index
      %swap3A_126 = arith.constant 16 : index
      %swap3A_127 = tpu.vector_load %arg7[%swap3A_124, %swap3A_125, %swap3A_126] {strides = array<i32>} : memref<2x1248x32xf32, #tpu.memory_space<vmem>>, vector<16xf32>,
      tpu.vector_store %arg7[%swap3A_124, %swap3A_125, %swap3A_126], %broadcast_in_dim3A_113 {strides = array<i32>} : memref<2x1248x32xf32, #tpu.memory_space<vmem>>, vector<16xf32>,
      %slice3A_128 = vector.extract_strided_slice %get3A_97 {offsets = [2], sizes = [1], strides = [1]} : vector<16xf32> to vector<1xf32>
      %squeeze3A_129 = vector.extract %slice3A_128[0] : f32 from vector<1xf32>
      %broadcast_in_dim3A_130 = vector.broadcast %squeeze3A_129 : f32 to vector<16xf32>
      %add3A_131 = arith.constant 64 : i32
      %add3A_132 = arith.addi %add3A_131, %scan3A_93 : i32
      %swap3A_133 = arith.constant 1 : i32
      %swap3A_134 = arith.index_cast %swap3A_133 : i32 to index
      %swap3A_135 = arith.index_cast %add3A_132 : i32 to index
      %swap3A_136 = arith.constant 0 : index
      %swap3A_137 = tpu.vector_load %arg7[%swap3A_134, %swap3A_135, %swap3A_136] {strides = array<i32>} : memref<2x1248x32xf32, #tpu.memory_space<vmem>>, vector<16xf32>,
      tpu.vector_store %arg7[%swap3A_134, %swap3A_135, %swap3A_136], %broadcast_in_dim3A_130 {strides = array<i32>} : memref<2x1248x32xf32, #tpu.memory_space<vmem>>, vector<16xf32>,
      %add3A_138 = arith.constant 64 : i32
      %add3A_139 = arith.addi %add3A_138, %scan3A_93 : i32
      %swap3A_140 = arith.constant 1 : i32
      %swap3A_141 = arith.index_cast %swap3A_140 : i32 to index
      %swap3A_142 = arith.index_cast %add3A_139 : i32 to index
      %swap3A_143 = arith.constant 16 : index
      %swap3A_144 = tpu.vector_load %arg7[%swap3A_141, %swap3A_142, %swap3A_143] {strides = array<i32>} : memref<2x1248x32xf32, #tpu.memory_space<vmem>>, vector<16xf32>,
      tpu.vector_store %arg7[%swap3A_141, %swap3A_142, %swap3A_143], %broadcast_in_dim3A_130 {strides = array<i32>} : memref<2x1248x32xf32, #tpu.memory_space<vmem>>, vector<16xf32>,
      %slice3A_145 = vector.extract_strided_slice %get3A_97 {offsets = [3], sizes = [1], strides = [1]} : vector<16xf32> to vector<1xf32>
      %squeeze3A_146 = vector.extract %slice3A_145[0] : f32 from vector<1xf32>
      %broadcast_in_dim3A_147 = vector.broadcast %squeeze3A_146 : f32 to vector<16xf32>
      %add3A_148 = arith.constant 96 : i32
      %add3A_149 = arith.addi %add3A_148, %scan3A_93 : i32
      %swap3A_150 = arith.constant 1 : i32
      %swap3A_151 = arith.index_cast %swap3A_150 : i32 to index
      %swap3A_152 = arith.index_cast %add3A_149 : i32 to index
      %swap3A_153 = arith.constant 0 : index
      %swap3A_154 = tpu.vector_load %arg7[%swap3A_151, %swap3A_152, %swap3A_153] {strides = array<i32>} : memref<2x1248x32xf32, #tpu.memory_space<vmem>>, vector<16xf32>,
      tpu.vector_store %arg7[%swap3A_151, %swap3A_152, %swap3A_153], %broadcast_in_dim3A_147 {strides = array<i32>} : memref<2x1248x32xf32, #tpu.memory_space<vmem>>, vector<16xf32>,
      %add3A_155 = arith.constant 96 : i32
      %add3A_156 = arith.addi %add3A_155, %scan3A_93 : i32
      %swap3A_157 = arith.constant 1 : i32
      %swap3A_158 = arith.index_cast %swap3A_157 : i32 to index
      %swap3A_159 = arith.index_cast %add3A_156 : i32 to index
      %swap3A_160 = arith.constant 16 : index
      %swap3A_161 = tpu.vector_load %arg7[%swap3A_158, %swap3A_159, %swap3A_160] {strides = array<i32>} : memref<2x1248x32xf32, #tpu.memory_space<vmem>>, vector<16xf32>,
      tpu.vector_store %arg7[%swap3A_158, %swap3A_159, %swap3A_160], %broadcast_in_dim3A_147 {strides = array<i32>} : memref<2x1248x32xf32, #tpu.memory_space<vmem>>, vector<16xf32>,
      %slice3A_162 = vector.extract_strided_slice %get3A_97 {offsets = [4], sizes = [1], strides = [1]} : vector<16xf32> to vector<1xf32>
      %squeeze3A_163 = vector.extract %slice3A_162[0] : f32 from vector<1xf32>
      %broadcast_in_dim3A_164 = vector.broadcast %squeeze3A_163 : f32 to vector<16xf32>
      %add3A_165 = arith.constant 128 : i32
      %add3A_166 = arith.addi %add3A_165, %scan3A_93 : i32
      %swap3A_167 = arith.constant 1 : i32
      %swap3A_168 = arith.index_cast %swap3A_167 : i32 to index
      %swap3A_169 = arith.index_cast %add3A_166 : i32 to index
      %swap3A_170 = arith.constant 0 : index
      %swap3A_171 = tpu.vector_load %arg7[%swap3A_168, %swap3A_169, %swap3A_170] {strides = array<i32>} : memref<2x1248x32xf32, #tpu.memory_space<vmem>>, vector<16xf32>,
      tpu.vector_store %arg7[%swap3A_168, %swap3A_169, %swap3A_170], %broadcast_in_dim3A_164 {strides = array<i32>} : memref<2x1248x32xf32, #tpu.memory_space<vmem>>, vector<16xf32>,
      %add3A_172 = arith.constant 128 : i32
      %add3A_173 = arith.addi %add3A_172, %scan3A_93 : i32
      %swap3A_174 = arith.constant 1 : i32
      %swap3A_175 = arith.index_cast %swap3A_174 : i32 to index
      %swap3A_176 = arith.index_cast %add3A_173 : i32 to index
      %swap3A_177 = arith.constant 16 : index
      %swap3A_178 = tpu.vector_load %arg7[%swap3A_175, %swap3A_176, %swap3A_177] {strides = array<i32>} : memref<2x1248x32xf32, #tpu.memory_space<vmem>>, vector<16xf32>,
      tpu.vector_store %arg7[%swap3A_175, %swap3A_176, %swap3A_177], %broadcast_in_dim3A_164 {strides = array<i32>} : memref<2x1248x32xf32, #tpu.memory_space<vmem>>, vector<16xf32>,
      %slice3A_179 = vector.extract_strided_slice %get3A_97 {offsets = [5], sizes = [1], strides = [1]} : vector<16xf32> to vector<1xf32>
      %squeeze3A_180 = vector.extract %slice3A_179[0] : f32 from vector<1xf32>
      %broadcast_in_dim3A_181 = vector.broadcast %squeeze3A_180 : f32 to vector<16xf32>
      %add3A_182 = arith.constant 160 : i32
      %add3A_183 = arith.addi %add3A_182, %scan3A_93 : i32
      %swap3A_184 = arith.constant 1 : i32
      %swap3A_185 = arith.index_cast %swap3A_184 : i32 to index
      %swap3A_186 = arith.index_cast %add3A_183 : i32 to index
      %swap3A_187 = arith.constant 0 : index
      %swap3A_188 = tpu.vector_load %arg7[%swap3A_185, %swap3A_186, %swap3A_187] {strides = array<i32>} : memref<2x1248x32xf32, #tpu.memory_space<vmem>>, vector<16xf32>,
      tpu.vector_store %arg7[%swap3A_185, %swap3A_186, %swap3A_187], %broadcast_in_dim3A_181 {strides = array<i32>} : memref<2x1248x32xf32, #tpu.memory_space<vmem>>, vector<16xf32>,
      %add3A_189 = arith.constant 160 : i32
      %add3A_190 = arith.addi %add3A_189, %scan3A_93 : i32
      %swap3A_191 = arith.constant 1 : i32
      %swap3A_192 = arith.index_cast %swap3A_191 : i32 to index
      %swap3A_193 = arith.index_cast %add3A_190 : i32 to index
      %swap3A_194 = arith.constant 16 : index
      %swap3A_195 = tpu.vector_load %arg7[%swap3A_192, %swap3A_193, %swap3A_194] {strides = array<i32>} : memref<2x1248x32xf32, #tpu.memory_space<vmem>>, vector<16xf32>,
      tpu.vector_store %arg7[%swap3A_192, %swap3A_193, %swap3A_194], %broadcast_in_dim3A_181 {strides = array<i32>} : memref<2x1248x32xf32, #tpu.memory_space<vmem>>, vector<16xf32>,
      %slice3A_196 = vector.extract_strided_slice %get3A_97 {offsets = [6], sizes = [1], strides = [1]} : vector<16xf32> to vector<1xf32>
      %squeeze3A_197 = vector.extract %slice3A_196[0] : f32 from vector<1xf32>
      %broadcast_in_dim3A_198 = vector.broadcast %squeeze3A_197 : f32 to vector<16xf32>
      %add3A_199 = arith.constant 192 : i32
      %add3A_200 = arith.addi %add3A_199, %scan3A_93 : i32
      %swap3A_201 = arith.constant 1 : i32
      %swap3A_202 = arith.index_cast %swap3A_201 : i32 to index
      %swap3A_203 = arith.index_cast %add3A_200 : i32 to index
      %swap3A_204 = arith.constant 0 : index
      %swap3A_205 = tpu.vector_load %arg7[%swap3A_202, %swap3A_203, %swap3A_204] {strides = array<i32>} : memref<2x1248x32xf32, #tpu.memory_space<vmem>>, vector<16xf32>,
      tpu.vector_store %arg7[%swap3A_202, %swap3A_203, %swap3A_204], %broadcast_in_dim3A_198 {strides = array<i32>} : memref<2x1248x32xf32, #tpu.memory_space<vmem>>, vector<16xf32>,
      %add3A_206 = arith.constant 192 : i32
      %add3A_207 = arith.addi %add3A_206, %scan3A_93 : i32
      %swap3A_208 = arith.constant 1 : i32
      %swap3A_209 = arith.index_cast %swap3A_208 : i32 to index
      %swap3A_210 = arith.index_cast %add3A_207 : i32 to index
      %swap3A_211 = arith.constant 16 : index
      %swap3A_212 = tpu.vector_load %arg7[%swap3A_209, %swap3A_210, %swap3A_211] {strides = array<i32>} : memref<2x1248x32xf32, #tpu.memory_space<vmem>>, vector<16xf32>,
      tpu.vector_store %arg7[%swap3A_209, %swap3A_210, %swap3A_211], %broadcast_in_dim3A_198 {strides = array<i32>} : memref<2x1248x32xf32, #tpu.memory_space<vmem>>, vector<16xf32>,
      %slice3A_213 = vector.extract_strided_slice %get3A_97 {offsets = [7], sizes = [1], strides = [1]} : vector<16xf32> to vector<1xf32>
      %squeeze3A_214 = vector.extract %slice3A_213[0] : f32 from vector<1xf32>
      %broadcast_in_dim3A_215 = vector.broadcast %squeeze3A_214 : f32 to vector<16xf32>
      %add3A_216 = arith.constant 224 : i32
      %add3A_217 = arith.addi %add3A_216, %scan3A_93 : i32
      %swap3A_218 = arith.constant 1 : i32
      %swap3A_219 = arith.index_cast %swap3A_218 : i32 to index
      %swap3A_220 = arith.index_cast %add3A_217 : i32 to index
      %swap3A_221 = arith.constant 0 : index
      %swap3A_222 = tpu.vector_load %arg7[%swap3A_219, %swap3A_220, %swap3A_221] {strides = array<i32>} : memref<2x1248x32xf32, #tpu.memory_space<vmem>>, vector<16xf32>,
      tpu.vector_store %arg7[%swap3A_219, %swap3A_220, %swap3A_221], %broadcast_in_dim3A_215 {strides = array<i32>} : memref<2x1248x32xf32, #tpu.memory_space<vmem>>, vector<16xf32>,
      %add3A_223 = arith.constant 224 : i32
      %add3A_224 = arith.addi %add3A_223, %scan3A_93 : i32
      %swap3A_225 = arith.constant 1 : i32
      %swap3A_226 = arith.index_cast %swap3A_225 : i32 to index
      %swap3A_227 = arith.index_cast %add3A_224 : i32 to index
      %swap3A_228 = arith.constant 16 : index
      %swap3A_229 = tpu.vector_load %arg7[%swap3A_226, %swap3A_227, %swap3A_228] {strides = array<i32>} : memref<2x1248x32xf32, #tpu.memory_space<vmem>>, vector<16xf32>,
      tpu.vector_store %arg7[%swap3A_226, %swap3A_227, %swap3A_228], %broadcast_in_dim3A_215 {strides = array<i32>} : memref<2x1248x32xf32, #tpu.memory_space<vmem>>, vector<16xf32>,
      %slice3A_230 = vector.extract_strided_slice %get3A_97 {offsets = [8], sizes = [1], strides = [1]} : vector<16xf32> to vector<1xf32>
      %squeeze3A_231 = vector.extract %slice3A_230[0] : f32 from vector<1xf32>
      %broadcast_in_dim3A_232 = vector.broadcast %squeeze3A_231 : f32 to vector<16xf32>
      %add3A_233 = arith.constant 256 : i32
      %add3A_234 = arith.addi %add3A_233, %scan3A_93 : i32
      %swap3A_235 = arith.constant 1 : i32
      %swap3A_236 = arith.index_cast %swap3A_235 : i32 to index
      %swap3A_237 = arith.index_cast %add3A_234 : i32 to index
      %swap3A_238 = arith.constant 0 : index
      %swap3A_239 = tpu.vector_load %arg7[%swap3A_236, %swap3A_237, %swap3A_238] {strides = array<i32>} : memref<2x1248x32xf32, #tpu.memory_space<vmem>>, vector<16xf32>,
      tpu.vector_store %arg7[%swap3A_236, %swap3A_237, %swap3A_238], %broadcast_in_dim3A_232 {strides = array<i32>} : memref<2x1248x32xf32, #tpu.memory_space<vmem>>, vector<16xf32>,
      %add3A_240 = arith.constant 256 : i32
      %add3A_241 = arith.addi %add3A_240, %scan3A_93 : i32
      %swap3A_242 = arith.constant 1 : i32
      %swap3A_243 = arith.index_cast %swap3A_242 : i32 to index
      %swap3A_244 = arith.index_cast %add3A_241 : i32 to index
      %swap3A_245 = arith.constant 16 : index
      %swap3A_246 = tpu.vector_load %arg7[%swap3A_243, %swap3A_244, %swap3A_245] {strides = array<i32>} : memref<2x1248x32xf32, #tpu.memory_space<vmem>>, vector<16xf32>,
      tpu.vector_store %arg7[%swap3A_243, %swap3A_244, %swap3A_245], %broadcast_in_dim3A_232 {strides = array<i32>} : memref<2x1248x32xf32, #tpu.memory_space<vmem>>, vector<16xf32>,
      %slice3A_247 = vector.extract_strided_slice %get3A_97 {offsets = [9], sizes = [1], strides = [1]} : vector<16xf32> to vector<1xf32>
      %squeeze3A_248 = vector.extract %slice3A_247[0] : f32 from vector<1xf32>
      %broadcast_in_dim3A_249 = vector.broadcast %squeeze3A_248 : f32 to vector<16xf32>
      %add3A_250 = arith.constant 288 : i32
      %add3A_251 = arith.addi %add3A_250, %scan3A_93 : i32
      %swap3A_252 = arith.constant 1 : i32
      %swap3A_253 = arith.index_cast %swap3A_252 : i32 to index
      %swap3A_254 = arith.index_cast %add3A_251 : i32 to index
      %swap3A_255 = arith.constant 0 : index
      %swap3A_256 = tpu.vector_load %arg7[%swap3A_253, %swap3A_254, %swap3A_255] {strides = array<i32>} : memref<2x1248x32xf32, #tpu.memory_space<vmem>>, vector<16xf32>,
      tpu.vector_store %arg7[%swap3A_253, %swap3A_254, %swap3A_255], %broadcast_in_dim3A_249 {strides = array<i32>} : memref<2x1248x32xf32, #tpu.memory_space<vmem>>, vector<16xf32>,
      %add3A_257 = arith.constant 288 : i32
      %add3A_258 = arith.addi %add3A_257, %scan3A_93 : i32
      %swap3A_259 = arith.constant 1 : i32
      %swap3A_260 = arith.index_cast %swap3A_259 : i32 to index
      %swap3A_261 = arith.index_cast %add3A_258 : i32 to index
      %swap3A_262 = arith.constant 16 : index
      %swap3A_263 = tpu.vector_load %arg7[%swap3A_260, %swap3A_261, %swap3A_262] {strides = array<i32>} : memref<2x1248x32xf32, #tpu.memory_space<vmem>>, vector<16xf32>,
      tpu.vector_store %arg7[%swap3A_260, %swap3A_261, %swap3A_262], %broadcast_in_dim3A_249 {strides = array<i32>} : memref<2x1248x32xf32, #tpu.memory_space<vmem>>, vector<16xf32>,
      %slice3A_264 = vector.extract_strided_slice %get3A_97 {offsets = [10], sizes = [1], strides = [1]} : vector<16xf32> to vector<1xf32>
      %squeeze3A_265 = vector.extract %slice3A_264[0] : f32 from vector<1xf32>
      %broadcast_in_dim3A_266 = vector.broadcast %squeeze3A_265 : f32 to vector<16xf32>
      %add3A_267 = arith.constant 320 : i32
      %add3A_268 = arith.addi %add3A_267, %scan3A_93 : i32
      %swap3A_269 = arith.constant 1 : i32
      %swap3A_270 = arith.index_cast %swap3A_269 : i32 to index
      %swap3A_271 = arith.index_cast %add3A_268 : i32 to index
      %swap3A_272 = arith.constant 0 : index
      %swap3A_273 = tpu.vector_load %arg7[%swap3A_270, %swap3A_271, %swap3A_272] {strides = array<i32>} : memref<2x1248x32xf32, #tpu.memory_space<vmem>>, vector<16xf32>,
      tpu.vector_store %arg7[%swap3A_270, %swap3A_271, %swap3A_272], %broadcast_in_dim3A_266 {strides = array<i32>} : memref<2x1248x32xf32, #tpu.memory_space<vmem>>, vector<16xf32>,
      %add3A_274 = arith.constant 320 : i32
      %add3A_275 = arith.addi %add3A_274, %scan3A_93 : i32
      %swap3A_276 = arith.constant 1 : i32
      %swap3A_277 = arith.index_cast %swap3A_276 : i32 to index
      %swap3A_278 = arith.index_cast %add3A_275 : i32 to index
      %swap3A_279 = arith.constant 16 : index
      %swap3A_280 = tpu.vector_load %arg7[%swap3A_277, %swap3A_278, %swap3A_279] {strides = array<i32>} : memref<2x1248x32xf32, #tpu.memory_space<vmem>>, vector<16xf32>,
      tpu.vector_store %arg7[%swap3A_277, %swap3A_278, %swap3A_279], %broadcast_in_dim3A_266 {strides = array<i32>} : memref<2x1248x32xf32, #tpu.memory_space<vmem>>, vector<16xf32>,
      %slice3A_281 = vector.extract_strided_slice %get3A_97 {offsets = [11], sizes = [1], strides = [1]} : vector<16xf32> to vector<1xf32>
      %squeeze3A_282 = vector.extract %slice3A_281[0] : f32 from vector<1xf32>
      %broadcast_in_dim3A_283 = vector.broadcast %squeeze3A_282 : f32 to vector<16xf32>
      %add3A_284 = arith.constant 352 : i32
      %add3A_285 = arith.addi %add3A_284, %scan3A_93 : i32
      %swap3A_286 = arith.constant 1 : i32
      %swap3A_287 = arith.index_cast %swap3A_286 : i32 to index
      %swap3A_288 = arith.index_cast %add3A_285 : i32 to index
      %swap3A_289 = arith.constant 0 : index
      %swap3A_290 = tpu.vector_load %arg7[%swap3A_287, %swap3A_288, %swap3A_289] {strides = array<i32>} : memref<2x1248x32xf32, #tpu.memory_space<vmem>>, vector<16xf32>,
      tpu.vector_store %arg7[%swap3A_287, %swap3A_288, %swap3A_289], %broadcast_in_dim3A_283 {strides = array<i32>} : memref<2x1248x32xf32, #tpu.memory_space<vmem>>, vector<16xf32>,
      %add3A_291 = arith.constant 352 : i32
      %add3A_292 = arith.addi %add3A_291, %scan3A_93 : i32
      %swap3A_293 = arith.constant 1 : i32
      %swap3A_294 = arith.index_cast %swap3A_293 : i32 to index
      %swap3A_295 = arith.index_cast %add3A_292 : i32 to index
      %swap3A_296 = arith.constant 16 : index
      %swap3A_297 = tpu.vector_load %arg7[%swap3A_294, %swap3A_295, %swap3A_296] {strides = array<i32>} : memref<2x1248x32xf32, #tpu.memory_space<vmem>>, vector<16xf32>,
      tpu.vector_store %arg7[%swap3A_294, %swap3A_295, %swap3A_296], %broadcast_in_dim3A_283 {strides = array<i32>} : memref<2x1248x32xf32, #tpu.memory_space<vmem>>, vector<16xf32>,
      %slice3A_298 = vector.extract_strided_slice %get3A_97 {offsets = [12], sizes = [1], strides = [1]} : vector<16xf32> to vector<1xf32>
      %squeeze3A_299 = vector.extract %slice3A_298[0] : f32 from vector<1xf32>
      %broadcast_in_dim3A_300 = vector.broadcast %squeeze3A_299 : f32 to vector<16xf32>
      %add3A_301 = arith.constant 384 : i32
      %add3A_302 = arith.addi %add3A_301, %scan3A_93 : i32
      %swap3A_303 = arith.constant 1 : i32
      %swap3A_304 = arith.index_cast %swap3A_303 : i32 to index
      %swap3A_305 = arith.index_cast %add3A_302 : i32 to index
      %swap3A_306 = arith.constant 0 : index
      %swap3A_307 = tpu.vector_load %arg7[%swap3A_304, %swap3A_305, %swap3A_306] {strides = array<i32>} : memref<2x1248x32xf32, #tpu.memory_space<vmem>>, vector<16xf32>,
      tpu.vector_store %arg7[%swap3A_304, %swap3A_305, %swap3A_306], %broadcast_in_dim3A_300 {strides = array<i32>} : memref<2x1248x32xf32, #tpu.memory_space<vmem>>, vector<16xf32>,
      %add3A_308 = arith.constant 384 : i32
      %add3A_309 = arith.addi %add3A_308, %scan3A_93 : i32
      %swap3A_310 = arith.constant 1 : i32
      %swap3A_311 = arith.index_cast %swap3A_310 : i32 to index
      %swap3A_312 = arith.index_cast %add3A_309 : i32 to index
      %swap3A_313 = arith.constant 16 : index
      %swap3A_314 = tpu.vector_load %arg7[%swap3A_311, %swap3A_312, %swap3A_313] {strides = array<i32>} : memref<2x1248x32xf32, #tpu.memory_space<vmem>>, vector<16xf32>,
      tpu.vector_store %arg7[%swap3A_311, %swap3A_312, %swap3A_313], %broadcast_in_dim3A_300 {strides = array<i32>} : memref<2x1248x32xf32, #tpu.memory_space<vmem>>, vector<16xf32>,
    }
    %scan3A_70 = arith.constant 32 : i32
    %scan3A_71 = arith.constant 0 : i32
    %scan3A_72 = arith.constant 0 : i32
    %scan3A_73 = arith.constant 26 : i32
    %scan3A_74 = arith.addi %scan3A_72, %scan3A_73 : i32
    %scan3A_75 = arith.constant 1 : i32
    scf.for %scan3A_93 = %scan3A_72 to %scan3A_74 step %scan3A_75  : i32 {
      %add3A_94 = arith.constant 13 : i32
      %add3A_95 = arith.addi %add3A_94, %scan3A_93 : i32
      %mul3A_96 = arith.constant 32 : i32
      %mul3A_97 = arith.muli %add3A_95, %mul3A_96 : i32
      %dma_wait3A = arith.constant 1 : i32
      %dma_wait3A_98 = arith.constant 1 : i32
      %dma_wait3A_99 = arith.constant 0 : i32
      %dma_wait3A_100 = tpu.memref_slice %arg7[%dma_wait3A_98, %mul3A_97, %dma_wait3A_99] : memref<2x1248x32xf32, #tpu.memory_space<vmem>> -> memref<1x32x32xf32, #tpu.memory_space<vmem>>
      %dma_wait3A_101 = tpu.memref_squeeze %dma_wait3A_100 : memref<1x32x32xf32, #tpu.memory_space<vmem>> -> memref<32x32xf32, #tpu.memory_space<vmem>>
      %dma_wait3A_102 = arith.constant 0 : i32
      %dma_wait3A_103 = tpu.memref_slice %arg6[%dma_wait3A, %scan3A_93, %dma_wait3A_102] : memref<2x26x32xi32, #tpu.memory_space<vmem>> -> memref<1x1x32xi32, #tpu.memory_space<vmem>>
      %dma_wait3A_104 = tpu.memref_squeeze %dma_wait3A_103 : memref<1x1x32xi32, #tpu.memory_space<vmem>> -> memref<32xi32, #tpu.memory_space<vmem>>
      %dma_wait3A_105 = arith.constant 0 : i32
      %dma_wait3A_106 = arith.constant 0 : i32
      %dma_wait3A_107 = tpu.memref_slice %arg3[%dma_wait3A_105, %dma_wait3A_106] : memref<2600000x32xf32, #tpu.memory_space<hbm>> -> memref<2600000x32xf32, #tpu.memory_space<hbm>>
      tpu.wait_indirect_dma semaphore(%arg8 : memref<!tpu.dma_semaphore, #tpu.memory_space<semaphore_mem>>) src(%dma_wait3A_107 : memref<2600000x32xf32, #tpu.memory_space<hbm>>) dst(%dma_wait3A_101 : memref<32x32xf32, #tpu.memory_space<vmem>>)
    }
    %scan3A_76 = arith.constant 26 : i32
    %add3A_77 = arith.constant 480 : i32
    %add3A_78 = arith.addi %mul3A_2, %add3A_77 : i32
    %scan3A_79 = arith.constant 0 : i32
    %scan3A_80 = arith.constant 0 : i32
    %scan3A_81 = arith.constant 39 : i32
    %scan3A_82 = arith.addi %scan3A_80, %scan3A_81 : i32
    %scan3A_83 = arith.constant 1 : i32
    scf.for %scan3A_93 = %scan3A_80 to %scan3A_82 step %scan3A_83  : i32 {
      %mul3A_94 = arith.constant 32 : i32
      %mul3A_95 = arith.muli %scan3A_93, %mul3A_94 : i32
      %dma_start3A = arith.constant 1 : i32
      %dma_start3A_96 = arith.constant 0 : i32
      %dma_start3A_97 = tpu.memref_slice %arg7[%dma_start3A, %mul3A_95, %dma_start3A_96] : memref<2x1248x32xf32, #tpu.memory_space<vmem>> -> memref<1x32x32xf32, #tpu.memory_space<vmem>>
      %dma_start3A_98 = tpu.memref_squeeze %dma_start3A_97 : memref<1x32x32xf32, #tpu.memory_space<vmem>> -> memref<32x32xf32, #tpu.memory_space<vmem>>
      %dma_start3A_99 = arith.constant 0 : i32
      %dma_start3A_100 = tpu.memref_slice %arg4[%add3A_78, %scan3A_93, %dma_start3A_99] : memref<16384x40x32xf32, #tpu.memory_space<hbm>> -> memref<32x1x32xf32, #tpu.memory_space<hbm>>
      %dma_start3A_101 = tpu.memref_squeeze %dma_start3A_100 : memref<32x1x32xf32, #tpu.memory_space<hbm>> -> memref<32x32xf32, #tpu.memory_space<hbm>>
      %dma_start3A_102 = arith.constant 0 : i32
      %dma_start3A_103 = tpu.memref_slice %arg4[%add3A_78, %scan3A_93, %dma_start3A_102] : memref<16384x40x32xf32, #tpu.memory_space<hbm>> -> memref<32x1x32xf32, #tpu.memory_space<hbm>>
      %dma_start3A_104 = tpu.memref_squeeze %dma_start3A_103 : memref<32x1x32xf32, #tpu.memory_space<hbm>> -> memref<32x32xf32, #tpu.memory_space<hbm>>
      %dma_start3A_105 = arith.constant 0 : i32
      %dma_start3A_106 = tpu.memref_slice %arg7[%dma_start3A, %mul3A_95, %dma_start3A_105] : memref<2x1248x32xf32, #tpu.memory_space<vmem>> -> memref<1x32x32xf32, #tpu.memory_space<vmem>>
      %dma_start3A_107 = tpu.memref_squeeze %dma_start3A_106 : memref<1x32x32xf32, #tpu.memory_space<vmem>> -> memref<32x32xf32, #tpu.memory_space<vmem>>
      tpu.enqueue_dma source(%dma_start3A_107 : memref<32x32xf32, #tpu.memory_space<vmem>>) target(%dma_start3A_104 : memref<32x32xf32, #tpu.memory_space<hbm>>) target_semaphore(%arg9 : memref<!tpu.dma_semaphore, #tpu.memory_space<semaphore_mem>>)
    }
    %scan3A_84 = arith.constant 39 : i32
    %add3A_85 = arith.constant 480 : i32
    %add3A_86 = arith.addi %mul3A_2, %add3A_85 : i32
    %scan3A_87 = arith.constant 0 : i32
    %scan3A_88 = arith.constant 0 : i32
    %scan3A_89 = arith.constant 39 : i32
    %scan3A_90 = arith.addi %scan3A_88, %scan3A_89 : i32
    %scan3A_91 = arith.constant 1 : i32
    scf.for %scan3A_93 = %scan3A_88 to %scan3A_90 step %scan3A_91  : i32 {
      %mul3A_94 = arith.constant 32 : i32
      %mul3A_95 = arith.muli %scan3A_93, %mul3A_94 : i32
      %dma_wait3A = arith.constant 1 : i32
      %dma_wait3A_96 = arith.constant 0 : i32
      %dma_wait3A_97 = tpu.memref_slice %arg7[%dma_wait3A, %mul3A_95, %dma_wait3A_96] : memref<2x1248x32xf32, #tpu.memory_space<vmem>> -> memref<1x32x32xf32, #tpu.memory_space<vmem>>
      %dma_wait3A_98 = tpu.memref_squeeze %dma_wait3A_97 : memref<1x32x32xf32, #tpu.memory_space<vmem>> -> memref<32x32xf32, #tpu.memory_space<vmem>>
      %dma_wait3A_99 = arith.constant 0 : i32
      %dma_wait3A_100 = tpu.memref_slice %arg4[%add3A_86, %scan3A_93, %dma_wait3A_99] : memref<16384x40x32xf32, #tpu.memory_space<hbm>> -> memref<32x1x32xf32, #tpu.memory_space<hbm>>
      %dma_wait3A_101 = tpu.memref_squeeze %dma_wait3A_100 : memref<32x1x32xf32, #tpu.memory_space<hbm>> -> memref<32x32xf32, #tpu.memory_space<hbm>>
      %dma_wait3A_102 = arith.constant 0 : i32
      %dma_wait3A_103 = tpu.memref_slice %arg4[%add3A_86, %scan3A_93, %dma_wait3A_102] : memref<16384x40x32xf32, #tpu.memory_space<hbm>> -> memref<32x1x32xf32, #tpu.memory_space<hbm>>
      %dma_wait3A_104 = tpu.memref_squeeze %dma_wait3A_103 : memref<32x1x32xf32, #tpu.memory_space<hbm>> -> memref<32x32xf32, #tpu.memory_space<hbm>>
      %dma_wait3A_105 = arith.constant 0 : i32
      %dma_wait3A_106 = tpu.memref_slice %arg7[%dma_wait3A, %mul3A_95, %dma_wait3A_105] : memref<2x1248x32xf32, #tpu.memory_space<vmem>> -> memref<1x32x32xf32, #tpu.memory_space<vmem>>
      %dma_wait3A_107 = tpu.memref_squeeze %dma_wait3A_106 : memref<1x32x32xf32, #tpu.memory_space<vmem>> -> memref<32x32xf32, #tpu.memory_space<vmem>>
      tpu.wait_dma2 semaphore(%arg9 : memref<!tpu.dma_semaphore, #tpu.memory_space<semaphore_mem>>) src(%dma_wait3A_107 : memref<32x32xf32, #tpu.memory_space<vmem>>) dst(%dma_wait3A_104 : memref<32x32xf32, #tpu.memory_space<hbm>>)
    }
    %scan3A_92 = arith.constant 39 : i32
    return
  }
}

</mosaic_0001>

<sc_bundles>
// kernel: kernel.3.cloned.1.call-start
scs
__scs_entry_jumppad:
0x0: {  	(pc) =	sbr.rel $0x88, $3  }
0x1: {  	(tag) =	ssettag $0x0;
	lr =	simm.s32 $0x1  }
0x2: {  	[smem:$0x3F9F] =	sst lr;
	_ =	strace $0xD0000000  }
0x3: {  	_ = 	snop  }
0x4: {  	_ = 	snop  }
0x5: {  	_ = 	snop  }
0x6: {  	_ = 	snop  }
0x7: {  	_ = 	snop  }
__scs_overlays_trampoline_lowered:
0x8: {  	[smem:$0x3FAE] =	sst s0  }
0x9: {  	[smem:$0x3FAF] =	sst s1  }
0xa: {  	[smem:$0x3FB0] =	sst s2  }
0xb: {  	[smem:$0x3FB1] =	sst s3  }
0xc: {  	[smem:$0x3FB2] =	sst s4  }
0xd: {  	[smem:$0x3FB3] =	sst s5  }
0xe: {  	[smem:$0x3FB4] =	sst s6  }
0xf: {  	[smem:$0x3FB5] =	sst s7  }
0x10: {  	[smem:$0x3FB6] =	sst s8  }
0x11: {  	[smem:$0x3FB7] =	sst s9;
	s0 =	simm.s32 @!p0 $0x0  }
0x12: {  	s1 =	sld [smem:$0x3F9D];
	s0 =	simm.s32 @p0 $0x1  }
0x13: {  	[smem:$0x3FB8] =	sst s0;
	s0 =	simm.s32 @!p1 $0x0  }
0x14: {  	s2 =	sld [smem:$0x3F9C];
	s0 =	simm.s32 @p1 $0x1  }
0x15: {  	[smem:$0x3FB9] =	sst s0;
	s0 =	simm.s32 @!p2 $0x0  }
0x16: {  	s3 =	sld [smem:$0x3FDB];
	s0 =	simm.s32 @p2 $0x1  }
0x17: {  	s4 =	simm.s32 $0x1BF5;
	[smem:$0x3FBB] =	sst s0  }
0x18: {  	s0 =	sld [smem:$0x3F9E];
	_ =	swait.ge [sflag:s4], $0x0  }
0x19: {  	s7 =	sld [smem:$0x3F9F]  }
0x1a: {  	s8 =	sadd.s32 $0xFFFFE003, lr  }
0x1b: {  	s9 =	sadd.s32 $0xFFFFFEF7, lr;
	s5 =	simm.s32 $0xFFFFFFFF;
	p2 =	slt.u32 s8, $0xFFFFF086  }
0x1c: {  	p1 =	slt.u32 s9, $0xF7A;
	s5 =	simm.s32 @!p2 $0x0  }
0x1d: {  	s5 =	simm.s32 @p1 $0x1;
	p0 =	seq.s32 s7, s2  }
0x1e: {  	s7 =	smul.u32 @!p0 $0xF7A, s2;
	p2 =	seq.s32 @!p0 s5, $0x0  }
0x1f: {  	s9 =	smul.u32 $0xF7A, s1;
	s8 =	simm.s32 @!p0 $0x1BF5;
	p2 =	por !p2, p0  }
0x20: {  	[sflag:s8] =	ssyncset.s32 @!p0 $0xFFFFF086;
	s6 =	sadd.s32 @!p0 s3, s7;
	s7 =	simm.s32 @!p0 $0x108  }
0x21: {  	s3 =	sadd.s32 s3, s9;
	s6 =	sadd.s32 @!p0 $0x88, s6;
	s7 =	simm.s32 @p2 $0x1082  }
0x22: {  	[simem:s7], [sflag:s8] =	dma.local @!p0 [hbm:s6], $0xF7A  }
0x23: {  	s9 =	sor.u32 $0xD0000000, s2;
	s6 =	simm.s32 $0x108;
	_ =	swait.ge @!p0 [sflag:s8], $0x0  }
0x24: {  	s3 =	sadd.s32 $0x88, s3;
	s6 =	simm.s32 @!p1 $0x1082;
	[sflag:s4] =	ssyncset.s32 $0xFFFFF086  }
0x25: {  	[simem:s6], [sflag:s4] =	dma.local [hbm:s3], $0xF7A  }
0x26: {  	[smem:$0x3F9F] =	sst s1;
	(tag) =	ssettag s2;
	_ =	strace s9  }
0x27: {  	s1 =	sld [smem:$0x3FAF]  }
0x28: {  	s2 =	sld [smem:$0x3FB0]  }
0x29: {  	s4 =	sld [smem:$0x3FB2]  }
0x2a: {  	p0 =	seq.s32 s5, $0x0;
	s5 =	sld [smem:$0x3FB3]  }
0x2b: {  	s6 =	sld [smem:$0x3FB4]  }
0x2c: {  	s7 =	sld [smem:$0x3FB5]  }
0x2d: {  	s3 =	simm.s32 $0x108;
	s8 =	sld [smem:$0x3FB6]  }
0x2e: {  	s3 =	simm.s32 @!p0 $0x1082;
	s9 =	sld [smem:$0x3FB7]  }
0x2f: {  	lr =	sadd.s32 s0, s3;
	s0 =	sld [smem:$0x3FAE]  }
0x30: {  	s3 =	sld [smem:$0x3FB1]  }
0x31: {  	[smem:$0x3FBA] =	sst s10  }
0x32: {  	s10 =	sld [smem:$0x3FB8];
	_ =	sdelay $0x3  }
0x33: {  	p0 =	seq.s32 s10, $0x1;
	s10 =	sld [smem:$0x3FBA];
	_ =	sdelay $0x3  }
0x34: {  	[smem:$0x3FBA] =	sst s10  }
0x35: {  	s10 =	sld [smem:$0x3FB9];
	_ =	sdelay $0x3  }
0x36: {  	p1 =	seq.s32 s10, $0x1;
	s10 =	sld [smem:$0x3FBA];
	_ =	sdelay $0x3  }
0x37: {  	[smem:$0x3FBA] =	sst s10  }
0x38: {  	s10 =	sld [smem:$0x3FBB]  }
0x39: {  	_ = 	snop;
	(pc) =	sbr.ind lr, $3  }
0x3a: {  	_ = 	snop  }
0x3b: {  	_ = 	snop  }
0x3c: {  	p2 =	seq.s32 s10, $0x1;
	s10 =	sld [smem:$0x3FBA]  }
0x3d: {  	_ =	shalt  }
0x3e: {  	_ =	shalt  }
0x3f: {  	_ =	shalt  }
0x40: {  	_ =	shalt  }
0x41: {  	_ =	shalt  }
0x42: {  	_ =	shalt  }
0x43: {  	_ =	shalt  }
0x44: {  	_ =	shalt  }
0x45: {  	_ =	shalt  }
0x46: {  	_ =	shalt  }
0x47: {  	_ =	shalt  }
0x48: {  	_ =	shalt  }
0x49: {  	_ =	shalt  }
0x4a: {  	_ =	shalt  }
0x4b: {  	_ =	shalt  }
0x4c: {  	_ =	shalt  }
0x4d: {  	_ =	shalt  }
0x4e: {  	_ =	shalt  }
0x4f: {  	_ =	shalt  }
0x50: {  	_ =	shalt  }
0x51: {  	_ =	shalt  }
0x52: {  	_ =	shalt  }
0x53: {  	_ =	shalt  }
0x54: {  	_ =	shalt  }
0x55: {  	_ =	shalt  }
0x56: {  	_ =	shalt  }
0x57: {  	_ =	shalt  }
0x58: {  	_ =	shalt  }
0x59: {  	_ =	shalt  }
0x5a: {  	_ =	shalt  }
0x5b: {  	_ =	shalt  }
0x5c: {  	_ =	shalt  }
0x5d: {  	_ =	shalt  }
0x5e: {  	_ =	shalt  }
0x5f: {  	_ =	shalt  }
0x60: {  	_ =	shalt  }
0x61: {  	_ =	shalt  }
0x62: {  	_ =	shalt  }
0x63: {  	_ =	shalt  }
0x64: {  	_ =	shalt  }
0x65: {  	_ =	shalt  }
0x66: {  	_ =	shalt  }
0x67: {  	_ =	shalt  }
0x68: {  	_ =	shalt  }
0x69: {  	_ =	shalt  }
0x6a: {  	_ =	shalt  }
0x6b: {  	_ =	shalt  }
0x6c: {  	_ =	shalt  }
0x6d: {  	_ =	shalt  }
0x6e: {  	_ =	shalt  }
0x6f: {  	_ =	shalt  }
0x70: {  	_ =	shalt  }
0x71: {  	_ =	shalt  }
0x72: {  	_ =	shalt  }
0x73: {  	_ =	shalt  }
0x74: {  	_ =	shalt  }
0x75: {  	_ =	shalt  }
0x76: {  	_ =	shalt  }
0x77: {  	_ =	shalt  }
0x78: {  	_ =	shalt  }
0x79: {  	_ =	shalt  }
0x7a: {  	_ =	shalt  }
0x7b: {  	_ =	shalt  }
0x7c: {  	_ =	shalt  }
0x7d: {  	_ =	shalt  }
0x7e: {  	_ =	shalt  }
0x7f: {  	_ =	shalt  }
0x80: {  	_ =	shalt  }
0x81: {  	_ =	shalt  }
0x82: {  	_ =	shalt  }
0x83: {  	_ =	shalt  }
0x84: {  	_ =	shalt  }
0x85: {  	_ =	shalt  }
0x86: {  	_ =	shalt  }
0x87: {  	_ =	shalt  }
.Lfunc_end0:
.L_simem_size_0:
called_computation.2_lowered:
.L_overlay_start_0:
0x88: {  	s2 =	sld [smem:$0x3FD9]  }
0x89: {  	s3 =	sld [smem:$0x3FFE];
	_ =	sdelay $0x1  }
0x8a: {  	s1 =	srdreg.scid  }
0x8b: {  	s0 =	sand.u32 $0x1, s1  }
0x8c: {  	s17 =	sshll.u32 s0, $0xA;
	s2 =	sadd.s32 s3, s2  }
0x8d: {  	s2 =	sadd.s32 s2, s17  }
0x8e: {  	[smem:$0x3FC6] =	sst s2  }
0x8f: {  	_ = 	snop  }
0x90: {  	s2 =	sld [smem:$0x3FD0];
	(tm) =	ssettm $0x1  }
0x91: {  	s18 =	sld [smem:$0x3FFB];
	_ =	sdelay $0x3  }
0x92: {  	_ =	strace s18  }
0x93: {  	s3 =	sld [smem:$0x3FFC];
	_ =	sdelay $0x3  }
0x94: {  	_ =	strace s3  }
0x95: {  	s3 =	sld [smem:$0x3FFD];
	_ =	sdelay $0x3  }
0x96: {  	_ =	strace s3  }
0x97: {  	_ =	strace $0x8FFFFFFF  }
0x98: {  	s19 =	sld [smem:$0x3FDB];
	_ =	sdelay $0x1  }
0x99: {  	s4 =	simm.s32 $_scs_section_size  }
0x9a: {  	s5 =	simm.s32 $_size__tile_overlayer_lowered;
	s6 =	simm.s32 $_tile_overlayer_lowered  }
0x9b: {  	s22 =	simm.s32 $0x1BFF;
	s21 =	sshll.u32 s6, $0x1;
	s3 =	sadd.s32 s4, s19  }
0x9c: {  	s7 =	simm.s32 $0x0;
	s20 =	sshll.u32 s5, $0x1;
	s5 =	sadd.s32 s21, s3  }
0x9d: {  	[timem:s7], [sflag:s22] =	dma.local [hbm:s5], s20  }
0x9e: {  	_ =	swait.ge [sflag:s22], s20  }
0x9f: {  	s4 =	ssub.s32 $0x0, s20;
	[sflag:s22] =	ssyncset.done $0x0  }
0xa0: {  	[sflag:s22] =	ssyncadd.s32 s4;
	_ =	sdelay $0x1  }
0xa1: {  	s23 =	simm.s32 $0x1B8B  }
0xa2: {  	_ =	swait.ge [sflag:s23], $0x1  }
0xa3: {  	[sflag:s23] =	ssyncset.done $0x0  }
0xa4: {  	s25 =	simm.s32 $0x1B8E;
	s24 =	sld [smem:$0x3FFE];
	[sflag:s23] =	ssyncadd.s32 $0xFFFFFFFF  }
0xa5: {  	s26 =	simm.s32 $execute0_lowered;
	[smem:$0x3FD2] =	sst s25  }
0xa6: {  	s5 =	sshll.u32 s26, $0x1;
	_ =	strace $0x80000049;
	[dreg:$0x1] =	wrdreg $0xFFFFFFFF  }
0xa7: {  	s28 =	simm.s32 $_size_execute0_lowered;
	s3 =	sadd.s32 s3, s5;
	[dreg:$0x0] =	wrdreg $0x0  }
0xa8: {  	s5 =	sshll.u32 s28, $0x1;
	[dreg:$0x2] =	wrdreg s3  }
0xa9: {  	[dreg:$0x3] =	wrdreg s5  }
0xaa: {  	[dreg:$0x4] =	wrdreg $0xC0  }
0xab: {  	_ =	task [dreg:s7], $0x5FFFF  }
0xac: {  	[dreg:$0x1] =	wrdreg $0xFFFFFFFF  }
0xad: {  	[dreg:$0x0] =	wrdreg $0x60  }
0xae: {  	[dreg:$0x2] =	wrdreg s2  }
0xaf: {  	[dreg:$0x3] =	wrdreg s24  }
0xb0: {  	[dreg:$0x4] =	wrdreg $0x9  }
0xb1: {  	_ =	task.clear_ibuf [dreg:s7], $0x5FFFF;
	_ =	strace $0x90000049  }
0xb2: {  	s29 =	simm.s32 $0x9;
	_ =	strace $0x8000004B  }
0xb3: {  	_ =	swait.ge [sflag:s29], $0x1  }
0xb4: {  	[sflag:s29] =	ssyncadd.s32 $0xFFFFFFFF  }
0xb5: {  	_ =	strace $0x9000004B  }
0xb6: {  	_ =	sfence  }
0xb7: {  	s30 =	sld [smem:$0x0];
	_ =	sdelay $0x2  }
0xb8: {  	s31 =	sshll.u32 s1, $0xD;
	s1 =	sshrl.u32 s1, $0x2  }
0xb9: {  	s3 =	sand.u32 $0x4000, s31;
	s1 =	sadd.s32 s1, s30  }
0xba: {  	s0 =	sor.u32 s3, s0;
	s1 =	sshll.u32 s1, $0x11  }
0xbb: {  	s0 =	sor.u32 s1, s0  }
0xbc: {  	s0 =	sadd.s32 $0x8F2B, s0  }
0xbd: {  	[sflag:s0] =	ssyncadd.remote.s32 $0x1  }
0xbe: {  	_ =	sfence.sel $0xFFFF  }
0xbf: {  	[dreg:$0x0] =	wrdreg $0xFFFFFFFF;
	(pc) =	sbr.abs _section_cstart, $3  }
0xc0: {  	[dreg:$0x1] =	wrdreg $0xFFFFFFFF  }
0xc1: {  	_ =	task.clear_ibuf [dreg:s7], $0x2FFFF;
	_ =	strace $0x9FFFFFFF  }
0xc2: {  	(tm) =	ssettm $0x7FFFFFFF  }
0xc3: {  	_ =	shalt  }
tec
execute0_lowered:
.L_overlay_start_1:
0x0: {  	(tag) =	ssettag $0x1  }
0x1: {  	s2 =	rddreg [dreg:$0x0]  }
0x2: {  	s0 =	rddreg [dreg:$0x1];
	s1 =	srdreg.scid  }
0x3: {  	s8 =	stileid.u32;
	s3 =	simm.s32 $0x0;
	s13 =	simm.s32 $0x20  }
0x4: {  	s29 =	simm.s32 $0x500;
	s28 =	simm.s32 $0x2;
	s30 =	simm.s32 $0x0  }
0x5: {  	s1 =	sand.u32 $0x1, s1;
	s4 =	sshll.u32 s8, $0xA;
	s9 =	smul.u32 $0x140000, s8  }
0x6: {  	[smem:$0x7FF] =	sst s3;
	s10 =	sadd.s32 $0xE00, s0;
	s12 =	smul.u32 $0x28000, s8  }
0x7: {  	s5 =	sshll.u32 s1, $0x9;
	_ =	strace $0x8000004A;
	s11 =	smul.u32 $0xA0000, s1  }
0x8: {  	s23 =	ssub.s32 $0x2, s1;
	s1 =	smul.u32 $0x14000, s1;
	s4 =	sor.u32 s5, s4  }
0x9: {  	s5 =	sadd.s32 $0x27AD200, s0;
	s7 =	sshrl.u32 s23, $0x1;
	s25 =	sadd.s32 s12, s10  }
0xa: {  	s12 =	simm.s32 $0x3;
	s6 =	smul.u32 $0x5, s4;
	s0 =	ssub.s32 s23, s7  }
0xb: {  	s24 =	sadd.s32 s11, s9;
	s1 =	sadd.s32 s1, s25;
	s23 =	simm.s32 $0x14080  }
0xc: {  	v0 =	vlaneseq.u32;
	s25 =	simm.s32 $0x14480;
	s8 =	smax.u32 s0, $0x1;
	s11 =	sshrl.u32 s24, $0x3  }
0xd: {  	v0 =	vmul.u32 $0x28, v0;
	s26 =	sadd.s32 $0x96000, s24;
	s0 =	sadd.s32 $0x1400, s1;
	s24 =	simm.s32 $0x1060  }
0xe: {  	s6 =	sadd.s32 s2, s6;
	s9 =	sadd.s32 s11, s10;
	s31 =	sshrl.u32 s26, $0x3  }
0xf: {  	v1 =	vadd.s32 $0x280, v0;
	s26 =	simm.s32 $0x1;
	s7 =	sadd.s32 $0xA0, s6;
	s11 =	sadd.s32 s31, s10  }
.LBB2_1:
0x10: {  	s1 =	simm.s32 $0xD  }
0x11: {  	v2 =	vmov s1  }
0x12: {  	v2 =	vand.u32 $0x3F, v2  }
0x13: {  	v3 =	vadd.s32 v0, v2  }
0x14: {  	[tilespmem:s3], [sflag:$0x3] =	stream.linear.gather [hbm4b:s6+s3], $0x500, $0x38;
	[tilespmem:$0x14880] =	vst v63  }
0x15: {  	_ =	swait.ge [sflag:s12], $0x500  }
0x16: {  	[sflag:s12] =	ssyncset.done $0x0  }
0x17: {  	[sflag:s12] =	ssyncadd.s32 $0xFFFFFB00  }
0x18: {  	v3 =	vld.idx.msk [tilespmem:v3+s3+$0x0], $0xffff;
	_ =	sdelay $0x4  }
0x19: {  	v2 =	vadd.s32 v1, v2;
	v3 =	vtrunc.f32 v3  }
0x1a: {  	v3 =	vcvt.f32.s32 v3;
	_ =	sdelay $0x1  }
0x1b: {  	s1 =	simm.s32 $0xA10;
	v3 =	vadd.s32 s3, v3  }
0x1c: {  	[tilespmem:s1+$0xFFFFFFF0] =	vst v3  }
0x1d: {  	v2 =	vld.idx.msk [tilespmem:v2+s3+$0x0], $0xffff;
	_ =	sdelay $0x1  }
0x1e: {  	s10 =	simm.s32 $0xE  }
0x1f: {  	s14 =	simm.s32 $0xF;
	v3 =	vmov s10;
	s10 =	simm.s32 $0x0  }
.LBB2_2:
0x20: {  	p0 =	sne.s32 s14, $0x26;
	v3 =	vand.u32 $0x3F, v3  }
0x21: {  	v2 =	vtrunc.f32 v2;
	v4 =	vadd.s32 v0, v3  }
0x22: {  	v2 =	vcvt.f32.s32 v2;
	_ =	sdelay $0x1  }
0x23: {  	v2 =	vadd.s32 s10, v2  }
0x24: {  	[tilespmem:s1+$0x0] =	vst v2  }
0x25: {  	v2 =	vld.idx.msk [tilespmem:v4+s3+$0x0], $0xffff;
	_ =	sdelay $0x5  }
0x26: {  	v3 =	vadd.s32 v1, v3;
	v2 =	vtrunc.f32 v2  }
0x27: {  	v2 =	vcvt.f32.s32 v2  }
0x28: {  	s10 =	sadd.s32 $0x186A0, s10  }
0x29: {  	s1 =	sadd.s32 $0x20, s1;
	v2 =	vadd.s32 s10, v2  }
0x2a: {  	[tilespmem:s1+$0xFFFFFFF0] =	vst v2  }
.Ltmp0:
0x2b: {  	v2 =	vld.idx.msk [tilespmem:v3+s3+$0x0], $0xffff;
	(pc) =	sbr.rel @p0 .LBB2_2-.Ltmp0, $2  }
0x2c: {  	_ =	sdelay $0x2  }
0x2d: {  	v3 =	vmov s14;
	s14 =	sadd.s32 $0x1, s14  }
0x2e: {  	v3 =	vand.u32 $0x3F, v3  }
0x2f: {  	v2 =	vtrunc.f32 v2;
	v4 =	vadd.s32 v0, v3  }
0x30: {  	v2 =	vcvt.f32.s32 v2;
	_ =	sdelay $0x1  }
0x31: {  	v2 =	vadd.s32 s10, v2  }
0x32: {  	[tilespmem:s1+$0x0] =	vst v2  }
0x33: {  	v2 =	vld.idx.msk [tilespmem:v4+s3+$0x0], $0xffff;
	_ =	sdelay $0x4  }
0x34: {  	v3 =	vadd.s32 v1, v3;
	v2 =	vtrunc.f32 v2  }
0x35: {  	v2 =	vcvt.f32.s32 v2  }
0x36: {  	s20 =	sadd.s32 $0x186A0, s10  }
0x37: {  	s21 =	sadd.s32 $0x20, s1;
	v2 =	vadd.s32 s20, v2  }
0x38: {  	[tilespmem:s21+$0xFFFFFFF0] =	vst v2  }
0x39: {  	v2 =	vld.idx.msk [tilespmem:v3+s3+$0x0], $0xffff;
	_ =	sdelay $0x4  }
0x3a: {  	v2 =	vtrunc.f32 v2  }
0x3b: {  	v2 =	vcvt.f32.s32 v2;
	_ =	sdelay $0x1  }
0x3c: {  	v2 =	vadd.s32 s20, v2  }
0x3d: {  	s22 =	simm.s32 $0xA00;
	s31 =	simm.s32 $0x4480;
	[tilespmem:s21+$0x0] =	vst v2  }
0x3e: {  	[tilespmem:s31], [sflag:$0x1] =	stream.indirect.gather [hbm4b:s5+s13], $0x20, s22, s13, $0xb8;
	[tilespmem:$0x14880] =	vst v63  }
0x3f: {  	s14 =	simm.s32 $0xA20;
	s15 =	simm.s32 $0x4880  }
0x40: {  	[tilespmem:s15], [sflag:$0x1] =	stream.indirect.gather [hbm4b:s5+s13], $0x20, s14, s13, $0xb8;
	[tilespmem:$0x14880] =	vst v63  }
0x41: {  	s16 =	simm.s32 $0xA40;
	s17 =	simm.s32 $0x4C80  }
0x42: {  	[tilespmem:s17], [sflag:$0x1] =	stream.indirect.gather [hbm4b:s5+s13], $0x20, s16, s13, $0xb8;
	[tilespmem:$0x14880] =	vst v63  }
0x43: {  	s18 =	simm.s32 $0xA60;
	s19 =	simm.s32 $0x5080  }
0x44: {  	[tilespmem:s19], [sflag:$0x1] =	stream.indirect.gather [hbm4b:s5+s13], $0x20, s18, s13, $0xb8;
	[tilespmem:$0x14880] =	vst v63  }
0x45: {  	s20 =	simm.s32 $0xA80;
	s21 =	simm.s32 $0x5480  }
0x46: {  	[tilespmem:s21], [sflag:$0x1] =	stream.indirect.gather [hbm4b:s5+s13], $0x20, s20, s13, $0xb8;
	[tilespmem:$0x14880] =	vst v63  }
0x47: {  	s22 =	simm.s32 $0xAA0;
	s31 =	simm.s32 $0x5880  }
0x48: {  	[tilespmem:s31], [sflag:$0x1] =	stream.indirect.gather [hbm4b:s5+s13], $0x20, s22, s13, $0xb8;
	[tilespmem:$0x14880] =	vst v63  }
0x49: {  	s14 =	simm.s32 $0xAC0;
	s15 =	simm.s32 $0x5C80  }
0x4a: {  	[tilespmem:s15], [sflag:$0x1] =	stream.indirect.gather [hbm4b:s5+s13], $0x20, s14, s13, $0xb8;
	[tilespmem:$0x14880] =	vst v63  }
0x4b: {  	s16 =	simm.s32 $0xAE0;
	s17 =	simm.s32 $0x6080  }
0x4c: {  	[tilespmem:s17], [sflag:$0x1] =	stream.indirect.gather [hbm4b:s5+s13], $0x20, s16, s13, $0xb8;
	[tilespmem:$0x14880] =	vst v63  }
0x4d: {  	s18 =	simm.s32 $0xB00;
	s19 =	simm.s32 $0x6480  }
0x4e: {  	[tilespmem:s19], [sflag:$0x1] =	stream.indirect.gather [hbm4b:s5+s13], $0x20, s18, s13, $0xb8;
	[tilespmem:$0x14880] =	vst v63  }
0x4f: {  	s20 =	simm.s32 $0xB20;
	s21 =	simm.s32 $0x6880  }
0x50: {  	[tilespmem:s21], [sflag:$0x1] =	stream.indirect.gather [hbm4b:s5+s13], $0x20, s20, s13, $0xb8;
	[tilespmem:$0x14880] =	vst v63  }
0x51: {  	s22 =	simm.s32 $0xB40;
	s31 =	simm.s32 $0x6C80  }
0x52: {  	[tilespmem:s31], [sflag:$0x1] =	stream.indirect.gather [hbm4b:s5+s13], $0x20, s22, s13, $0xb8;
	[tilespmem:$0x14880] =	vst v63  }
0x53: {  	s14 =	simm.s32 $0xB60;
	s15 =	simm.s32 $0x7080  }
0x54: {  	[tilespmem:s15], [sflag:$0x1] =	stream.indirect.gather [hbm4b:s5+s13], $0x20, s14, s13, $0xb8;
	[tilespmem:$0x14880] =	vst v63  }
0x55: {  	s16 =	simm.s32 $0xB80;
	s17 =	simm.s32 $0x7480  }
0x56: {  	[tilespmem:s17], [sflag:$0x1] =	stream.indirect.gather [hbm4b:s5+s13], $0x20, s16, s13, $0xb8;
	[tilespmem:$0x14880] =	vst v63  }
0x57: {  	s18 =	simm.s32 $0xBA0;
	s19 =	simm.s32 $0x7880  }
0x58: {  	[tilespmem:s19], [sflag:$0x1] =	stream.indirect.gather [hbm4b:s5+s13], $0x20, s18, s13, $0xb8;
	[tilespmem:$0x14880] =	vst v63  }
0x59: {  	s20 =	simm.s32 $0xBC0;
	s21 =	simm.s32 $0x7C80  }
0x5a: {  	[tilespmem:s21], [sflag:$0x1] =	stream.indirect.gather [hbm4b:s5+s13], $0x20, s20, s13, $0xb8;
	[tilespmem:$0x14880] =	vst v63  }
0x5b: {  	s22 =	simm.s32 $0xBE0;
	s31 =	simm.s32 $0x8080  }
0x5c: {  	[tilespmem:s31], [sflag:$0x1] =	stream.indirect.gather [hbm4b:s5+s13], $0x20, s22, s13, $0xb8;
	[tilespmem:$0x14880] =	vst v63  }
0x5d: {  	s14 =	simm.s32 $0xC00;
	s15 =	simm.s32 $0x8480  }
0x5e: {  	[tilespmem:s15], [sflag:$0x1] =	stream.indirect.gather [hbm4b:s5+s13], $0x20, s14, s13, $0xb8;
	[tilespmem:$0x14880] =	vst v63  }
0x5f: {  	s16 =	simm.s32 $0xC20;
	s17 =	simm.s32 $0x8880  }
0x60: {  	[tilespmem:s17], [sflag:$0x1] =	stream.indirect.gather [hbm4b:s5+s13], $0x20, s16, s13, $0xb8;
	[tilespmem:$0x14880] =	vst v63  }
0x61: {  	s18 =	simm.s32 $0xC40;
	s19 =	simm.s32 $0x8C80  }
0x62: {  	[tilespmem:s19], [sflag:$0x1] =	stream.indirect.gather [hbm4b:s5+s13], $0x20, s18, s13, $0xb8;
	[tilespmem:$0x14880] =	vst v63  }
0x63: {  	s20 =	simm.s32 $0xC60;
	s21 =	simm.s32 $0x9080  }
0x64: {  	[tilespmem:s21], [sflag:$0x1] =	stream.indirect.gather [hbm4b:s5+s13], $0x20, s20, s13, $0xb8;
	[tilespmem:$0x14880] =	vst v63  }
0x65: {  	s22 =	simm.s32 $0xC80;
	s31 =	simm.s32 $0x9480  }
0x66: {  	[tilespmem:s31], [sflag:$0x1] =	stream.indirect.gather [hbm4b:s5+s13], $0x20, s22, s13, $0xb8;
	[tilespmem:$0x14880] =	vst v63  }
0x67: {  	s10 =	simm.s32 $0xCA0;
	s14 =	simm.s32 $0x9880  }
0x68: {  	[tilespmem:s14], [sflag:$0x1] =	stream.indirect.gather [hbm4b:s5+s13], $0x20, s10, s13, $0xb8;
	[tilespmem:$0x14880] =	vst v63  }
0x69: {  	s15 =	simm.s32 $0xCC0;
	s16 =	simm.s32 $0x9C80  }
0x6a: {  	[tilespmem:s16], [sflag:$0x1] =	stream.indirect.gather [hbm4b:s5+s13], $0x20, s15, s13, $0xb8;
	[tilespmem:$0x14880] =	vst v63  }
0x6b: {  	s17 =	simm.s32 $0xCE0;
	s18 =	simm.s32 $0xA080  }
0x6c: {  	[tilespmem:s18], [sflag:$0x1] =	stream.indirect.gather [hbm4b:s5+s13], $0x20, s17, s13, $0xb8;
	[tilespmem:$0x14880] =	vst v63  }
0x6d: {  	s19 =	simm.s32 $0xD00;
	s20 =	simm.s32 $0xA480;
	s21 =	simm.s32 $0xD  }
0x6e: {  	[tilespmem:s20], [sflag:$0x1] =	stream.indirect.gather [hbm4b:s5+s13], $0x20, s19, s13, $0xb8;
	[tilespmem:$0x14880] =	vst v63  }
0x6f: {  	v2 =	vmov s21;
	s22 =	simm.s32 $0xD20;
	s31 =	simm.s32 $0xA880  }
0x70: {  	v2 =	vand.u32 $0x3F, v2;
	[tilespmem:s31], [sflag:$0x1] =	stream.indirect.gather [hbm4b:s5+s13], $0x20, s22, s13, $0xb8;
	[tilespmem:$0x14880] =	vst v63  }
0x71: {  	s1 =	simm.s32 $0x0;
	v3 =	vadd.s32 v0, v2  }
0x72: {  	[tilespmem:s29], [sflag:$0x3] =	stream.linear.gather [hbm4b:s7+s1], $0x500, $0x38;
	[tilespmem:$0x14880] =	vst v63  }
0x73: {  	_ =	swait.ge [sflag:s12], $0x500  }
0x74: {  	[sflag:s12] =	ssyncset.done $0x0  }
0x75: {  	[sflag:s12] =	ssyncadd.s32 $0xFFFFFB00  }
0x76: {  	v3 =	vld.idx.msk [tilespmem:v3+s29+$0x0], $0xffff;
	_ =	sdelay $0x4  }
0x77: {  	v2 =	vadd.s32 v1, v2;
	v3 =	vtrunc.f32 v3  }
0x78: {  	v3 =	vcvt.f32.s32 v3;
	_ =	sdelay $0x1  }
0x79: {  	s10 =	simm.s32 $0xD50;
	v3 =	vadd.s32 s1, v3  }
0x7a: {  	[tilespmem:s10+$0xFFFFFFF0] =	vst v3  }
0x7b: {  	v2 =	vld.idx.msk [tilespmem:v2+s29+$0x0], $0xffff;
	_ =	sdelay $0x1  }
0x7c: {  	s14 =	simm.s32 $0xE  }
0x7d: {  	v3 =	vmov s14;
	s14 =	simm.s32 $0xF  }
.LBB2_4:
0x7e: {  	p0 =	sne.s32 s14, $0x26;
	v3 =	vand.u32 $0x3F, v3  }
0x7f: {  	v2 =	vtrunc.f32 v2;
	v4 =	vadd.s32 v0, v3  }
0x80: {  	v2 =	vcvt.f32.s32 v2;
	_ =	sdelay $0x1  }
0x81: {  	v2 =	vadd.s32 s1, v2  }
0x82: {  	[tilespmem:s10+$0x0] =	vst v2  }
0x83: {  	v2 =	vld.idx.msk [tilespmem:v4+s29+$0x0], $0xffff;
	_ =	sdelay $0x5  }
0x84: {  	v3 =	vadd.s32 v1, v3;
	v2 =	vtrunc.f32 v2  }
0x85: {  	v2 =	vcvt.f32.s32 v2  }
0x86: {  	s1 =	sadd.s32 $0x186A0, s1  }
0x87: {  	s10 =	sadd.s32 $0x20, s10;
	v2 =	vadd.s32 s1, v2  }
0x88: {  	[tilespmem:s10+$0xFFFFFFF0] =	vst v2  }
.Ltmp1:
0x89: {  	v2 =	vld.idx.msk [tilespmem:v3+s29+$0x0], $0xffff;
	(pc) =	sbr.rel @p0 .LBB2_4-.Ltmp1, $2  }
0x8a: {  	_ =	sdelay $0x2  }
0x8b: {  	v3 =	vmov s14;
	s14 =	sadd.s32 $0x1, s14  }
0x8c: {  	v3 =	vand.u32 $0x3F, v3  }
0x8d: {  	v2 =	vtrunc.f32 v2;
	v4 =	vadd.s32 v0, v3  }
0x8e: {  	v2 =	vcvt.f32.s32 v2;
	_ =	sdelay $0x1  }
0x8f: {  	v2 =	vadd.s32 s1, v2  }
0x90: {  	[tilespmem:s10+$0x0] =	vst v2  }
0x91: {  	v2 =	vld.idx.msk [tilespmem:v4+s29+$0x0], $0xffff;
	_ =	sdelay $0x4  }
0x92: {  	v3 =	vadd.s32 v1, v3;
	v2 =	vtrunc.f32 v2  }
0x93: {  	v2 =	vcvt.f32.s32 v2  }
0x94: {  	s14 =	sadd.s32 $0x186A0, s1  }
0x95: {  	s15 =	sadd.s32 $0x20, s10;
	v2 =	vadd.s32 s14, v2  }
0x96: {  	[tilespmem:s15+$0xFFFFFFF0] =	vst v2  }
0x97: {  	v2 =	vld.idx.msk [tilespmem:v3+s29+$0x0], $0xffff;
	_ =	sdelay $0x4  }
0x98: {  	v2 =	vtrunc.f32 v2  }
0x99: {  	v2 =	vcvt.f32.s32 v2;
	_ =	sdelay $0x1  }
0x9a: {  	v2 =	vadd.s32 s14, v2  }
0x9b: {  	s16 =	simm.s32 $0xD40;
	s17 =	simm.s32 $0xE080;
	[tilespmem:s15+$0x0] =	vst v2  }
0x9c: {  	[tilespmem:s17], [sflag:$0x1] =	stream.indirect.gather [hbm4b:s5+s13], $0x20, s16, s13, $0xb8;
	[tilespmem:$0x14880] =	vst v63  }
0x9d: {  	s18 =	simm.s32 $0xD60;
	s19 =	simm.s32 $0xE480  }
0x9e: {  	[tilespmem:s19], [sflag:$0x1] =	stream.indirect.gather [hbm4b:s5+s13], $0x20, s18, s13, $0xb8;
	[tilespmem:$0x14880] =	vst v63  }
0x9f: {  	s20 =	simm.s32 $0xD80;
	s21 =	simm.s32 $0xE880  }
0xa0: {  	[tilespmem:s21], [sflag:$0x1] =	stream.indirect.gather [hbm4b:s5+s13], $0x20, s20, s13, $0xb8;
	[tilespmem:$0x14880] =	vst v63  }
0xa1: {  	s22 =	simm.s32 $0xDA0;
	s31 =	simm.s32 $0xEC80  }
0xa2: {  	[tilespmem:s31], [sflag:$0x1] =	stream.indirect.gather [hbm4b:s5+s13], $0x20, s22, s13, $0xb8;
	[tilespmem:$0x14880] =	vst v63  }
0xa3: {  	s14 =	simm.s32 $0xDC0;
	s15 =	simm.s32 $0xF080  }
0xa4: {  	[tilespmem:s15], [sflag:$0x1] =	stream.indirect.gather [hbm4b:s5+s13], $0x20, s14, s13, $0xb8;
	[tilespmem:$0x14880] =	vst v63  }
0xa5: {  	s16 =	simm.s32 $0xDE0;
	s17 =	simm.s32 $0xF480  }
0xa6: {  	[tilespmem:s17], [sflag:$0x1] =	stream.indirect.gather [hbm4b:s5+s13], $0x20, s16, s13, $0xb8;
	[tilespmem:$0x14880] =	vst v63  }
0xa7: {  	s18 =	simm.s32 $0xE00;
	s19 =	simm.s32 $0xF880  }
0xa8: {  	[tilespmem:s19], [sflag:$0x1] =	stream.indirect.gather [hbm4b:s5+s13], $0x20, s18, s13, $0xb8;
	[tilespmem:$0x14880] =	vst v63  }
0xa9: {  	s20 =	simm.s32 $0xE20;
	s21 =	simm.s32 $0xFC80  }
0xaa: {  	[tilespmem:s21], [sflag:$0x1] =	stream.indirect.gather [hbm4b:s5+s13], $0x20, s20, s13, $0xb8;
	[tilespmem:$0x14880] =	vst v63  }
0xab: {  	s22 =	simm.s32 $0xE40;
	s31 =	simm.s32 $0x10080  }
0xac: {  	[tilespmem:s31], [sflag:$0x1] =	stream.indirect.gather [hbm4b:s5+s13], $0x20, s22, s13, $0xb8;
	[tilespmem:$0x14880] =	vst v63  }
0xad: {  	s14 =	simm.s32 $0xE60;
	s15 =	simm.s32 $0x10480  }
0xae: {  	[tilespmem:s15], [sflag:$0x1] =	stream.indirect.gather [hbm4b:s5+s13], $0x20, s14, s13, $0xb8;
	[tilespmem:$0x14880] =	vst v63  }
0xaf: {  	s16 =	simm.s32 $0xE80;
	s17 =	simm.s32 $0x10880  }
0xb0: {  	[tilespmem:s17], [sflag:$0x1] =	stream.indirect.gather [hbm4b:s5+s13], $0x20, s16, s13, $0xb8;
	[tilespmem:$0x14880] =	vst v63  }
0xb1: {  	s18 =	simm.s32 $0xEA0;
	s19 =	simm.s32 $0x10C80  }
0xb2: {  	[tilespmem:s19], [sflag:$0x1] =	stream.indirect.gather [hbm4b:s5+s13], $0x20, s18, s13, $0xb8;
	[tilespmem:$0x14880] =	vst v63  }
0xb3: {  	s20 =	simm.s32 $0xEC0;
	s21 =	simm.s32 $0x11080  }
0xb4: {  	[tilespmem:s21], [sflag:$0x1] =	stream.indirect.gather [hbm4b:s5+s13], $0x20, s20, s13, $0xb8;
	[tilespmem:$0x14880] =	vst v63  }
0xb5: {  	s22 =	simm.s32 $0xEE0;
	s31 =	simm.s32 $0x11480  }
0xb6: {  	[tilespmem:s31], [sflag:$0x1] =	stream.indirect.gather [hbm4b:s5+s13], $0x20, s22, s13, $0xb8;
	[tilespmem:$0x14880] =	vst v63  }
0xb7: {  	s14 =	simm.s32 $0xF00;
	s15 =	simm.s32 $0x11880  }
0xb8: {  	[tilespmem:s15], [sflag:$0x1] =	stream.indirect.gather [hbm4b:s5+s13], $0x20, s14, s13, $0xb8;
	[tilespmem:$0x14880] =	vst v63  }
0xb9: {  	s16 =	simm.s32 $0xF20;
	s17 =	simm.s32 $0x11C80  }
0xba: {  	[tilespmem:s17], [sflag:$0x1] =	stream.indirect.gather [hbm4b:s5+s13], $0x20, s16, s13, $0xb8;
	[tilespmem:$0x14880] =	vst v63  }
0xbb: {  	s18 =	simm.s32 $0xF40;
	s19 =	simm.s32 $0x12080  }
0xbc: {  	[tilespmem:s19], [sflag:$0x1] =	stream.indirect.gather [hbm4b:s5+s13], $0x20, s18, s13, $0xb8;
	[tilespmem:$0x14880] =	vst v63  }
0xbd: {  	s20 =	simm.s32 $0xF60;
	s21 =	simm.s32 $0x12480  }
0xbe: {  	[tilespmem:s21], [sflag:$0x1] =	stream.indirect.gather [hbm4b:s5+s13], $0x20, s20, s13, $0xb8;
	[tilespmem:$0x14880] =	vst v63  }
0xbf: {  	s22 =	simm.s32 $0xF80;
	s31 =	simm.s32 $0x12880  }
0xc0: {  	[tilespmem:s31], [sflag:$0x1] =	stream.indirect.gather [hbm4b:s5+s13], $0x20, s22, s13, $0xb8;
	[tilespmem:$0x14880] =	vst v63  }
0xc1: {  	s10 =	simm.s32 $0xFA0;
	s14 =	simm.s32 $0x12C80  }
0xc2: {  	[tilespmem:s14], [sflag:$0x1] =	stream.indirect.gather [hbm4b:s5+s13], $0x20, s10, s13, $0xb8;
	[tilespmem:$0x14880] =	vst v63  }
0xc3: {  	s15 =	simm.s32 $0xFC0;
	s16 =	simm.s32 $0x13080  }
0xc4: {  	[tilespmem:s16], [sflag:$0x1] =	stream.indirect.gather [hbm4b:s5+s13], $0x20, s15, s13, $0xb8;
	[tilespmem:$0x14880] =	vst v63  }
0xc5: {  	s17 =	simm.s32 $0xFE0;
	s18 =	simm.s32 $0x13480  }
0xc6: {  	[tilespmem:s18], [sflag:$0x1] =	stream.indirect.gather [hbm4b:s5+s13], $0x20, s17, s13, $0xb8;
	[tilespmem:$0x14880] =	vst v63  }
0xc7: {  	s19 =	simm.s32 $0x1000;
	s20 =	simm.s32 $0x13880  }
0xc8: {  	[tilespmem:s20], [sflag:$0x1] =	stream.indirect.gather [hbm4b:s5+s13], $0x20, s19, s13, $0xb8;
	[tilespmem:$0x14880] =	vst v63  }
0xc9: {  	s21 =	simm.s32 $0x1020;
	s22 =	simm.s32 $0x13C80  }
0xca: {  	[tilespmem:s22], [sflag:$0x1] =	stream.indirect.gather [hbm4b:s5+s13], $0x20, s21, s13, $0xb8;
	[tilespmem:$0x14880] =	vst v63  }
0xcb: {  	s31 =	simm.s32 $0x1040  }
0xcc: {  	[tilespmem:s23], [sflag:$0x1] =	stream.indirect.gather [hbm4b:s5+s13], $0x20, s31, s13, $0xb8;
	[tilespmem:$0x14880] =	vst v63  }
0xcd: {  	s1 =	simm.s32 $0x0  }
0xce: {  	[tilespmem:s25], [sflag:$0x1] =	stream.indirect.gather [hbm4b:s5+s13], $0x20, s24, s13, $0xb8;
	[tilespmem:$0x14880] =	vst v63  }
0xcf: {  	s10 =	simm.s32 $0x80;
	s14 =	simm.s32 $0x0;
	v2 =	vld [tilespmem:s1+$0x0]  }
.LBB2_6:
0xd0: {  	p0 =	sne.s32 s10, $0xF80;
	_ =	sdelay $0x3  }
0xd1: {  	v3 =	vbroadcast v2, $0x0;
	v4 =	vbroadcast v2, $0x1  }
0xd2: {  	s15 =	sshra.s32 s1, $0x2;
	s1 =	smov.u32 s10;
	v5 =	vbroadcast v2, $0x2;
	v6 =	vbroadcast v2, $0x3  }
0xd3: {  	v7 =	vbroadcast v2, $0x4;
	v8 =	vbroadcast v2, $0x5;
	[tilespmem:s15+$0x1080] =	vst v3  }
0xd4: {  	v9 =	vbroadcast v2, $0x7;
	[tilespmem:s15+$0x1090] =	vst v3;
	v3 =	vbroadcast v2, $0x6  }
0xd5: {  	v10 =	vbroadcast v2, $0x8;
	v11 =	vbroadcast v2, $0x9;
	[tilespmem:s15+$0x1480] =	vst v4  }
0xd6: {  	v12 =	vbroadcast v2, $0xB;
	[tilespmem:s15+$0x1490] =	vst v4;
	v4 =	vbroadcast v2, $0xA  }
0xd7: {  	v2 =	vbroadcast v2, $0xC;
	[tilespmem:s15+$0x1880] =	vst v5  }
0xd8: {  	[tilespmem:s15+$0x1890] =	vst v5  }
0xd9: {  	[tilespmem:s15+$0x1C80] =	vst v6  }
0xda: {  	[tilespmem:s15+$0x1C90] =	vst v6  }
0xdb: {  	[tilespmem:s15+$0x2080] =	vst v7  }
0xdc: {  	[tilespmem:s15+$0x2090] =	vst v7  }
0xdd: {  	[tilespmem:s15+$0x2480] =	vst v8  }
0xde: {  	[tilespmem:s15+$0x2490] =	vst v8  }
0xdf: {  	[tilespmem:s15+$0x2880] =	vst v3  }
0xe0: {  	[tilespmem:s15+$0x2890] =	vst v3  }
0xe1: {  	[tilespmem:s15+$0x2C80] =	vst v9  }
0xe2: {  	[tilespmem:s15+$0x2C90] =	vst v9  }
0xe3: {  	[tilespmem:s15+$0x3080] =	vst v10  }
0xe4: {  	[tilespmem:s15+$0x3090] =	vst v10  }
0xe5: {  	[tilespmem:s15+$0x3480] =	vst v11  }
0xe6: {  	[tilespmem:s15+$0x3490] =	vst v11  }
0xe7: {  	[tilespmem:s15+$0x3880] =	vst v4  }
0xe8: {  	[tilespmem:s15+$0x3890] =	vst v4  }
.Ltmp2:
0xe9: {  	[tilespmem:s15+$0x3C80] =	vst v12;
	(pc) =	sbr.rel @p0 .LBB2_6-.Ltmp2, $4  }
0xea: {  	[tilespmem:s15+$0x3C90] =	vst v12  }
0xeb: {  	[tilespmem:s15+$0x4080] =	vst v2  }
0xec: {  	s14 =	sadd.s32 $0x28, s14;
	[tilespmem:s15+$0x4090] =	vst v2  }
0xed: {  	s10 =	sadd.s32 $0x80, s10;
	v2 =	vld [tilespmem:s14+$0x0]  }
0xee: {  	_ =	sdelay $0x3  }
0xef: {  	v3 =	vbroadcast v2, $0x0  }
0xf0: {  	s1 =	sshra.s32 s1, $0x2  }
0xf1: {  	v4 =	vbroadcast v2, $0x1;
	[tilespmem:s1+$0x1080] =	vst v3  }
0xf2: {  	[tilespmem:s1+$0x1090] =	vst v3  }
0xf3: {  	v59 =	vbroadcast v2, $0x3;
	[tilespmem:s1+$0x1480] =	vst v4  }
0xf4: {  	[tilespmem:s1+$0x1490] =	vst v4  }
0xf5: {  	v60 =	vbroadcast v2, $0x5;
	[tilespmem:s1+$0x1C80] =	vst v59  }
0xf6: {  	[tilespmem:s1+$0x1C90] =	vst v59  }
0xf7: {  	v61 =	vbroadcast v2, $0x7;
	[tilespmem:s1+$0x2480] =	vst v60  }
0xf8: {  	[tilespmem:s1+$0x2490] =	vst v60  }
0xf9: {  	v3 =	vbroadcast v2, $0x2;
	[tilespmem:s1+$0x2C80] =	vst v61  }
0xfa: {  	[tilespmem:s1+$0x2C90] =	vst v61  }
0xfb: {  	v62 =	vbroadcast v2, $0x9;
	[tilespmem:s1+$0x1880] =	vst v3  }
0xfc: {  	[tilespmem:s1+$0x1890] =	vst v3;
	v3 =	vbroadcast v2, $0x4  }
0xfd: {  	[tilespmem:s1+$0x3480] =	vst v62  }
0xfe: {  	[tilespmem:s1+$0x2080] =	vst v3  }
0xff: {  	[tilespmem:s1+$0x2090] =	vst v3;
	v3 =	vbroadcast v2, $0x6  }
0x100: {  	[tilespmem:s1+$0x3490] =	vst v62  }
0x101: {  	v63 =	vbroadcast v2, $0xB;
	[tilespmem:s1+$0x2880] =	vst v3  }
0x102: {  	[tilespmem:s1+$0x2890] =	vst v3;
	v3 =	vbroadcast v2, $0x8  }
0x103: {  	[tilespmem:s1+$0x3C80] =	vst v63  }
0x104: {  	[tilespmem:s1+$0x3080] =	vst v3  }
0x105: {  	[tilespmem:s1+$0x3090] =	vst v3;
	v3 =	vbroadcast v2, $0xA  }
0x106: {  	[tilespmem:s1+$0x3C90] =	vst v63  }
0x107: {  	v2 =	vbroadcast v2, $0xC;
	[tilespmem:s1+$0x3880] =	vst v3  }
0x108: {  	[tilespmem:s1+$0x3890] =	vst v3  }
0x109: {  	[tilespmem:s1+$0x4080] =	vst v2  }
0x10a: {  	[tilespmem:s1+$0x4090] =	vst v2  }
0x10b: {  	_ =	swait.ge [sflag:s26], $0x400  }
0x10c: {  	[sflag:s26] =	ssyncset.done $0x0  }
0x10d: {  	[sflag:s26] =	ssyncadd.s32 $0xFFFFFC00  }
0x10e: {  	_ =	swait.ge [sflag:s26], $0x400  }
0x10f: {  	[sflag:s26] =	ssyncset.done $0x0  }
0x110: {  	[sflag:s26] =	ssyncadd.s32 $0xFFFFFC00  }
0x111: {  	_ =	swait.ge [sflag:s26], $0x400  }
0x112: {  	[sflag:s26] =	ssyncset.done $0x0  }
0x113: {  	[sflag:s26] =	ssyncadd.s32 $0xFFFFFC00  }
0x114: {  	_ =	swait.ge [sflag:s26], $0x400  }
0x115: {  	[sflag:s26] =	ssyncset.done $0x0  }
0x116: {  	[sflag:s26] =	ssyncadd.s32 $0xFFFFFC00  }
0x117: {  	_ =	swait.ge [sflag:s26], $0x400  }
0x118: {  	[sflag:s26] =	ssyncset.done $0x0  }
0x119: {  	[sflag:s26] =	ssyncadd.s32 $0xFFFFFC00  }
0x11a: {  	_ =	swait.ge [sflag:s26], $0x400  }
0x11b: {  	[sflag:s26] =	ssyncset.done $0x0  }
0x11c: {  	[sflag:s26] =	ssyncadd.s32 $0xFFFFFC00  }
0x11d: {  	_ =	swait.ge [sflag:s26], $0x400  }
0x11e: {  	[sflag:s26] =	ssyncset.done $0x0  }
0x11f: {  	[sflag:s26] =	ssyncadd.s32 $0xFFFFFC00  }
0x120: {  	_ =	swait.ge [sflag:s26], $0x400  }
0x121: {  	[sflag:s26] =	ssyncset.done $0x0  }
0x122: {  	[sflag:s26] =	ssyncadd.s32 $0xFFFFFC00  }
0x123: {  	_ =	swait.ge [sflag:s26], $0x400  }
0x124: {  	[sflag:s26] =	ssyncset.done $0x0  }
0x125: {  	[sflag:s26] =	ssyncadd.s32 $0xFFFFFC00  }
0x126: {  	_ =	swait.ge [sflag:s26], $0x400  }
0x127: {  	[sflag:s26] =	ssyncset.done $0x0  }
0x128: {  	[sflag:s26] =	ssyncadd.s32 $0xFFFFFC00  }
0x129: {  	_ =	swait.ge [sflag:s26], $0x400  }
0x12a: {  	[sflag:s26] =	ssyncset.done $0x0  }
0x12b: {  	[sflag:s26] =	ssyncadd.s32 $0xFFFFFC00  }
0x12c: {  	_ =	swait.ge [sflag:s26], $0x400  }
0x12d: {  	[sflag:s26] =	ssyncset.done $0x0  }
0x12e: {  	[sflag:s26] =	ssyncadd.s32 $0xFFFFFC00  }
0x12f: {  	_ =	swait.ge [sflag:s26], $0x400  }
0x130: {  	[sflag:s26] =	ssyncset.done $0x0  }
0x131: {  	[sflag:s26] =	ssyncadd.s32 $0xFFFFFC00  }
0x132: {  	_ =	swait.ge [sflag:s26], $0x400  }
0x133: {  	[sflag:s26] =	ssyncset.done $0x0  }
0x134: {  	[sflag:s26] =	ssyncadd.s32 $0xFFFFFC00  }
0x135: {  	_ =	swait.ge [sflag:s26], $0x400  }
0x136: {  	[sflag:s26] =	ssyncset.done $0x0  }
0x137: {  	[sflag:s26] =	ssyncadd.s32 $0xFFFFFC00  }
0x138: {  	_ =	swait.ge [sflag:s26], $0x400  }
0x139: {  	[sflag:s26] =	ssyncset.done $0x0  }
0x13a: {  	[sflag:s26] =	ssyncadd.s32 $0xFFFFFC00  }
0x13b: {  	_ =	swait.ge [sflag:s26], $0x400  }
0x13c: {  	[sflag:s26] =	ssyncset.done $0x0  }
0x13d: {  	[sflag:s26] =	ssyncadd.s32 $0xFFFFFC00  }
0x13e: {  	_ =	swait.ge [sflag:s26], $0x400  }
0x13f: {  	[sflag:s26] =	ssyncset.done $0x0  }
0x140: {  	[sflag:s26] =	ssyncadd.s32 $0xFFFFFC00  }
0x141: {  	_ =	swait.ge [sflag:s26], $0x400  }
0x142: {  	[sflag:s26] =	ssyncset.done $0x0  }
0x143: {  	[sflag:s26] =	ssyncadd.s32 $0xFFFFFC00  }
0x144: {  	_ =	swait.ge [sflag:s26], $0x400  }
0x145: {  	[sflag:s26] =	ssyncset.done $0x0  }
0x146: {  	[sflag:s26] =	ssyncadd.s32 $0xFFFFFC00  }
0x147: {  	_ =	swait.ge [sflag:s26], $0x400  }
0x148: {  	[sflag:s26] =	ssyncset.done $0x0  }
0x149: {  	[sflag:s26] =	ssyncadd.s32 $0xFFFFFC00  }
0x14a: {  	_ =	swait.ge [sflag:s26], $0x400  }
0x14b: {  	[sflag:s26] =	ssyncset.done $0x0  }
0x14c: {  	[sflag:s26] =	ssyncadd.s32 $0xFFFFFC00  }
0x14d: {  	_ =	swait.ge [sflag:s26], $0x400  }
0x14e: {  	[sflag:s26] =	ssyncset.done $0x0  }
0x14f: {  	[sflag:s26] =	ssyncadd.s32 $0xFFFFFC00  }
0x150: {  	_ =	swait.ge [sflag:s26], $0x400  }
0x151: {  	[sflag:s26] =	ssyncset.done $0x0  }
0x152: {  	[sflag:s26] =	ssyncadd.s32 $0xFFFFFC00  }
0x153: {  	_ =	swait.ge [sflag:s26], $0x400  }
0x154: {  	[sflag:s26] =	ssyncset.done $0x0  }
0x155: {  	[sflag:s26] =	ssyncadd.s32 $0xFFFFFC00  }
0x156: {  	_ =	swait.ge [sflag:s26], $0x400  }
0x157: {  	[sflag:s26] =	ssyncset.done $0x0  }
0x158: {  	s10 =	simm.s32 $0x1080;
	s1 =	simm.s32 $0x0;
	[sflag:s26] =	ssyncadd.s32 $0xFFFFFC00  }
.LBB2_8:
0x159: {  	p0 =	seq.s32 s1, $0x98  }
.Ltmp3:
0x15a: {  	_ = 	snop;
	(pc) =	sbr.rel @!p0 .LBB2_8-.Ltmp3, $4  }
0x15b: {  	_ = 	snop  }
0x15c: {  	s14 =	sadd.s32 s1, s9  }
0x15d: {  	[hbm4b:s14+s13] =	stream.strided.scatter [tilespmem:s10], [sflag:$0x2], $0x400, s29, s13, $0x38;
	[tilespmem:$0x14880] =	vst v63  }
0x15e: {  	s1 =	sadd.s32 $0x4, s1;
	s10 =	sadd.s32 $0x400, s10  }
0x15f: {  	s31 =	simm.s32 $0x1  }
0x160: {  	p0 =	por $0x0, $0x0;
	p1 =	por $0x1, $0x1;
	s10 =	smov.u32 s0  }
.LBB2_10:
0x161: {  	s1 =	simm.s32 $0x1  }
0x162: {  	s1 =	simm.s32 @!p1 $0x0  }
0x163: {  	s15 =	simm.s32 $0x1;
	s14 =	smul.u32 $0x27000, s1  }
0x164: {  	s15 =	simm.s32 @!p0 $0x0;
	s16 =	smul.u32 $0x1400, s1  }
0x165: {  	_ =	swait.ge [sflag:s28], $0x400;
	s17 =	smul.u32 $0xD00, s15  }
0x166: {  	[sflag:s28] =	ssyncset.done $0x0;
	s14 =	sshrl.u32 s14, $0x2  }
0x167: {  	s15 =	sshrl.u32 s16, $0x2;
	s22 =	sshrl.u32 s17, $0x2;
	s16 =	simm.s32 $0x26  }
0x168: {  	s1 =	sadd.s32 $0x1080, s14;
	s14 =	sadd.s32 $0x2890, s14;
	s17 =	sadd.s32 $0xA10, s22  }
.LBB2_11:
0x169: {  	p2 =	sne.s32 s16, $0x1;
	s16 =	sadd.s32 $0xFFFFFFFF, s16;
	[sflag:s28] =	ssyncadd.s32 $0xFFFFFC00  }
.Ltmp4:
0x16a: {  	(pc) =	sbr.rel @p2 .LBB2_11-.Ltmp4, $3  }
0x16b: {  	_ =	sdelay $0x1  }
0x16c: {  	_ =	swait.ge [sflag:s28], $0x400  }
0x16d: {  	[sflag:s28] =	ssyncset.done $0x0  }
0x16e: {  	s31 =	sadd.s32 $0x1, s31  }
0x16f: {  	s18 =	sand.u32 $0x1, s31;
	s16 =	sshll.u32 s31, $0x5  }
0x170: {  	s19 =	smul.u32 $0x1400, s18;
	s16 =	sadd.s32 s4, s16  }
0x171: {  	s16 =	smul.u32 $0x5, s16  }
0x172: {  	[sflag:s28] =	ssyncadd.s32 $0xFFFFFC00;
	s21 =	simm.s32 $0x0  }
0x173: {  	s22 =	smul.u32 $0xD00, s18;
	s20 =	sshrl.u32 s19, $0x2;
	s16 =	sadd.s32 s2, s16  }
0x174: {  	[tilespmem:s20], [sflag:$0x3] =	stream.linear.gather [hbm4b:s16+s21], $0x500, $0x38;
	[tilespmem:$0x14880] =	vst v63  }
0x175: {  	s16 =	sshrl.u32 s22, $0x2;
	s22 =	simm.s32 $0xD  }
0x176: {  	v2 =	vmov s22  }
0x177: {  	v2 =	vand.u32 $0x3F, v2  }
0x178: {  	v3 =	vadd.s32 v0, v2;
	_ =	sdelay $0x1  }
0x179: {  	_ =	swait.ge [sflag:s12], $0x500  }
0x17a: {  	[sflag:s12] =	ssyncset.done $0x0  }
0x17b: {  	[sflag:s12] =	ssyncadd.s32 $0xFFFFFB00  }
0x17c: {  	v3 =	vld.idx.msk [tilespmem:v3+s20+$0x0], $0xffff;
	_ =	sdelay $0x4  }
0x17d: {  	v2 =	vadd.s32 v1, v2;
	v3 =	vtrunc.f32 v3  }
0x17e: {  	v3 =	vcvt.f32.s32 v3;
	_ =	sdelay $0x1  }
0x17f: {  	v3 =	vadd.s32 s21, v3  }
0x180: {  	[tilespmem:s17+$0xFFFFFFF0] =	vst v3  }
0x181: {  	v2 =	vld.idx.msk [tilespmem:v2+s20+$0x0], $0xffff;
	_ =	sdelay $0x1  }
0x182: {  	s22 =	simm.s32 $0xE  }
0x183: {  	s19 =	sadd.s32 $0xA00, s16;
	v3 =	vmov s22;
	s22 =	simm.s32 $0xF  }
.LBB2_13:
0x184: {  	p2 =	seq.s32 s22, $0x26;
	v3 =	vand.u32 $0x3F, v3  }
0x185: {  	v2 =	vtrunc.f32 v2;
	v4 =	vadd.s32 v0, v3  }
0x186: {  	v2 =	vcvt.f32.s32 v2;
	_ =	sdelay $0x1  }
0x187: {  	v2 =	vadd.s32 s21, v2  }
0x188: {  	[tilespmem:s17+$0x0] =	vst v2  }
0x189: {  	v2 =	vld.idx.msk [tilespmem:v4+s20+$0x0], $0xffff;
	_ =	sdelay $0x5  }
0x18a: {  	v3 =	vadd.s32 v1, v3;
	v2 =	vtrunc.f32 v2  }
0x18b: {  	v2 =	vcvt.f32.s32 v2  }
0x18c: {  	s21 =	sadd.s32 $0x186A0, s21  }
0x18d: {  	s17 =	sadd.s32 $0x20, s17;
	v2 =	vadd.s32 s21, v2  }
0x18e: {  	[tilespmem:s17+$0xFFFFFFF0] =	vst v2  }
.Ltmp5:
0x18f: {  	v2 =	vld.idx.msk [tilespmem:v3+s20+$0x0], $0xffff;
	(pc) =	sbr.rel @!p2 .LBB2_13-.Ltmp5, $2  }
0x190: {  	_ =	sdelay $0x2  }
0x191: {  	v3 =	vmov s22;
	s22 =	sadd.s32 $0x1, s22  }
0x192: {  	v3 =	vand.u32 $0x3F, v3  }
0x193: {  	v2 =	vtrunc.f32 v2;
	v4 =	vadd.s32 v0, v3  }
0x194: {  	v2 =	vcvt.f32.s32 v2;
	_ =	sdelay $0x1  }
0x195: {  	v2 =	vadd.s32 s21, v2  }
0x196: {  	[tilespmem:s17+$0x0] =	vst v2  }
0x197: {  	v2 =	vld.idx.msk [tilespmem:v4+s20+$0x0], $0xffff;
	_ =	sdelay $0x4  }
0x198: {  	v3 =	vadd.s32 v1, v3;
	v2 =	vtrunc.f32 v2  }
0x199: {  	v2 =	vcvt.f32.s32 v2  }
0x19a: {  	s21 =	sadd.s32 $0x186A0, s21  }
0x19b: {  	s22 =	sadd.s32 $0x20, s17;
	v2 =	vadd.s32 s21, v2  }
0x19c: {  	[tilespmem:s22+$0xFFFFFFF0] =	vst v2  }
0x19d: {  	v2 =	vld.idx.msk [tilespmem:v3+s20+$0x0], $0xffff;
	_ =	sdelay $0x4  }
0x19e: {  	v2 =	vtrunc.f32 v2  }
0x19f: {  	s18 =	smul.u32 $0x27000, s18;
	v2 =	vcvt.f32.s32 v2;
	_ =	sdelay $0x1  }
0x1a0: {  	s17 =	sshrl.u32 s18, $0x2;
	v2 =	vadd.s32 s21, v2  }
0x1a1: {  	s20 =	sadd.s32 $0x4480, s17;
	[tilespmem:s22+$0x0] =	vst v2  }
0x1a2: {  	[tilespmem:s20], [sflag:$0x1] =	stream.indirect.gather [hbm4b:s5+s13], $0x20, s19, s13, $0xb8;
	[tilespmem:$0x14880] =	vst v63  }
0x1a3: {  	s21 =	sadd.s32 $0x4880, s17;
	s22 =	sadd.s32 $0xA20, s16  }
0x1a4: {  	[tilespmem:s21], [sflag:$0x1] =	stream.indirect.gather [hbm4b:s5+s13], $0x20, s22, s13, $0xb8;
	[tilespmem:$0x14880] =	vst v63  }
0x1a5: {  	s19 =	sadd.s32 $0x4C80, s17;
	s20 =	sadd.s32 $0xA40, s16  }
0x1a6: {  	[tilespmem:s19], [sflag:$0x1] =	stream.indirect.gather [hbm4b:s5+s13], $0x20, s20, s13, $0xb8;
	[tilespmem:$0x14880] =	vst v63  }
0x1a7: {  	s21 =	sadd.s32 $0x5080, s17;
	s22 =	sadd.s32 $0xA60, s16  }
0x1a8: {  	[tilespmem:s21], [sflag:$0x1] =	stream.indirect.gather [hbm4b:s5+s13], $0x20, s22, s13, $0xb8;
	[tilespmem:$0x14880] =	vst v63  }
0x1a9: {  	s19 =	sadd.s32 $0x5480, s17;
	s20 =	sadd.s32 $0xA80, s16  }
0x1aa: {  	[tilespmem:s19], [sflag:$0x1] =	stream.indirect.gather [hbm4b:s5+s13], $0x20, s20, s13, $0xb8;
	[tilespmem:$0x14880] =	vst v63  }
0x1ab: {  	s21 =	sadd.s32 $0x5880, s17;
	s22 =	sadd.s32 $0xAA0, s16  }
0x1ac: {  	[tilespmem:s21], [sflag:$0x1] =	stream.indirect.gather [hbm4b:s5+s13], $0x20, s22, s13, $0xb8;
	[tilespmem:$0x14880] =	vst v63  }
0x1ad: {  	s19 =	sadd.s32 $0x5C80, s17;
	s20 =	sadd.s32 $0xAC0, s16  }
0x1ae: {  	[tilespmem:s19], [sflag:$0x1] =	stream.indirect.gather [hbm4b:s5+s13], $0x20, s20, s13, $0xb8;
	[tilespmem:$0x14880] =	vst v63  }
0x1af: {  	s21 =	sadd.s32 $0x6080, s17;
	s22 =	sadd.s32 $0xAE0, s16  }
0x1b0: {  	[tilespmem:s21], [sflag:$0x1] =	stream.indirect.gather [hbm4b:s5+s13], $0x20, s22, s13, $0xb8;
	[tilespmem:$0x14880] =	vst v63  }
0x1b1: {  	s19 =	sadd.s32 $0x6480, s17;
	s20 =	sadd.s32 $0xB00, s16  }
0x1b2: {  	[tilespmem:s19], [sflag:$0x1] =	stream.indirect.gather [hbm4b:s5+s13], $0x20, s20, s13, $0xb8;
	[tilespmem:$0x14880] =	vst v63  }
0x1b3: {  	s21 =	sadd.s32 $0x6880, s17;
	s22 =	sadd.s32 $0xB20, s16  }
0x1b4: {  	[tilespmem:s21], [sflag:$0x1] =	stream.indirect.gather [hbm4b:s5+s13], $0x20, s22, s13, $0xb8;
	[tilespmem:$0x14880] =	vst v63  }
0x1b5: {  	s19 =	sadd.s32 $0x6C80, s17;
	s20 =	sadd.s32 $0xB40, s16  }
0x1b6: {  	[tilespmem:s19], [sflag:$0x1] =	stream.indirect.gather [hbm4b:s5+s13], $0x20, s20, s13, $0xb8;
	[tilespmem:$0x14880] =	vst v63  }
0x1b7: {  	s21 =	sadd.s32 $0x7080, s17;
	s22 =	sadd.s32 $0xB60, s16  }
0x1b8: {  	[tilespmem:s21], [sflag:$0x1] =	stream.indirect.gather [hbm4b:s5+s13], $0x20, s22, s13, $0xb8;
	[tilespmem:$0x14880] =	vst v63  }
0x1b9: {  	s19 =	sadd.s32 $0x7480, s17;
	s20 =	sadd.s32 $0xB80, s16  }
0x1ba: {  	[tilespmem:s19], [sflag:$0x1] =	stream.indirect.gather [hbm4b:s5+s13], $0x20, s20, s13, $0xb8;
	[tilespmem:$0x14880] =	vst v63  }
0x1bb: {  	s21 =	sadd.s32 $0x7880, s17;
	s22 =	sadd.s32 $0xBA0, s16  }
0x1bc: {  	[tilespmem:s21], [sflag:$0x1] =	stream.indirect.gather [hbm4b:s5+s13], $0x20, s22, s13, $0xb8;
	[tilespmem:$0x14880] =	vst v63  }
0x1bd: {  	s19 =	sadd.s32 $0x7C80, s17;
	s20 =	sadd.s32 $0xBC0, s16  }
0x1be: {  	[tilespmem:s19], [sflag:$0x1] =	stream.indirect.gather [hbm4b:s5+s13], $0x20, s20, s13, $0xb8;
	[tilespmem:$0x14880] =	vst v63  }
0x1bf: {  	s21 =	sadd.s32 $0x8080, s17;
	s22 =	sadd.s32 $0xBE0, s16  }
0x1c0: {  	[tilespmem:s21], [sflag:$0x1] =	stream.indirect.gather [hbm4b:s5+s13], $0x20, s22, s13, $0xb8;
	[tilespmem:$0x14880] =	vst v63  }
0x1c1: {  	s19 =	sadd.s32 $0x8480, s17;
	s20 =	sor.u32 $0xC00, s16  }
0x1c2: {  	[tilespmem:s19], [sflag:$0x1] =	stream.indirect.gather [hbm4b:s5+s13], $0x20, s20, s13, $0xb8;
	[tilespmem:$0x14880] =	vst v63  }
0x1c3: {  	s21 =	sadd.s32 $0x8880, s17;
	s22 =	sadd.s32 $0xC20, s16  }
0x1c4: {  	[tilespmem:s21], [sflag:$0x1] =	stream.indirect.gather [hbm4b:s5+s13], $0x20, s22, s13, $0xb8;
	[tilespmem:$0x14880] =	vst v63  }
0x1c5: {  	s19 =	sadd.s32 $0x8C80, s17;
	s20 =	sadd.s32 $0xC40, s16  }
0x1c6: {  	[tilespmem:s19], [sflag:$0x1] =	stream.indirect.gather [hbm4b:s5+s13], $0x20, s20, s13, $0xb8;
	[tilespmem:$0x14880] =	vst v63  }
0x1c7: {  	s21 =	sadd.s32 $0x9080, s17;
	s22 =	sadd.s32 $0xC60, s16  }
0x1c8: {  	[tilespmem:s21], [sflag:$0x1] =	stream.indirect.gather [hbm4b:s5+s13], $0x20, s22, s13, $0xb8;
	[tilespmem:$0x14880] =	vst v63  }
0x1c9: {  	s19 =	sadd.s32 $0x9480, s17;
	s20 =	sadd.s32 $0xC80, s16  }
0x1ca: {  	[tilespmem:s19], [sflag:$0x1] =	stream.indirect.gather [hbm4b:s5+s13], $0x20, s20, s13, $0xb8;
	[tilespmem:$0x14880] =	vst v63  }
0x1cb: {  	s21 =	sadd.s32 $0x9880, s17;
	s22 =	sadd.s32 $0xCA0, s16  }
0x1cc: {  	[tilespmem:s21], [sflag:$0x1] =	stream.indirect.gather [hbm4b:s5+s13], $0x20, s22, s13, $0xb8;
	[tilespmem:$0x14880] =	vst v63  }
0x1cd: {  	s19 =	sadd.s32 $0x9C80, s17;
	s20 =	sadd.s32 $0xCC0, s16  }
0x1ce: {  	[tilespmem:s19], [sflag:$0x1] =	stream.indirect.gather [hbm4b:s5+s13], $0x20, s20, s13, $0xb8;
	[tilespmem:$0x14880] =	vst v63  }
0x1cf: {  	s21 =	sadd.s32 $0xA080, s17;
	s22 =	sadd.s32 $0xCE0, s16  }
0x1d0: {  	v2 =	vmov s15;
	[tilespmem:s21], [sflag:$0x1] =	stream.indirect.gather [hbm4b:s5+s13], $0x20, s22, s13, $0xb8;
	[tilespmem:$0x14880] =	vst v63  }
0x1d1: {  	s19 =	sadd.s32 $0xA480, s17;
	s20 =	sadd.s32 $0xD00, s16  }
0x1d2: {  	[tilespmem:s19], [sflag:$0x1] =	stream.indirect.gather [hbm4b:s5+s13], $0x20, s20, s13, $0xb8;
	[tilespmem:$0x14880] =	vst v63  }
0x1d3: {  	s17 =	sadd.s32 $0xA880, s17;
	s21 =	sadd.s32 $0xD20, s16;
	s22 =	simm.s32 $0x0  }
0x1d4: {  	[tilespmem:s17], [sflag:$0x1] =	stream.indirect.gather [hbm4b:s5+s13], $0x20, s21, s13, $0xb8;
	[tilespmem:$0x14880] =	vst v63  }
0x1d5: {  	v3 =	vld.idx.msk [tilespmem:v2+s22+$0x0 ss:$0x1], $0xffff;
	_ =	sdelay $0x4  }
0x1d6: {  	v53 =	vbroadcast v3, $0x0;
	_ =	sdelay $0x1  }
0x1d7: {  	v5 =	vbroadcast v3, $0x1;
	[tilespmem:s14+$0xFFFFE7F0] =	vst v53  }
0x1d8: {  	[tilespmem:s14+$0xFFFFE800] =	vst v53  }
0x1d9: {  	v54 =	vbroadcast v3, $0x2;
	[tilespmem:s14+$0xFFFFEBF0] =	vst v5  }
0x1da: {  	[tilespmem:s14+$0xFFFFEC00] =	vst v5  }
0x1db: {  	v55 =	vbroadcast v3, $0x3;
	[tilespmem:s14+$0xFFFFEFF0] =	vst v54  }
0x1dc: {  	[tilespmem:s14+$0xFFFFF000] =	vst v54  }
0x1dd: {  	v56 =	vbroadcast v3, $0x4;
	[tilespmem:s14+$0xFFFFF3F0] =	vst v55  }
0x1de: {  	[tilespmem:s14+$0xFFFFF400] =	vst v55  }
0x1df: {  	v57 =	vbroadcast v3, $0x5;
	[tilespmem:s14+$0xFFFFF7F0] =	vst v56  }
0x1e0: {  	[tilespmem:s14+$0xFFFFF800] =	vst v56  }
0x1e1: {  	v58 =	vbroadcast v3, $0x6;
	[tilespmem:s14+$0xFFFFFBF0] =	vst v57  }
0x1e2: {  	[tilespmem:s14+$0xFFFFFC00] =	vst v57  }
0x1e3: {  	v59 =	vbroadcast v3, $0x7;
	[tilespmem:s14+$0xFFFFFFF0] =	vst v58  }
0x1e4: {  	[tilespmem:s14+$0x0] =	vst v58  }
0x1e5: {  	v60 =	vbroadcast v3, $0x8;
	[tilespmem:s14+$0x3F0] =	vst v59  }
0x1e6: {  	[tilespmem:s14+$0x400] =	vst v59  }
0x1e7: {  	v61 =	vbroadcast v3, $0x9;
	[tilespmem:s14+$0x7F0] =	vst v60  }
0x1e8: {  	[tilespmem:s14+$0x800] =	vst v60  }
0x1e9: {  	v62 =	vbroadcast v3, $0xA;
	[tilespmem:s14+$0xBF0] =	vst v61  }
0x1ea: {  	[tilespmem:s14+$0xC00] =	vst v61  }
0x1eb: {  	v63 =	vbroadcast v3, $0xB;
	[tilespmem:s14+$0xFF0] =	vst v62  }
0x1ec: {  	[tilespmem:s14+$0x1000] =	vst v62  }
0x1ed: {  	v3 =	vbroadcast v3, $0xC;
	[tilespmem:s14+$0x13F0] =	vst v63  }
0x1ee: {  	[tilespmem:s14+$0x1400] =	vst v63  }
0x1ef: {  	[tilespmem:s14+$0x17F0] =	vst v3  }
0x1f0: {  	s15 =	simm.s32 $0x140;
	s16 =	simm.s32 $0x28;
	[tilespmem:s14+$0x1800] =	vst v3  }
.LBB2_15:
0x1f1: {  	p2 =	sne.s32 s15, $0x1360;
	v3 =	vld.idx.msk [tilespmem:v2+s16+$0x0 ss:$0x1], $0xffff;
	_ =	sdelay $0x5  }
0x1f2: {  	v4 =	vbroadcast v3, $0x0;
	v5 =	vbroadcast v3, $0x1  }
0x1f3: {  	s14 =	sadd.s32 $0x20, s14;
	v6 =	vbroadcast v3, $0x2;
	v7 =	vbroadcast v3, $0x3  }
0x1f4: {  	v8 =	vbroadcast v3, $0x4;
	v9 =	vbroadcast v3, $0x5;
	[tilespmem:s14+$0xFFFFE7F0] =	vst v4  }
0x1f5: {  	v10 =	vbroadcast v3, $0x7;
	[tilespmem:s14+$0xFFFFE800] =	vst v4;
	v4 =	vbroadcast v3, $0x6  }
0x1f6: {  	v11 =	vbroadcast v3, $0x8;
	v12 =	vbroadcast v3, $0x9;
	[tilespmem:s14+$0xFFFFEBF0] =	vst v5  }
0x1f7: {  	v13 =	vbroadcast v3, $0xB;
	[tilespmem:s14+$0xFFFFEC00] =	vst v5;
	v5 =	vbroadcast v3, $0xA  }
0x1f8: {  	v3 =	vbroadcast v3, $0xC;
	[tilespmem:s14+$0xFFFFEFF0] =	vst v6  }
0x1f9: {  	[tilespmem:s14+$0xFFFFF000] =	vst v6  }
0x1fa: {  	[tilespmem:s14+$0xFFFFF3F0] =	vst v7  }
0x1fb: {  	[tilespmem:s14+$0xFFFFF400] =	vst v7  }
0x1fc: {  	[tilespmem:s14+$0xFFFFF7F0] =	vst v8  }
0x1fd: {  	[tilespmem:s14+$0xFFFFF800] =	vst v8  }
0x1fe: {  	[tilespmem:s14+$0xFFFFFBF0] =	vst v9  }
0x1ff: {  	[tilespmem:s14+$0xFFFFFC00] =	vst v9  }
0x200: {  	[tilespmem:s14+$0xFFFFFFF0] =	vst v4  }
0x201: {  	[tilespmem:s14+$0x0] =	vst v4  }
0x202: {  	[tilespmem:s14+$0x3F0] =	vst v10  }
0x203: {  	[tilespmem:s14+$0x400] =	vst v10  }
0x204: {  	[tilespmem:s14+$0x7F0] =	vst v11  }
0x205: {  	[tilespmem:s14+$0x800] =	vst v11  }
0x206: {  	[tilespmem:s14+$0xBF0] =	vst v12  }
0x207: {  	[tilespmem:s14+$0xC00] =	vst v12  }
0x208: {  	[tilespmem:s14+$0xFF0] =	vst v5  }
.Ltmp6:
0x209: {  	[tilespmem:s14+$0x1000] =	vst v5;
	(pc) =	sbr.rel @p2 .LBB2_15-.Ltmp6, $4  }
0x20a: {  	[tilespmem:s14+$0x13F0] =	vst v13  }
0x20b: {  	[tilespmem:s14+$0x1400] =	vst v13  }
0x20c: {  	[tilespmem:s14+$0x17F0] =	vst v3  }
0x20d: {  	s16 =	sshra.s32 s15, $0x2;
	s15 =	sadd.s32 $0xA0, s15;
	[tilespmem:s14+$0x1800] =	vst v3  }
0x20e: {  	_ =	sdelay $0x3  }
0x20f: {  	v2 =	vld.idx.msk [tilespmem:v2+s16+$0x0 ss:$0x1], $0xffff;
	_ =	sdelay $0x4  }
0x210: {  	v3 =	vbroadcast v2, $0x0  }
0x211: {  	s14 =	sadd.s32 $0x20, s14  }
0x212: {  	v4 =	vbroadcast v2, $0x1;
	[tilespmem:s14+$0xFFFFE7F0] =	vst v3  }
0x213: {  	[tilespmem:s14+$0xFFFFE800] =	vst v3  }
0x214: {  	v59 =	vbroadcast v2, $0x3;
	[tilespmem:s14+$0xFFFFEBF0] =	vst v4  }
0x215: {  	[tilespmem:s14+$0xFFFFEC00] =	vst v4  }
0x216: {  	v60 =	vbroadcast v2, $0x5;
	[tilespmem:s14+$0xFFFFF3F0] =	vst v59  }
0x217: {  	[tilespmem:s14+$0xFFFFF400] =	vst v59  }
0x218: {  	v61 =	vbroadcast v2, $0x7;
	[tilespmem:s14+$0xFFFFFBF0] =	vst v60  }
0x219: {  	[tilespmem:s14+$0xFFFFFC00] =	vst v60  }
0x21a: {  	v3 =	vbroadcast v2, $0x2;
	[tilespmem:s14+$0x3F0] =	vst v61  }
0x21b: {  	[tilespmem:s14+$0x400] =	vst v61  }
0x21c: {  	v62 =	vbroadcast v2, $0x9;
	[tilespmem:s14+$0xFFFFEFF0] =	vst v3  }
0x21d: {  	[tilespmem:s14+$0xFFFFF000] =	vst v3;
	v3 =	vbroadcast v2, $0x4  }
0x21e: {  	[tilespmem:s14+$0xBF0] =	vst v62  }
0x21f: {  	[tilespmem:s14+$0xFFFFF7F0] =	vst v3  }
0x220: {  	[tilespmem:s14+$0xFFFFF800] =	vst v3;
	v3 =	vbroadcast v2, $0x6  }
0x221: {  	[tilespmem:s14+$0xC00] =	vst v62  }
0x222: {  	v63 =	vbroadcast v2, $0xB;
	[tilespmem:s14+$0xFFFFFFF0] =	vst v3  }
0x223: {  	[tilespmem:s14+$0x0] =	vst v3;
	v3 =	vbroadcast v2, $0x8  }
0x224: {  	[tilespmem:s14+$0x13F0] =	vst v63  }
0x225: {  	[tilespmem:s14+$0x7F0] =	vst v3  }
0x226: {  	[tilespmem:s14+$0x800] =	vst v3;
	v3 =	vbroadcast v2, $0xA  }
0x227: {  	[tilespmem:s14+$0x1400] =	vst v63  }
0x228: {  	v2 =	vbroadcast v2, $0xC;
	[tilespmem:s14+$0xFF0] =	vst v3  }
0x229: {  	[tilespmem:s14+$0x1000] =	vst v3  }
0x22a: {  	[tilespmem:s14+$0x17F0] =	vst v2  }
0x22b: {  	[tilespmem:s14+$0x1800] =	vst v2  }
0x22c: {  	_ =	swait.ge [sflag:s26], $0x400  }
0x22d: {  	[sflag:s26] =	ssyncset.done $0x0  }
0x22e: {  	[sflag:s26] =	ssyncadd.s32 $0xFFFFFC00  }
0x22f: {  	_ =	swait.ge [sflag:s26], $0x400  }
0x230: {  	[sflag:s26] =	ssyncset.done $0x0  }
0x231: {  	[sflag:s26] =	ssyncadd.s32 $0xFFFFFC00  }
0x232: {  	_ =	swait.ge [sflag:s26], $0x400  }
0x233: {  	[sflag:s26] =	ssyncset.done $0x0  }
0x234: {  	[sflag:s26] =	ssyncadd.s32 $0xFFFFFC00  }
0x235: {  	_ =	swait.ge [sflag:s26], $0x400  }
0x236: {  	[sflag:s26] =	ssyncset.done $0x0  }
0x237: {  	[sflag:s26] =	ssyncadd.s32 $0xFFFFFC00  }
0x238: {  	_ =	swait.ge [sflag:s26], $0x400  }
0x239: {  	[sflag:s26] =	ssyncset.done $0x0  }
0x23a: {  	[sflag:s26] =	ssyncadd.s32 $0xFFFFFC00  }
0x23b: {  	_ =	swait.ge [sflag:s26], $0x400  }
0x23c: {  	[sflag:s26] =	ssyncset.done $0x0  }
0x23d: {  	[sflag:s26] =	ssyncadd.s32 $0xFFFFFC00  }
0x23e: {  	_ =	swait.ge [sflag:s26], $0x400  }
0x23f: {  	[sflag:s26] =	ssyncset.done $0x0  }
0x240: {  	[sflag:s26] =	ssyncadd.s32 $0xFFFFFC00  }
0x241: {  	_ =	swait.ge [sflag:s26], $0x400  }
0x242: {  	[sflag:s26] =	ssyncset.done $0x0  }
0x243: {  	[sflag:s26] =	ssyncadd.s32 $0xFFFFFC00  }
0x244: {  	_ =	swait.ge [sflag:s26], $0x400  }
0x245: {  	[sflag:s26] =	ssyncset.done $0x0  }
0x246: {  	[sflag:s26] =	ssyncadd.s32 $0xFFFFFC00  }
0x247: {  	_ =	swait.ge [sflag:s26], $0x400  }
0x248: {  	[sflag:s26] =	ssyncset.done $0x0  }
0x249: {  	[sflag:s26] =	ssyncadd.s32 $0xFFFFFC00  }
0x24a: {  	_ =	swait.ge [sflag:s26], $0x400  }
0x24b: {  	[sflag:s26] =	ssyncset.done $0x0  }
0x24c: {  	[sflag:s26] =	ssyncadd.s32 $0xFFFFFC00  }
0x24d: {  	_ =	swait.ge [sflag:s26], $0x400  }
0x24e: {  	[sflag:s26] =	ssyncset.done $0x0  }
0x24f: {  	[sflag:s26] =	ssyncadd.s32 $0xFFFFFC00  }
0x250: {  	_ =	swait.ge [sflag:s26], $0x400  }
0x251: {  	[sflag:s26] =	ssyncset.done $0x0  }
0x252: {  	[sflag:s26] =	ssyncadd.s32 $0xFFFFFC00  }
0x253: {  	_ =	swait.ge [sflag:s26], $0x400  }
0x254: {  	[sflag:s26] =	ssyncset.done $0x0  }
0x255: {  	[sflag:s26] =	ssyncadd.s32 $0xFFFFFC00  }
0x256: {  	_ =	swait.ge [sflag:s26], $0x400  }
0x257: {  	[sflag:s26] =	ssyncset.done $0x0  }
0x258: {  	[sflag:s26] =	ssyncadd.s32 $0xFFFFFC00  }
0x259: {  	_ =	swait.ge [sflag:s26], $0x400  }
0x25a: {  	[sflag:s26] =	ssyncset.done $0x0  }
0x25b: {  	[sflag:s26] =	ssyncadd.s32 $0xFFFFFC00  }
0x25c: {  	_ =	swait.ge [sflag:s26], $0x400  }
0x25d: {  	[sflag:s26] =	ssyncset.done $0x0  }
0x25e: {  	[sflag:s26] =	ssyncadd.s32 $0xFFFFFC00  }
0x25f: {  	_ =	swait.ge [sflag:s26], $0x400  }
0x260: {  	[sflag:s26] =	ssyncset.done $0x0  }
0x261: {  	[sflag:s26] =	ssyncadd.s32 $0xFFFFFC00  }
0x262: {  	_ =	swait.ge [sflag:s26], $0x400  }
0x263: {  	[sflag:s26] =	ssyncset.done $0x0  }
0x264: {  	[sflag:s26] =	ssyncadd.s32 $0xFFFFFC00  }
0x265: {  	_ =	swait.ge [sflag:s26], $0x400  }
0x266: {  	[sflag:s26] =	ssyncset.done $0x0  }
0x267: {  	[sflag:s26] =	ssyncadd.s32 $0xFFFFFC00  }
0x268: {  	_ =	swait.ge [sflag:s26], $0x400  }
0x269: {  	[sflag:s26] =	ssyncset.done $0x0  }
0x26a: {  	[sflag:s26] =	ssyncadd.s32 $0xFFFFFC00  }
0x26b: {  	_ =	swait.ge [sflag:s26], $0x400  }
0x26c: {  	[sflag:s26] =	ssyncset.done $0x0  }
0x26d: {  	[sflag:s26] =	ssyncadd.s32 $0xFFFFFC00  }
0x26e: {  	_ =	swait.ge [sflag:s26], $0x400  }
0x26f: {  	[sflag:s26] =	ssyncset.done $0x0  }
0x270: {  	[sflag:s26] =	ssyncadd.s32 $0xFFFFFC00  }
0x271: {  	_ =	swait.ge [sflag:s26], $0x400  }
0x272: {  	[sflag:s26] =	ssyncset.done $0x0  }
0x273: {  	[sflag:s26] =	ssyncadd.s32 $0xFFFFFC00  }
0x274: {  	_ =	swait.ge [sflag:s26], $0x400  }
0x275: {  	[sflag:s26] =	ssyncset.done $0x0  }
0x276: {  	[sflag:s26] =	ssyncadd.s32 $0xFFFFFC00  }
0x277: {  	_ =	swait.ge [sflag:s26], $0x400  }
0x278: {  	s16 =	sadd.s32 $0x0, s10;
	[sflag:s26] =	ssyncset.done $0x0  }
0x279: {  	s15 =	sadd.s32 $0x400, s1;
	s14 =	simm.s32 $0x4;
	[sflag:s26] =	ssyncadd.s32 $0xFFFFFC00  }
.LBB2_17:
0x27a: {  	[hbm4b:s16+s13] =	stream.strided.scatter [tilespmem:s1], [sflag:$0x2], $0x400, s29, s13, $0x38;
	[tilespmem:$0x14880] =	vst v63  }
0x27b: {  	s16 =	smov.u32 s14;
	s1 =	smov.u32 s15;
	p2 =	seq.s32 s14, $0x98  }
.Ltmp7:
0x27c: {  	s14 =	sadd.s32 $0x4, s14;
	(pc) =	sbr.rel @!p2 .LBB2_17-.Ltmp7, $2  }
0x27d: {  	_ =	sdelay $0x2  }
0x27e: {  	s15 =	sadd.s32 $0x400, s15;
	s16 =	sadd.s32 s16, s10  }
0x27f: {  	p2 =	seq.s32 s31, $0xF  }
.Ltmp8:
0x280: {  	_ = 	snop;
	(pc) =	sbr.rel @!p2 .LBB2_10-.Ltmp8, $3  }
0x281: {  	_ =	sdelay $0x1  }
0x282: {  	[hbm4b:s16+s13] =	stream.strided.scatter [tilespmem:s1], [sflag:$0x2], $0x400, s29, s13, $0x38;
	[tilespmem:$0x14880] =	vst v63  }
0x283: {  	p0 =	por !p0, !p0;
	p1 =	por !p1, !p1;
	s10 =	sadd.s32 $0x1400, s10  }
0x284: {  	s1 =	simm.s32 $0x27  }
.LBB2_20:
0x285: {  	p0 =	sne.s32 s1, $0x1  }
.Ltmp9:
0x286: {  	_ = 	snop;
	(pc) =	sbr.rel @p0 .LBB2_20-.Ltmp9, $4  }
0x287: {  	_ = 	snop  }
0x288: {  	_ =	swait.ge [sflag:s28], $0x400  }
0x289: {  	[sflag:s28] =	ssyncset.done $0x0  }
0x28a: {  	s1 =	sadd.s32 $0xFFFFFFFF, s1;
	[sflag:s28] =	ssyncadd.s32 $0xFFFFFC00  }
0x28b: {  	s1 =	simm.s32 $0x500  }
0x28c: {  	s10 =	simm.s32 $0x0;
	s14 =	simm.s32 $0x80;
	v2 =	vld [tilespmem:s1+$0x0]  }
.LBB2_22:
0x28d: {  	p0 =	sne.s32 s14, $0xF80;
	_ =	sdelay $0x3  }
0x28e: {  	v3 =	vbroadcast v2, $0x0;
	v4 =	vbroadcast v2, $0x1  }
0x28f: {  	s15 =	sshra.s32 s10, $0x2;
	s10 =	smov.u32 s14;
	v5 =	vbroadcast v2, $0x2;
	v6 =	vbroadcast v2, $0x3  }
0x290: {  	v7 =	vbroadcast v2, $0x4;
	v8 =	vbroadcast v2, $0x5;
	[tilespmem:s15+$0xAC80] =	vst v3  }
0x291: {  	v9 =	vbroadcast v2, $0x7;
	[tilespmem:s15+$0xAC90] =	vst v3;
	v3 =	vbroadcast v2, $0x6  }
0x292: {  	v10 =	vbroadcast v2, $0x8;
	v11 =	vbroadcast v2, $0x9;
	[tilespmem:s15+$0xB080] =	vst v4  }
0x293: {  	v12 =	vbroadcast v2, $0xB;
	[tilespmem:s15+$0xB090] =	vst v4;
	v4 =	vbroadcast v2, $0xA  }
0x294: {  	v2 =	vbroadcast v2, $0xC;
	[tilespmem:s15+$0xB480] =	vst v5  }
0x295: {  	[tilespmem:s15+$0xB490] =	vst v5  }
0x296: {  	[tilespmem:s15+$0xB880] =	vst v6  }
0x297: {  	[tilespmem:s15+$0xB890] =	vst v6  }
0x298: {  	[tilespmem:s15+$0xBC80] =	vst v7  }
0x299: {  	[tilespmem:s15+$0xBC90] =	vst v7  }
0x29a: {  	[tilespmem:s15+$0xC080] =	vst v8  }
0x29b: {  	[tilespmem:s15+$0xC090] =	vst v8  }
0x29c: {  	[tilespmem:s15+$0xC480] =	vst v3  }
0x29d: {  	[tilespmem:s15+$0xC490] =	vst v3  }
0x29e: {  	[tilespmem:s15+$0xC880] =	vst v9  }
0x29f: {  	[tilespmem:s15+$0xC890] =	vst v9  }
0x2a0: {  	[tilespmem:s15+$0xCC80] =	vst v10  }
0x2a1: {  	[tilespmem:s15+$0xCC90] =	vst v10  }
0x2a2: {  	[tilespmem:s15+$0xD080] =	vst v11  }
0x2a3: {  	[tilespmem:s15+$0xD090] =	vst v11  }
0x2a4: {  	[tilespmem:s15+$0xD480] =	vst v4  }
0x2a5: {  	[tilespmem:s15+$0xD490] =	vst v4  }
.Ltmp10:
0x2a6: {  	[tilespmem:s15+$0xD880] =	vst v12;
	(pc) =	sbr.rel @p0 .LBB2_22-.Ltmp10, $4  }
0x2a7: {  	[tilespmem:s15+$0xD890] =	vst v12  }
0x2a8: {  	[tilespmem:s15+$0xDC80] =	vst v2  }
0x2a9: {  	s1 =	sadd.s32 $0x28, s1;
	[tilespmem:s15+$0xDC90] =	vst v2  }
0x2aa: {  	s14 =	sadd.s32 $0x80, s14;
	v2 =	vld [tilespmem:s1+$0x0]  }
0x2ab: {  	_ =	sdelay $0x3  }
0x2ac: {  	v3 =	vbroadcast v2, $0x0  }
0x2ad: {  	s1 =	sshra.s32 s10, $0x2  }
0x2ae: {  	v4 =	vbroadcast v2, $0x1;
	[tilespmem:s1+$0xAC80] =	vst v3  }
0x2af: {  	[tilespmem:s1+$0xAC90] =	vst v3  }
0x2b0: {  	v59 =	vbroadcast v2, $0x3;
	[tilespmem:s1+$0xB080] =	vst v4  }
0x2b1: {  	[tilespmem:s1+$0xB090] =	vst v4  }
0x2b2: {  	v60 =	vbroadcast v2, $0x5;
	[tilespmem:s1+$0xB880] =	vst v59  }
0x2b3: {  	[tilespmem:s1+$0xB890] =	vst v59  }
0x2b4: {  	v61 =	vbroadcast v2, $0x7;
	[tilespmem:s1+$0xC080] =	vst v60  }
0x2b5: {  	[tilespmem:s1+$0xC090] =	vst v60  }
0x2b6: {  	v3 =	vbroadcast v2, $0x2;
	[tilespmem:s1+$0xC880] =	vst v61  }
0x2b7: {  	[tilespmem:s1+$0xC890] =	vst v61  }
0x2b8: {  	v62 =	vbroadcast v2, $0x9;
	[tilespmem:s1+$0xB480] =	vst v3  }
0x2b9: {  	[tilespmem:s1+$0xB490] =	vst v3;
	v3 =	vbroadcast v2, $0x4  }
0x2ba: {  	[tilespmem:s1+$0xD080] =	vst v62  }
0x2bb: {  	[tilespmem:s1+$0xBC80] =	vst v3  }
0x2bc: {  	[tilespmem:s1+$0xBC90] =	vst v3;
	v3 =	vbroadcast v2, $0x6  }
0x2bd: {  	[tilespmem:s1+$0xD090] =	vst v62  }
0x2be: {  	v63 =	vbroadcast v2, $0xB;
	[tilespmem:s1+$0xC480] =	vst v3  }
0x2bf: {  	[tilespmem:s1+$0xC490] =	vst v3;
	v3 =	vbroadcast v2, $0x8  }
0x2c0: {  	[tilespmem:s1+$0xD880] =	vst v63  }
0x2c1: {  	[tilespmem:s1+$0xCC80] =	vst v3  }
0x2c2: {  	[tilespmem:s1+$0xCC90] =	vst v3;
	v3 =	vbroadcast v2, $0xA  }
0x2c3: {  	[tilespmem:s1+$0xD890] =	vst v63  }
0x2c4: {  	v2 =	vbroadcast v2, $0xC;
	[tilespmem:s1+$0xD480] =	vst v3  }
0x2c5: {  	[tilespmem:s1+$0xD490] =	vst v3  }
0x2c6: {  	[tilespmem:s1+$0xDC80] =	vst v2  }
0x2c7: {  	[tilespmem:s1+$0xDC90] =	vst v2  }
0x2c8: {  	_ =	swait.ge [sflag:s26], $0x400  }
0x2c9: {  	[sflag:s26] =	ssyncset.done $0x0  }
0x2ca: {  	[sflag:s26] =	ssyncadd.s32 $0xFFFFFC00  }
0x2cb: {  	_ =	swait.ge [sflag:s26], $0x400  }
0x2cc: {  	[sflag:s26] =	ssyncset.done $0x0  }
0x2cd: {  	[sflag:s26] =	ssyncadd.s32 $0xFFFFFC00  }
0x2ce: {  	_ =	swait.ge [sflag:s26], $0x400  }
0x2cf: {  	[sflag:s26] =	ssyncset.done $0x0  }
0x2d0: {  	[sflag:s26] =	ssyncadd.s32 $0xFFFFFC00  }
0x2d1: {  	_ =	swait.ge [sflag:s26], $0x400  }
0x2d2: {  	[sflag:s26] =	ssyncset.done $0x0  }
0x2d3: {  	[sflag:s26] =	ssyncadd.s32 $0xFFFFFC00  }
0x2d4: {  	_ =	swait.ge [sflag:s26], $0x400  }
0x2d5: {  	[sflag:s26] =	ssyncset.done $0x0  }
0x2d6: {  	[sflag:s26] =	ssyncadd.s32 $0xFFFFFC00  }
0x2d7: {  	_ =	swait.ge [sflag:s26], $0x400  }
0x2d8: {  	[sflag:s26] =	ssyncset.done $0x0  }
0x2d9: {  	[sflag:s26] =	ssyncadd.s32 $0xFFFFFC00  }
0x2da: {  	_ =	swait.ge [sflag:s26], $0x400  }
0x2db: {  	[sflag:s26] =	ssyncset.done $0x0  }
0x2dc: {  	[sflag:s26] =	ssyncadd.s32 $0xFFFFFC00  }
0x2dd: {  	_ =	swait.ge [sflag:s26], $0x400  }
0x2de: {  	[sflag:s26] =	ssyncset.done $0x0  }
0x2df: {  	[sflag:s26] =	ssyncadd.s32 $0xFFFFFC00  }
0x2e0: {  	_ =	swait.ge [sflag:s26], $0x400  }
0x2e1: {  	[sflag:s26] =	ssyncset.done $0x0  }
0x2e2: {  	[sflag:s26] =	ssyncadd.s32 $0xFFFFFC00  }
0x2e3: {  	_ =	swait.ge [sflag:s26], $0x400  }
0x2e4: {  	[sflag:s26] =	ssyncset.done $0x0  }
0x2e5: {  	[sflag:s26] =	ssyncadd.s32 $0xFFFFFC00  }
0x2e6: {  	_ =	swait.ge [sflag:s26], $0x400  }
0x2e7: {  	[sflag:s26] =	ssyncset.done $0x0  }
0x2e8: {  	[sflag:s26] =	ssyncadd.s32 $0xFFFFFC00  }
0x2e9: {  	_ =	swait.ge [sflag:s26], $0x400  }
0x2ea: {  	[sflag:s26] =	ssyncset.done $0x0  }
0x2eb: {  	[sflag:s26] =	ssyncadd.s32 $0xFFFFFC00  }
0x2ec: {  	_ =	swait.ge [sflag:s26], $0x400  }
0x2ed: {  	[sflag:s26] =	ssyncset.done $0x0  }
0x2ee: {  	[sflag:s26] =	ssyncadd.s32 $0xFFFFFC00  }
0x2ef: {  	_ =	swait.ge [sflag:s26], $0x400  }
0x2f0: {  	[sflag:s26] =	ssyncset.done $0x0  }
0x2f1: {  	[sflag:s26] =	ssyncadd.s32 $0xFFFFFC00  }
0x2f2: {  	_ =	swait.ge [sflag:s26], $0x400  }
0x2f3: {  	[sflag:s26] =	ssyncset.done $0x0  }
0x2f4: {  	[sflag:s26] =	ssyncadd.s32 $0xFFFFFC00  }
0x2f5: {  	_ =	swait.ge [sflag:s26], $0x400  }
0x2f6: {  	[sflag:s26] =	ssyncset.done $0x0  }
0x2f7: {  	[sflag:s26] =	ssyncadd.s32 $0xFFFFFC00  }
0x2f8: {  	_ =	swait.ge [sflag:s26], $0x400  }
0x2f9: {  	[sflag:s26] =	ssyncset.done $0x0  }
0x2fa: {  	[sflag:s26] =	ssyncadd.s32 $0xFFFFFC00  }
0x2fb: {  	_ =	swait.ge [sflag:s26], $0x400  }
0x2fc: {  	[sflag:s26] =	ssyncset.done $0x0  }
0x2fd: {  	[sflag:s26] =	ssyncadd.s32 $0xFFFFFC00  }
0x2fe: {  	_ =	swait.ge [sflag:s26], $0x400  }
0x2ff: {  	[sflag:s26] =	ssyncset.done $0x0  }
0x300: {  	[sflag:s26] =	ssyncadd.s32 $0xFFFFFC00  }
0x301: {  	_ =	swait.ge [sflag:s26], $0x400  }
0x302: {  	[sflag:s26] =	ssyncset.done $0x0  }
0x303: {  	[sflag:s26] =	ssyncadd.s32 $0xFFFFFC00  }
0x304: {  	_ =	swait.ge [sflag:s26], $0x400  }
0x305: {  	[sflag:s26] =	ssyncset.done $0x0  }
0x306: {  	[sflag:s26] =	ssyncadd.s32 $0xFFFFFC00  }
0x307: {  	_ =	swait.ge [sflag:s26], $0x400  }
0x308: {  	[sflag:s26] =	ssyncset.done $0x0  }
0x309: {  	[sflag:s26] =	ssyncadd.s32 $0xFFFFFC00  }
0x30a: {  	_ =	swait.ge [sflag:s26], $0x400  }
0x30b: {  	[sflag:s26] =	ssyncset.done $0x0  }
0x30c: {  	[sflag:s26] =	ssyncadd.s32 $0xFFFFFC00  }
0x30d: {  	_ =	swait.ge [sflag:s26], $0x400  }
0x30e: {  	[sflag:s26] =	ssyncset.done $0x0  }
0x30f: {  	[sflag:s26] =	ssyncadd.s32 $0xFFFFFC00  }
0x310: {  	_ =	swait.ge [sflag:s26], $0x400  }
0x311: {  	[sflag:s26] =	ssyncset.done $0x0  }
0x312: {  	[sflag:s26] =	ssyncadd.s32 $0xFFFFFC00  }
0x313: {  	_ =	swait.ge [sflag:s26], $0x400  }
0x314: {  	[sflag:s26] =	ssyncset.done $0x0  }
0x315: {  	s10 =	simm.s32 $0xAC80;
	s1 =	simm.s32 $0x0;
	[sflag:s26] =	ssyncadd.s32 $0xFFFFFC00  }
.LBB2_24:
0x316: {  	p0 =	sne.s32 s1, $0x98  }
.Ltmp11:
0x317: {  	_ = 	snop;
	(pc) =	sbr.rel @p0 .LBB2_24-.Ltmp11, $4  }
0x318: {  	_ = 	snop  }
0x319: {  	s14 =	sadd.s32 s1, s11  }
0x31a: {  	[hbm4b:s14+s13] =	stream.strided.scatter [tilespmem:s10], [sflag:$0x2], $0x400, s29, s13, $0x38;
	[tilespmem:$0x14880] =	vst v63  }
0x31b: {  	s1 =	sadd.s32 $0x4, s1;
	s10 =	sadd.s32 $0x400, s10  }
0x31c: {  	_ =	swait.ge [sflag:s28], $0x400  }
0x31d: {  	s1 =	simm.s32 $0x26;
	[sflag:s28] =	ssyncset.done $0x0  }
.LBB2_26:
0x31e: {  	p0 =	sne.s32 s1, $0x1;
	s1 =	sadd.s32 $0xFFFFFFFF, s1;
	[sflag:s28] =	ssyncadd.s32 $0xFFFFFC00  }
.Ltmp12:
0x31f: {  	(pc) =	sbr.rel @p0 .LBB2_26-.Ltmp12, $3  }
0x320: {  	_ =	sdelay $0x1  }
0x321: {  	_ =	swait.ge [sflag:s28], $0x400  }
0x322: {  	[sflag:s28] =	ssyncset.done $0x0  }
0x323: {  	s30 =	sadd.s32 $0x1, s30  }
0x324: {  	p0 =	sne.s32 s30, s8  }
.Ltmp13:
0x325: {  	_ = 	snop;
	(pc) =	sbr.rel @p0 .LBB2_1-.Ltmp13, $2  }
0x326: {  	_ =	sdelay $0x2  }
0x327: {  	[sflag:s28] =	ssyncadd.s32 $0xFFFFFC00  }
0x328: {  	_ =	sfence.sel $0x180000  }
0x329: {  	[bflag:$0x0] =	sbarrier.arrive $0xFFFF  }
0x32a: {  	_ =	strace $0x9000004A  }
0x32b: {  	s0 =	stileid.u32;
	[bflag:$0x2] =	sbarrier.arrive $0xFFFF  }
0x32c: {  	p0 =	sne.s32 s0, $0x0;
	s0 =	rddreg [dreg:$0x2]  }
0x32d: {  	s0 =	sadd.s32 @!p0 $0x100000, s0  }
0x32e: {  	[sflag:s0] =	ssyncadd.tile.s32 @!p0 $0x1;
	_ =	shalt  }
.Lfunc_end2:
_tile_overlayer_lowered:
.L_overlay_start_2:
0x32f: {  	(tag) =	ssettag $0x2  }
0x330: {  	s0 =	rddreg [dreg:$0x0];
	s2 =	stileid.u32  }
0x331: {  	s1 =	rddreg [dreg:$0x1];
	p0 =	sne.s32 s2, $0x0  }
0x332: {  	s3 =	rddreg [dreg:$0x2];
	[bflag:$0x3] =	sbarrier.arrive $0xFFFF;
	s2 =	simm.s32 @!p0 $0x1C03  }
0x333: {  	[timem:s3], [sflag:s2] =	dma.local @!p0 [hbm:s0], s1  }
0x334: {  	s0 =	simm.s32 @!p0 $0x3  }
0x335: {  	_ =	swait.ge @!p0 [sflag:s0], s1  }
0x336: {  	s1 =	ssub.s32 @!p0 $0x0, s1;
	[sflag:s0] =	ssyncset.done @!p0 $0x0  }
0x337: {  	[sflag:s0] =	ssyncadd.s32 @!p0 s1  }
0x338: {  	[bflag:$0x3] =	sbarrier.arrive $0xFFFF  }
0x339: {  	_ =	shalt  }

// kernel: sparse-core-data-format-call.1.cloned.1.call-start
scs
called_computation.1_lowered:
.L_overlay_start_0:
0x0: {  	s2 =	sld [smem:$0x3FD9]  }
0x1: {  	s3 =	sld [smem:$0x3FFE];
	_ =	sdelay $0x1  }
0x2: {  	s1 =	srdreg.scid  }
0x3: {  	s0 =	sand.u32 $0x1, s1  }
0x4: {  	s18 =	sshll.u32 s0, $0xA;
	s2 =	sadd.s32 s3, s2  }
0x5: {  	s2 =	sadd.s32 s2, s18  }
0x6: {  	[smem:$0x3FC6] =	sst s2  }
0x7: {  	_ = 	snop  }
0x8: {  	s2 =	sld [smem:$0x3FC8];
	(tm) =	ssettm $0x1  }
0x9: {  	s19 =	sld [smem:$0x3FFB];
	_ =	sdelay $0x3  }
0xa: {  	_ =	strace s19  }
0xb: {  	s3 =	sld [smem:$0x3FFC];
	_ =	sdelay $0x3  }
0xc: {  	_ =	strace s3  }
0xd: {  	s3 =	sld [smem:$0x3FFD];
	_ =	sdelay $0x3  }
0xe: {  	_ =	strace s3  }
0xf: {  	_ =	strace $0x8FFFFFFF  }
0x10: {  	s20 =	sld [smem:$0x3FDB];
	_ =	sdelay $0x1  }
0x11: {  	s4 =	simm.s32 $_scs_section_size  }
0x12: {  	s5 =	simm.s32 $_size__tile_overlayer_lowered;
	s6 =	simm.s32 $_tile_overlayer_lowered  }
0x13: {  	s23 =	simm.s32 $0x1BFF;
	s22 =	sshll.u32 s6, $0x1;
	s3 =	sadd.s32 s4, s20  }
0x14: {  	s7 =	simm.s32 $0x0;
	s21 =	sshll.u32 s5, $0x1;
	s5 =	sadd.s32 s22, s3  }
0x15: {  	[timem:s7], [sflag:s23] =	dma.local [hbm:s5], s21  }
0x16: {  	_ =	swait.ge [sflag:s23], s21  }
0x17: {  	s4 =	ssub.s32 $0x0, s21;
	[sflag:s23] =	ssyncset.done $0x0  }
0x18: {  	[sflag:s23] =	ssyncadd.s32 s4;
	_ =	sdelay $0x1  }
0x19: {  	s24 =	simm.s32 $0x1B8B  }
0x1a: {  	_ =	swait.ge [sflag:s24], $0x1  }
0x1b: {  	[sflag:s24] =	ssyncset.done $0x0  }
0x1c: {  	s26 =	simm.s32 $0x1B8E;
	s25 =	sld [smem:$0x3FFE];
	[sflag:s24] =	ssyncadd.s32 $0xFFFFFFFF  }
0x1d: {  	s27 =	simm.s32 $execute0_lowered;
	[smem:$0x3FD2] =	sst s26  }
0x1e: {  	s5 =	sshll.u32 s27, $0x1;
	_ =	strace $0x80000046;
	[dreg:$0x1] =	wrdreg $0xFFFFFFFF  }
0x1f: {  	s28 =	simm.s32 $_size_execute0_lowered;
	s3 =	sadd.s32 s3, s5;
	[dreg:$0x0] =	wrdreg $0x0  }
0x20: {  	s5 =	sshll.u32 s28, $0x1;
	[dreg:$0x2] =	wrdreg s3  }
0x21: {  	[dreg:$0x3] =	wrdreg s5  }
0x22: {  	[dreg:$0x4] =	wrdreg $0xC0  }
0x23: {  	_ =	task [dreg:s7], $0x5FFFF  }
0x24: {  	[dreg:$0x1] =	wrdreg $0xFFFFFFFF  }
0x25: {  	[dreg:$0x0] =	wrdreg $0x60  }
0x26: {  	[dreg:$0x2] =	wrdreg s2  }
0x27: {  	[dreg:$0x3] =	wrdreg s25  }
0x28: {  	[dreg:$0x4] =	wrdreg $0x9  }
0x29: {  	_ =	task.clear_ibuf [dreg:s7], $0x5FFFF;
	_ =	strace $0x90000046  }
0x2a: {  	s29 =	simm.s32 $0x9;
	_ =	strace $0x80000048  }
0x2b: {  	_ =	swait.ge [sflag:s29], $0x1  }
0x2c: {  	[sflag:s29] =	ssyncadd.s32 $0xFFFFFFFF  }
0x2d: {  	_ =	strace $0x90000048  }
0x2e: {  	_ =	sfence  }
0x2f: {  	s30 =	sld [smem:$0x0];
	_ =	sdelay $0x2  }
0x30: {  	s31 =	sshll.u32 s1, $0xD;
	s1 =	sshrl.u32 s1, $0x2  }
0x31: {  	s3 =	sand.u32 $0x4000, s31;
	s1 =	sadd.s32 s1, s30  }
0x32: {  	s0 =	sor.u32 s3, s0;
	s1 =	sshll.u32 s1, $0x11  }
0x33: {  	s0 =	sor.u32 s1, s0  }
0x34: {  	s0 =	sadd.s32 $0x8F2B, s0  }
0x35: {  	[sflag:s0] =	ssyncadd.remote.s32 $0x1  }
0x36: {  	_ =	sfence.sel $0xFFFF  }
0x37: {  	[dreg:$0x0] =	wrdreg $0xFFFFFFFF;
	(pc) =	sbr.abs _section_cstart, $3  }
0x38: {  	[dreg:$0x1] =	wrdreg $0xFFFFFFFF  }
0x39: {  	_ =	task.clear_ibuf [dreg:s7], $0x2FFFF;
	_ =	strace $0x9FFFFFFF  }
0x3a: {  	(tm) =	ssettm $0x7FFFFFFF  }
0x3b: {  	_ =	shalt  }
tec
execute0_lowered:
.L_overlay_start_1:
0x0: {  	(tag) =	ssettag $0x1  }
0x1: {  	s2 =	rddreg [dreg:$0x0]  }
0x2: {  	s0 =	srdreg.scid;
	s5 =	rddreg [dreg:$0x1]  }
0x3: {  	s31 =	simm.s32 $0x2;
	s16 =	simm.s32 $0x0;
	p0 =	por $0x0, $0x0  }
0x4: {  	s8 =	simm.s32 $0x80;
	s17 =	simm.s32 $0x0;
	s1 =	sshll.u32 s0, $0x4  }
0x5: {  	s18 =	simm.s32 $0x0;
	s0 =	stileid.u32;
	s1 =	sand.u32 $0x10, s1  }
0x6: {  	s9 =	simm.s32 $0x0;
	s10 =	simm.s32 $0x0;
	s1 =	sor.u32 s0, s1  }
0x7: {  	s11 =	simm.s32 $0x0;
	s13 =	simm.s32 $0x0;
	s3 =	sshll.u32 s1, $0x8  }
.Ltmp0:
0x8: {  	s14 =	simm.s32 $0x0;
	s4 =	ssub.s32 $0x18600, s3;
	(pc) =	sbr.rel .LBB1_1-.Ltmp0, $4  }
0x9: {  	s15 =	simm.s32 $0x0;
	s1 =	rddreg [dreg:$0x2];
	s6 =	sshrl.u32 s4, $0xD  }
0xa: {  	_ =	strace $0x80000047;
	s4 =	simm.s32 $0x1;
	s7 =	smul.u32 $0x1A, s6  }
0xb: {  	s5 =	sadd.s32 $0xE00, s5;
	s12 =	smov.u32 s3;
	[sflag:s4] =	ssyncpa.u1 $0x0  }
0xc: {  	[sflag:s31] =	ssyncpa.u1 $0x0;
	s6 =	sadd.s32 $0x1A, s7;
	s7 =	sadd.s32 $0x1B, s7  }
.LBB1_5:
0xd: {  	p1 =	slt.u32 s15, $0x2  }
0xe: {  	s19 =	smov.u32 s18;
	p2 =	sgt.s32 @!p1 s18, $0x19  }
0xf: {  	s20 =	sshra.s32 @!p1 s18, $0x1F;
	p3 =	sgt.s32 @!p1 s16, $0x185A0;
	p4 =	sgt.s32 @!p1 s17, $0x60  }
0x10: {  	s21 =	sshra.s32 @!p1 s17, $0x1F;
	p2 =	por !p2, p1;
	s18 =	sand.u32 @!p1 s20, s18  }
0x11: {  	p4 =	por !p4, p1;
	s20 =	smov.u32 s17;
	s19 =	simm.s32 @p2 $0x19  }
0x12: {  	s17 =	sand.u32 @!p1 s21, s17;
	s20 =	simm.s32 @p4 $0x60;
	s18 =	ssub.s32 @!p1 s19, s18  }
0x13: {  	p3 =	por !p3, p1;
	s17 =	ssub.s32 @!p1 s20, s17;
	s19 =	sadd.s32 @!p1 $0xFFFFFFE7, s18  }
0x14: {  	s20 =	sshra.s32 @!p1 s16, $0x1F;
	s18 =	ssub.s32 @!p1 $0x1A, s18;
	p2 =	sgt.s32 @!p1 s19, $0x0  }
0x15: {  	s19 =	smov.u32 s16;
	s16 =	sand.u32 @!p1 s20, s16;
	s20 =	sadd.s32 @!p1 $0xFFFFFFA0, s17  }
0x16: {  	s17 =	ssub.s32 @!p1 $0x80, s17;
	s19 =	simm.s32 @p3 $0x185A0;
	p2 =	por !p2, p1  }
0x17: {  	s18 =	simm.s32 @!p2 $0x0;
	s16 =	ssub.s32 @!p1 s19, s16;
	p2 =	sgt.s32 @!p1 s20, $0x1F  }
0x18: {  	s20 =	smov.u32 s13;
	s19 =	sadd.s32 @!p1 $0xFFFE7A60, s16;
	p2 =	por !p2, p1  }
0x19: {  	s16 =	ssub.s32 @!p1 $0x186A0, s16;
	s17 =	simm.s32 @!p2 $0x0;
	p2 =	sgt.s32 @!p1 s19, $0xFF  }
0x1a: {  	s19 =	sadd.s32 $0x2000, s12;
	p2 =	por !p2, p1;
	s17 =	smul.u32 @!p1 s18, s17  }
0x1b: {  	s18 =	sadd.s32 $0x20, s13;
	s16 =	simm.s32 @!p2 $0x0;
	p2 =	sgt.s32 s19, $0x1869F  }
0x1c: {  	s16 =	smul.u32 @!p1 s16, s17;
	s20 =	smov.u32 @p2 s18  }
0x1d: {  	s19 =	smov.u32 @p2 s3;
	s17 =	simm.s32 $0x1;
	p2 =	sgt.s32 s20, $0x1F  }
0x1e: {  	s17 =	simm.s32 @!p2 $0x0  }
0x1f: {  	p0 =	por !p0, !p0;
	s23 =	sadd.s32 s17, s14  }
0x20: {  	s21 =	simm.s32 @!p1 $0x2;
	s20 =	simm.s32 @p2 $0x0;
	p2 =	sgt.s32 s23, $0x19  }
0x21: {  	s18 =	smov.u32 s11;
	s23 =	simm.s32 @p2 $0x0;
	p2 =	sne.s32 s15, s7  }
.Ltmp1:
0x22: {  	s11 =	smov.u32 s14;
	s16 =	sand.u32 @!p1 $0x3FFFFFFF, s16;
	(pc) =	sbr.rel @!p2 .LBB1_6-.Ltmp1, $4  }
0x23: {  	_ =	swait.ge @!p1 [sflag:s21], s16;
	s22 =	ssub.s32 @!p1 $0x0, s16;
	s16 =	smov.u32 s9  }
0x24: {  	s17 =	smov.u32 s10;
	s9 =	smov.u32 s12;
	s10 =	smov.u32 s13  }
0x25: {  	s12 =	smov.u32 s19;
	s13 =	smov.u32 s20;
	[sflag:s21] =	ssyncset.done @!p1 $0x0  }
0x26: {  	s15 =	sadd.s32 $0x1, s15;
	[sflag:s21] =	ssyncadd.s32 @!p1 s22;
	s14 =	smov.u32 s23  }
.LBB1_1:
0x27: {  	p1 =	sge.u32 s15, s6  }
0x28: {  	s19 =	sshrl.u32 @!p1 s13, $0x3  }
0x29: {  	s20 =	sshll.u32 @!p1 s12, $0x3;
	s19 =	smul.u32 @!p1 $0xC3800, s19  }
0x2a: {  	s21 =	sshll.u32 @!p1 s13, $0x7;
	s20 =	sand.u32 @!p1 $0xFFFFFC00, s20  }
0x2b: {  	s19 =	sadd.s32 @!p1 s19, s20;
	s20 =	sand.u32 @!p1 $0x380, s21  }
0x2c: {  	s21 =	sand.u32 @!p1 $0x7F, s12;
	s19 =	sor.u32 @!p1 s20, s19  }
0x2d: {  	s20 =	sor.u32 @!p1 s21, s19  }
0x2e: {  	s21 =	smulhi.u32 @!p1 $0xA79C7B17, s20  }
0x2f: {  	s19 =	smulhi.u32 @!p1 $0xA79C7B17, s19  }
0x30: {  	s21 =	sshrl.u32 @!p1 s21, $0x10  }
0x31: {  	s19 =	sshrl.u32 @!p1 s19, $0x10;
	s21 =	smul.u32 @!p1 $0x18700, s21  }
0x32: {  	s22 =	sxor.u32 @!p1 $0xFFFFFFFF, s15;
	s23 =	smul.u32 @!p1 $0x61C00, s14;
	s19 =	sand.u32 @!p1 $0x1F, s19  }
0x33: {  	s22 =	sshll.u32 @!p1 s22, $0xD;
	s19 =	smul.u32 @!p1 $0x30E0, s19;
	s20 =	ssub.s32 @!p1 s20, s21  }
0x34: {  	s21 =	sand.u32 @!p1 $0x2000, s22;
	s22 =	sadd.s32 @!p1 s2, s23;
	s23 =	sand.u32 @!p1 $0x7, s20  }
0x35: {  	s20 =	sshrl.u32 @!p1 s20, $0x3;
	s19 =	sadd.s32 @!p1 s19, s22;
	s22 =	sshll.u32 @!p1 s23, $0x12  }
0x36: {  	s19 =	sadd.s32 @!p1 s20, s19;
	s20 =	sor.u32 @!p1 $0x800, s22;
	s22 =	simm.s32 @!p1 $0xC3800  }
0x37: {  	[tilespmem:s21], [sflag:$0x1] =	stream.strided.gather @!p1 [hbm4b:s19+s20], $0x2000, s22, s20, $0x38;
	[tilespmem:$0x8200] =	vst v63  }
0x38: {  	p1 =	seq.s32 s15, $0x0  }
0x39: {  	p2 =	sge.u32 @!p1 s15, s7  }
0x3a: {  	p1 =	por p1, p2  }
.Ltmp2:
0x3b: {  	_ = 	snop;
	(pc) =	sbr.rel @p1 .LBB1_5-.Ltmp2, $1  }
0x3c: {  	_ =	sdelay $0x3  }
0x3d: {  	s21 =	simm.s32 $0x0  }
0x3e: {  	s22 =	sand.u32 $0x1800, s21;
	s23 =	sand.u32 $0x380, s21  }
0x3f: {  	s19 =	sand.u32 $0x1, s15;
	s23 =	sor.u32 s23, s22  }
0x40: {  	_ =	swait.ge [sflag:s4], $0x2000;
	s20 =	sshll.u32 s19, $0xD;
	s22 =	sand.u32 $0x1B00, s23  }
0x41: {  	[sflag:s4] =	ssyncset.done $0x0;
	s21 =	sand.u32 $0x80, s21;
	s22 =	sadd.s32 s22, s20  }
0x42: {  	[sflag:s4] =	ssyncadd.s32 $0xFFFFE000;
	s25 =	sadd.s32 s21, s22  }
0x43: {  	v4 =	vld [tilespmem:s25+$0x400]  }
0x44: {  	s24 =	simm.s32 $0x1;
	v5 =	vld [tilespmem:s25+$0x0]  }
0x45: {  	s24 =	simm.s32 @!p0 $0x0;
	v6 =	vld [tilespmem:s25+$0x10]  }
0x46: {  	v0 =	vmov s20;
	s31 =	smul.u32 $0x8400, s24;
	v7 =	vld [tilespmem:s25+$0x20]  }
0x47: {  	v9 =	vld [tilespmem:s25+$0x30]  }
0x48: {  	s21 =	sshrl.u32 s31, $0x2;
	v10 =	vld [tilespmem:s25+$0x40]  }
0x49: {  	s21 =	sor.u32 $0x4000, s21;
	v11 =	vld [tilespmem:s25+$0x50]  }
0x4a: {  	v8 =	vld [tilespmem:s25+$0x60];
	s22 =	sadd.s32 $0x0, s21  }
0x4b: {  	v1 =	vld.idx.msk [tilespmem:v0+s23+$0x410 ss:$0x1], $0xffff;
	[tilespmem:s22+$0x1080 ss:$0x21] =	vst.msk $0xffff, v4  }
0x4c: {  	v2 =	vld.idx.msk [tilespmem:v0+s23+$0x420 ss:$0x1], $0xffff;
	[tilespmem:s22+$0x0 ss:$0x21] =	vst.msk $0xffff, v5  }
0x4d: {  	v3 =	vld.idx.msk [tilespmem:v0+s23+$0x430 ss:$0x1], $0xffff;
	[tilespmem:s22+$0x210 ss:$0x21] =	vst.msk $0xffff, v6  }
0x4e: {  	s19 =	smul.u32 $0x8400, s19;
	[tilespmem:s22+$0x420 ss:$0x21] =	vst.msk $0xffff, v7;
	v7 =	vld [tilespmem:s25+$0x70]  }
0x4f: {  	s26 =	simm.s32 $0x80;
	s27 =	simm.s32 $0x8;
	[tilespmem:s22+$0x630 ss:$0x21] =	vst.msk $0xffff, v9;
	v4 =	vld.idx.msk [tilespmem:v0+s23+$0x440 ss:$0x1], $0xffff  }
0x50: {  	s29 =	sand.u32 $0x380, s26;
	s19 =	sshrl.u32 s19, $0x2;
	[tilespmem:s22+$0x840 ss:$0x21] =	vst.msk $0xffff, v10;
	v5 =	vld.idx.msk [tilespmem:v0+s23+$0x450 ss:$0x1], $0xffff;
	s25 =	simm.s32 $0x100  }
0x51: {  	s24 =	simm.s32 $0x4;
	s19 =	sor.u32 $0x4000, s19;
	[tilespmem:s22+$0xA50 ss:$0x21] =	vst.msk $0xffff, v11;
	v6 =	vld.idx.msk [tilespmem:v0+s23+$0x460 ss:$0x1], $0xffff;
	s28 =	sand.u32 $0x1800, s25  }
.LBB1_3:
0x52: {  	p1 =	sne.s32 s27, $0x7C;
	[tilespmem:s22+$0xC60 ss:$0x21] =	vst.msk $0xffff, v8;
	v8 =	vld.idx.msk [tilespmem:v0+s23+$0x470 ss:$0x1], $0xffff;
	s23 =	sor.u32 s29, s28  }
0x53: {  	s28 =	sand.u32 $0x1B00, s23;
	v9 =	vld.idx.msk [tilespmem:v0+s23+$0x410 ss:$0x1], $0xffff;
	[tilespmem:s22+$0xE70 ss:$0x21] =	vst.msk $0xffff, v7  }
0x54: {  	s29 =	sand.u32 $0x80, s26;
	s28 =	sadd.s32 s28, s20;
	v7 =	vld.idx.msk [tilespmem:v0+s23+$0x420 ss:$0x1], $0xffff;
	[tilespmem:s22+$0x1290 ss:$0x21] =	vst.msk $0xffff, v1  }
0x55: {  	s28 =	sadd.s32 s29, s28;
	v10 =	vld.idx.msk [tilespmem:v0+s23+$0x430 ss:$0x1], $0xffff;
	[tilespmem:s22+$0x14A0 ss:$0x21] =	vst.msk $0xffff, v2  }
0x56: {  	v11 =	vld [tilespmem:s28+$0x400];
	[tilespmem:s22+$0x16B0 ss:$0x21] =	vst.msk $0xffff, v3  }
0x57: {  	v12 =	vld [tilespmem:s28+$0x0];
	[tilespmem:s22+$0x18C0 ss:$0x21] =	vst.msk $0xffff, v4  }
0x58: {  	v4 =	vld [tilespmem:s28+$0x10];
	[tilespmem:s22+$0x1AD0 ss:$0x21] =	vst.msk $0xffff, v5  }
0x59: {  	s29 =	sshra.s32 s24, $0x2;
	s24 =	smov.u32 s27;
	v1 =	vmov v9;
	v5 =	vld [tilespmem:s28+$0x20];
	[tilespmem:s22+$0x1CE0 ss:$0x21] =	vst.msk $0xffff, v6  }
0x5a: {  	v2 =	vmov v7;
	v6 =	vld [tilespmem:s28+$0x30];
	[tilespmem:s22+$0x1EF0 ss:$0x21] =	vst.msk $0xffff, v8;
	s22 =	sadd.s32 s29, s21  }
0x5b: {  	v3 =	vmov v10;
	v9 =	vld [tilespmem:s28+$0x40];
	[tilespmem:s22+$0x1080 ss:$0x21] =	vst.msk $0xffff, v11  }
0x5c: {  	[tilespmem:s22+$0x0 ss:$0x21] =	vst.msk $0xffff, v12;
	v10 =	vld [tilespmem:s28+$0x50]  }
.Ltmp3:
0x5d: {  	[tilespmem:s22+$0x210 ss:$0x21] =	vst.msk $0xffff, v4;
	v8 =	vld [tilespmem:s28+$0x60];
	(pc) =	sbr.rel @p1 .LBB1_3-.Ltmp3, $4  }
0x5e: {  	[tilespmem:s22+$0x420 ss:$0x21] =	vst.msk $0xffff, v5;
	v7 =	vld [tilespmem:s28+$0x70]  }
0x5f: {  	[tilespmem:s22+$0x630 ss:$0x21] =	vst.msk $0xffff, v6;
	v4 =	vld.idx.msk [tilespmem:v0+s23+$0x440 ss:$0x1], $0xffff  }
0x60: {  	s26 =	sadd.s32 $0x80, s26;
	s25 =	sadd.s32 $0x100, s25;
	[tilespmem:s22+$0x840 ss:$0x21] =	vst.msk $0xffff, v9;
	v5 =	vld.idx.msk [tilespmem:v0+s23+$0x450 ss:$0x1], $0xffff  }
0x61: {  	s27 =	sadd.s32 $0x4, s27;
	s29 =	sand.u32 $0x380, s26;
	s28 =	sand.u32 $0x1800, s25;
	[tilespmem:s22+$0xA50 ss:$0x21] =	vst.msk $0xffff, v10;
	v6 =	vld.idx.msk [tilespmem:v0+s23+$0x460 ss:$0x1], $0xffff  }
0x62: {  	_ =	sdelay $0x3  }
0x63: {  	s25 =	sor.u32 s29, s28;
	v47 =	vld.idx.msk [tilespmem:v0+s23+$0x470 ss:$0x1], $0xffff  }
0x64: {  	[tilespmem:s22+$0xC60 ss:$0x21] =	vst.msk $0xffff, v8;
	v57 =	vld.idx.msk [tilespmem:v0+s25+$0x410 ss:$0x1], $0xffff  }
0x65: {  	[tilespmem:s22+$0x1290 ss:$0x21] =	vst.msk $0xffff, v1;
	v58 =	vld.idx.msk [tilespmem:v0+s25+$0x420 ss:$0x1], $0xffff  }
0x66: {  	[tilespmem:s22+$0x14A0 ss:$0x21] =	vst.msk $0xffff, v2;
	v59 =	vld.idx.msk [tilespmem:v0+s25+$0x430 ss:$0x1], $0xffff  }
0x67: {  	[tilespmem:s22+$0x16B0 ss:$0x21] =	vst.msk $0xffff, v3;
	v60 =	vld.idx.msk [tilespmem:v0+s25+$0x440 ss:$0x1], $0xffff  }
0x68: {  	s26 =	sand.u32 $0x80, s26;
	s27 =	sand.u32 $0x1B00, s25;
	[tilespmem:s22+$0xE70 ss:$0x21] =	vst.msk $0xffff, v7;
	v61 =	vld.idx.msk [tilespmem:v0+s25+$0x450 ss:$0x1], $0xffff  }
0x69: {  	s29 =	sshll.u32 s10, $0x3;
	s24 =	sshra.s32 s24, $0x2;
	v62 =	vld.idx.msk [tilespmem:v0+s25+$0x460 ss:$0x1], $0xffff;
	s20 =	sadd.s32 s27, s20;
	[tilespmem:s22+$0x18C0 ss:$0x21] =	vst.msk $0xffff, v4  }
0x6a: {  	p1 =	sgt.s32 s11, $0x19;
	s31 =	sand.u32 $0xFFFFFC00, s29;
	v63 =	vld.idx.msk [tilespmem:v0+s25+$0x470 ss:$0x1], $0xffff;
	s23 =	sadd.s32 s26, s20;
	[tilespmem:s22+$0x1AD0 ss:$0x21] =	vst.msk $0xffff, v5  }
0x6b: {  	p2 =	sgt.s32 s10, $0x60;
	s29 =	sshra.s32 s11, $0x1F;
	s25 =	smul.u32 $0x186A00, s11;
	v48 =	vld [tilespmem:s23+$0x400];
	[tilespmem:s22+$0x1CE0 ss:$0x21] =	vst.msk $0xffff, v6  }
0x6c: {  	s26 =	sshll.u32 s9, $0x7;
	s20 =	sadd.s32 s24, s21;
	s24 =	sand.u32 s29, s11;
	v49 =	vld [tilespmem:s23+$0x0];
	[tilespmem:s22+$0x1EF0 ss:$0x21] =	vst.msk $0xffff, v47  }
0x6d: {  	s29 =	sshra.s32 s9, $0x1F;
	v50 =	vld [tilespmem:s23+$0x10];
	s30 =	sand.u32 $0xFFFFFC00, s26;
	s28 =	sand.u32 $0x380, s26;
	[tilespmem:s20+$0x1290 ss:$0x21] =	vst.msk $0xffff, v57  }
0x6e: {  	v51 =	vld [tilespmem:s23+$0x20];
	s27 =	sadd.s32 s31, s30;
	s22 =	smov.u32 s11;
	s31 =	sshra.s32 s10, $0x1F;
	[tilespmem:s20+$0x14A0 ss:$0x21] =	vst.msk $0xffff, v58  }
0x6f: {  	v52 =	vld [tilespmem:s23+$0x30];
	s21 =	sor.u32 s28, s27;
	s22 =	simm.s32 @!p1 $0x19;
	s28 =	sand.u32 s31, s10;
	[tilespmem:s20+$0x16B0 ss:$0x21] =	vst.msk $0xffff, v59  }
0x70: {  	v53 =	vld [tilespmem:s23+$0x40];
	s27 =	smov.u32 s9;
	[tilespmem:s20+$0x18C0 ss:$0x21] =	vst.msk $0xffff, v60;
	s21 =	sshrl.u32 s21, $0x7;
	s22 =	ssub.s32 s22, s24  }
0x71: {  	v54 =	vld [tilespmem:s23+$0x50];
	[tilespmem:s20+$0x1AD0 ss:$0x21] =	vst.msk $0xffff, v61;
	s24 =	smov.u32 s10;
	s26 =	smulhi.u32 $0x14F8B59, s21;
	s30 =	sadd.s32 $0xFFFFFFE7, s22  }
0x72: {  	v55 =	vld [tilespmem:s23+$0x60];
	[tilespmem:s20+$0x1CE0 ss:$0x21] =	vst.msk $0xffff, v62;
	s24 =	simm.s32 @!p2 $0x60;
	p2 =	sgt.s32 s9, $0x185A0;
	s22 =	ssub.s32 $0x1A, s22  }
0x73: {  	v56 =	vld [tilespmem:s23+$0x70];
	[tilespmem:s20+$0x1EF0 ss:$0x21] =	vst.msk $0xffff, v63;
	p1 =	sgt.s32 s30, $0x0;
	s23 =	ssub.s32 s24, s28;
	s27 =	simm.s32 @!p2 $0x185A0  }
0x74: {  	[tilespmem:s20+$0x1080 ss:$0x21] =	vst.msk $0xffff, v48;
	s24 =	sand.u32 s29, s9;
	s28 =	sand.u32 $0x7, s10;
	s26 =	sshrl.u32 s26, $0x9  }
0x75: {  	[tilespmem:s20+$0x0 ss:$0x21] =	vst.msk $0xffff, v49;
	s24 =	ssub.s32 s27, s24;
	s30 =	sadd.s32 $0xFFFFFFA0, s23;
	s22 =	simm.s32 @p1 $0x0  }
0x76: {  	[tilespmem:s20+$0x210 ss:$0x21] =	vst.msk $0xffff, v50;
	s23 =	ssub.s32 $0x80, s23;
	s27 =	sshrl.u32 s10, $0x3;
	p1 =	sgt.s32 s30, $0x1F  }
0x77: {  	[tilespmem:s20+$0x420 ss:$0x21] =	vst.msk $0xffff, v51;
	s26 =	smul.u32 $0x186A0, s26;
	s31 =	sadd.s32 $0xFFFE7A60, s24;
	s23 =	simm.s32 @p1 $0x0  }
0x78: {  	[tilespmem:s20+$0x630 ss:$0x21] =	vst.msk $0xffff, v52;
	s24 =	ssub.s32 $0x186A0, s24;
	p1 =	sgt.s32 s31, $0xFF;
	s22 =	smul.u32 s22, s23  }
.Ltmp4:
0x79: {  	[tilespmem:s20+$0x840 ss:$0x21] =	vst.msk $0xffff, v53;
	s24 =	simm.s32 @p1 $0x0;
	s21 =	ssub.s32 s21, s26;
	(pc) =	sbr.rel .LBB1_5-.Ltmp4, $4  }
0x7a: {  	[tilespmem:s20+$0xA50 ss:$0x21] =	vst.msk $0xffff, v54;
	s23 =	sadd.s32 s5, s25;
	s22 =	smul.u32 s24, s22;
	s24 =	sand.u32 $0xF, s27  }
0x7b: {  	[tilespmem:s20+$0xC60 ss:$0x21] =	vst.msk $0xffff, v55;
	s29 =	sshll.u32 s28, $0x12;
	s21 =	sshll.u32 s21, $0x4;
	s23 =	sadd.s32 s24, s23  }
0x7c: {  	[tilespmem:s20+$0xE70 ss:$0x21] =	vst.msk $0xffff, v56;
	s31 =	sor.u32 $0x20, s29;
	s30 =	sand.u32 $0x3FFFFFFF, s22;
	s21 =	sadd.s32 s21, s23  }
0x7d: {  	[hbm4b:s21+s31] =	stream.strided.scatter [tilespmem:s19], [sflag:$0x2], s30, s8, s31, $0x10;
	[tilespmem:$0x8200] =	vst v63  }
.LBB1_6:
0x7e: {  	_ =	sfence.sel $0x180000  }
0x7f: {  	s2 =	simm.s32 $0x1;
	[bflag:$0x0] =	sbarrier.arrive $0xFFFF  }
0x80: {  	s31 =	simm.s32 $0x2;
	[sflag:s2] =	ssyncpa.u1 $0x1  }
0x81: {  	[sflag:s31] =	ssyncpa.u1 $0x1  }
0x82: {  	p0 =	sne.s32 s0, $0x0;
	_ =	strace $0x90000047  }
0x83: {  	s0 =	sadd.s32 @!p0 $0x100000, s1;
	[bflag:$0x2] =	sbarrier.arrive $0xFFFF  }
0x84: {  	[sflag:s0] =	ssyncadd.tile.s32 @!p0 $0x1;
	_ =	shalt  }
.Lfunc_end1:
_tile_overlayer_lowered:
.L_overlay_start_2:
0x85: {  	(tag) =	ssettag $0x2  }
0x86: {  	s0 =	rddreg [dreg:$0x0];
	s2 =	stileid.u32  }
0x87: {  	s1 =	rddreg [dreg:$0x1];
	p0 =	sne.s32 s2, $0x0  }
0x88: {  	s3 =	rddreg [dreg:$0x2];
	[bflag:$0x3] =	sbarrier.arrive $0xFFFF;
	s2 =	simm.s32 @!p0 $0x1C01  }
0x89: {  	[timem:s3], [sflag:s2] =	dma.local @!p0 [hbm:s0], s1  }
0x8a: {  	s0 =	simm.s32 @!p0 $0x1  }
0x8b: {  	_ =	swait.ge @!p0 [sflag:s0], s1  }
0x8c: {  	s1 =	ssub.s32 @!p0 $0x0, s1;
	[sflag:s0] =	ssyncset.done @!p0 $0x0  }
0x8d: {  	[sflag:s0] =	ssyncadd.s32 @!p0 s1  }
0x8e: {  	[bflag:$0x3] =	sbarrier.arrive $0xFFFF  }
0x8f: {  	_ =	shalt  }

// kernel: sparse-core-data-format-call.cloned.1.call-start
scs
called_computation_lowered:
.L_overlay_start_0:
0x0: {  	s2 =	sld [smem:$0x3FD9]  }
0x1: {  	s3 =	sld [smem:$0x3FFE];
	_ =	sdelay $0x1  }
0x2: {  	s1 =	srdreg.scid  }
0x3: {  	s0 =	sand.u32 $0x1, s1  }
0x4: {  	s18 =	sshll.u32 s0, $0xA;
	s2 =	sadd.s32 s3, s2  }
0x5: {  	s2 =	sadd.s32 s2, s18  }
0x6: {  	[smem:$0x3FC6] =	sst s2  }
0x7: {  	_ = 	snop  }
0x8: {  	s2 =	sld [smem:$0x3FD0];
	(tm) =	ssettm $0x1  }
0x9: {  	s19 =	sld [smem:$0x3FFB];
	_ =	sdelay $0x3  }
0xa: {  	_ =	strace s19  }
0xb: {  	s3 =	sld [smem:$0x3FFC];
	_ =	sdelay $0x3  }
0xc: {  	_ =	strace s3  }
0xd: {  	s3 =	sld [smem:$0x3FFD];
	_ =	sdelay $0x3  }
0xe: {  	_ =	strace s3  }
0xf: {  	_ =	strace $0x8FFFFFFF  }
0x10: {  	s20 =	sld [smem:$0x3FDB];
	_ =	sdelay $0x1  }
0x11: {  	s4 =	simm.s32 $_scs_section_size  }
0x12: {  	s5 =	simm.s32 $_size__tile_overlayer_lowered;
	s6 =	simm.s32 $_tile_overlayer_lowered  }
0x13: {  	s23 =	simm.s32 $0x1BFF;
	s22 =	sshll.u32 s6, $0x1;
	s3 =	sadd.s32 s4, s20  }
0x14: {  	s7 =	simm.s32 $0x0;
	s21 =	sshll.u32 s5, $0x1;
	s5 =	sadd.s32 s22, s3  }
0x15: {  	[timem:s7], [sflag:s23] =	dma.local [hbm:s5], s21  }
0x16: {  	_ =	swait.ge [sflag:s23], s21  }
0x17: {  	s4 =	ssub.s32 $0x0, s21;
	[sflag:s23] =	ssyncset.done $0x0  }
0x18: {  	[sflag:s23] =	ssyncadd.s32 s4;
	_ =	sdelay $0x1  }
0x19: {  	s24 =	simm.s32 $0x1B8B  }
0x1a: {  	_ =	swait.ge [sflag:s24], $0x1  }
0x1b: {  	[sflag:s24] =	ssyncset.done $0x0  }
0x1c: {  	s26 =	simm.s32 $0x1B8E;
	s25 =	sld [smem:$0x3FFE];
	[sflag:s24] =	ssyncadd.s32 $0xFFFFFFFF  }
0x1d: {  	s27 =	simm.s32 $execute0_lowered;
	[smem:$0x3FD2] =	sst s26  }
0x1e: {  	s5 =	sshll.u32 s27, $0x1;
	_ =	strace $0x8000004C;
	[dreg:$0x1] =	wrdreg $0xFFFFFFFF  }
0x1f: {  	s28 =	simm.s32 $_size_execute0_lowered;
	s3 =	sadd.s32 s3, s5;
	[dreg:$0x0] =	wrdreg $0x0  }
0x20: {  	s5 =	sshll.u32 s28, $0x1;
	[dreg:$0x2] =	wrdreg s3  }
0x21: {  	[dreg:$0x3] =	wrdreg s5  }
0x22: {  	[dreg:$0x4] =	wrdreg $0xC0  }
0x23: {  	_ =	task [dreg:s7], $0x5FFFF  }
0x24: {  	[dreg:$0x1] =	wrdreg $0xFFFFFFFF  }
0x25: {  	[dreg:$0x0] =	wrdreg $0x60  }
0x26: {  	[dreg:$0x2] =	wrdreg s25  }
0x27: {  	[dreg:$0x3] =	wrdreg s2  }
0x28: {  	[dreg:$0x4] =	wrdreg $0x9  }
0x29: {  	_ =	task.clear_ibuf [dreg:s7], $0x5FFFF;
	_ =	strace $0x9000004C  }
0x2a: {  	s29 =	simm.s32 $0x9;
	_ =	strace $0x8000004E  }
0x2b: {  	_ =	swait.ge [sflag:s29], $0x1  }
0x2c: {  	[sflag:s29] =	ssyncadd.s32 $0xFFFFFFFF  }
0x2d: {  	_ =	strace $0x9000004E  }
0x2e: {  	_ =	sfence  }
0x2f: {  	s30 =	sld [smem:$0x0];
	_ =	sdelay $0x2  }
0x30: {  	s31 =	sshll.u32 s1, $0xD;
	s1 =	sshrl.u32 s1, $0x2  }
0x31: {  	s3 =	sand.u32 $0x4000, s31;
	s1 =	sadd.s32 s1, s30  }
0x32: {  	s0 =	sor.u32 s3, s0;
	s1 =	sshll.u32 s1, $0x11  }
0x33: {  	s0 =	sor.u32 s1, s0  }
0x34: {  	s0 =	sadd.s32 $0x8F2B, s0  }
0x35: {  	[sflag:s0] =	ssyncadd.remote.s32 $0x1  }
0x36: {  	_ =	sfence.sel $0xFFFF  }
0x37: {  	[dreg:$0x0] =	wrdreg $0xFFFFFFFF;
	(pc) =	sbr.abs _section_cstart, $3  }
0x38: {  	[dreg:$0x1] =	wrdreg $0xFFFFFFFF  }
0x39: {  	_ =	task.clear_ibuf [dreg:s7], $0x2FFFF;
	_ =	strace $0x9FFFFFFF  }
0x3a: {  	(tm) =	ssettm $0x7FFFFFFF  }
0x3b: {  	_ =	shalt  }
tec
execute0_lowered:
.L_overlay_start_1:
0x0: {  	(tag) =	ssettag $0x1  }
0x1: {  	s0 =	srdreg.scid  }
0x2: {  	s1 =	sshll.u32 s0, $0x4  }
0x3: {  	s0 =	stileid.u32;
	s1 =	sand.u32 $0x10, s1  }
0x4: {  	s1 =	sor.u32 s0, s1  }
0x5: {  	s6 =	rddreg [dreg:$0x0];
	s4 =	simm.s32 $0x1;
	s2 =	sshll.u32 s1, $0x7  }
0x6: {  	s7 =	simm.s32 $0x2;
	s12 =	simm.s32 $0x0;
	s1 =	ssub.s32 $0x4000, s2  }
0x7: {  	s8 =	simm.s32 $0x20000;
	s13 =	simm.s32 $0x0;
	s3 =	sand.u32 $0xF80, s1  }
0x8: {  	s9 =	simm.s32 $0x0;
	s5 =	sshrl.u32 s1, $0xC;
	p0 =	sne.s32 s3, $0x0  }
.Ltmp0:
0x9: {  	s1 =	rddreg [dreg:$0x2];
	s4 =	simm.s32 @!p0 $0x0;
	(pc) =	sbr.rel .LBB1_1-.Ltmp0, $4  }
0xa: {  	s11 =	simm.s32 $0x0;
	s3 =	rddreg [dreg:$0x1];
	s5 =	sadd.s32 s4, s5  }
0xb: {  	_ =	strace $0x8000004D;
	s4 =	simm.s32 $0x1;
	s5 =	smul.u32 $0x27, s5  }
0xc: {  	s6 =	sadd.s32 $0x280E00, s6;
	s10 =	smov.u32 s2;
	[sflag:s4] =	ssyncpa.u1 $0x0  }
0xd: {  	p0 =	por $0x0, $0x0;
	[sflag:s7] =	ssyncpa.u1 $0x0;
	s7 =	sadd.s32 $0x1, s5  }
.LBB1_4:
0xe: {  	s16 =	sshll.u32 s13, $0x3;
	s17 =	sand.u32 $0x78, s13  }
0xf: {  	s30 =	sand.u32 $0xF800, s13;
	s12 =	sshll.u32 s12, $0x10;
	s16 =	sand.u32 $0x3C00, s16  }
0x10: {  	s31 =	sand.u32 $0x7, s13;
	s16 =	sor.u32 s17, s16;
	s17 =	sadd.s32 s3, s30  }
0x11: {  	s13 =	sshll.u32 s31, $0x12;
	s16 =	sshrl.u32 s16, $0x3;
	s12 =	sadd.s32 s12, s17  }
0x12: {  	[tilespmem:s15+$0x0 ss:$0x81] =	vst.msk $0xffff, v0;
	s13 =	sor.u32 $0x400, s13;
	s12 =	sadd.s32 s16, s12  }
0x13: {  	[hbm4b:s12+s13] =	stream.strided.scatter [tilespmem:s14], [sflag:$0x2], $0x1000, s8, s13, $0x20;
	[tilespmem:$0x4040] =	vst v63  }
.LBB1_5:
0x14: {  	s14 =	sadd.s32 $0x1, s9  }
0x15: {  	s12 =	sadd.s32 $0x1000, s10;
	s16 =	smov.u32 s10;
	p2 =	sgt.s32 s14, $0x26  }
0x16: {  	s16 =	smov.u32 @p2 s12  }
0x17: {  	s14 =	simm.s32 @p2 $0x0;
	p2 =	sgt.s32 s16, $0x3FFF  }
0x18: {  	s16 =	smov.u32 @p2 s2;
	p2 =	sne.s32 s11, s7  }
.Ltmp1:
0x19: {  	p1 =	slt.u32 s11, $0x2;
	(pc) =	sbr.rel @!p2 .LBB1_6-.Ltmp1, $4  }
0x1a: {  	s15 =	simm.s32 @!p1 $0x2  }
0x1b: {  	s13 =	smov.u32 s10;
	p0 =	por !p0, !p0;
	_ =	swait.ge @!p1 [sflag:s15], $0x1000  }
0x1c: {  	s12 =	smov.u32 s9;
	[sflag:s15] =	ssyncset.done @!p1 $0x0;
	s9 =	smov.u32 s14  }
0x1d: {  	s11 =	sadd.s32 $0x1, s11;
	[sflag:s15] =	ssyncadd.s32 @!p1 $0xFFFFF000;
	s10 =	smov.u32 s16  }
.LBB1_1:
0x1e: {  	p1 =	sge.u32 s11, s5  }
0x1f: {  	s14 =	sand.u32 @!p1 $0x1FFFFFF, s9  }
0x20: {  	s15 =	smulhi.u32 @!p1 $0x6666667, s14;
	_ =	sdelay $0x1  }
0x21: {  	s15 =	smul.u32 @!p1 $0x28, s15  }
0x22: {  	s16 =	sxor.u32 @!p1 $0xFFFFFFFF, s11;
	s17 =	smul.u32 @!p1 $0x280, s10  }
0x23: {  	s31 =	sadd.s32 $0xFFFFFFFF, s11;
	s16 =	sshll.u32 @!p1 s16, $0xC;
	s14 =	ssub.s32 @!p1 s14, s15  }
0x24: {  	s15 =	sand.u32 @!p1 $0x1000, s16;
	s16 =	sadd.s32 @!p1 s6, s17;
	s14 =	sshll.u32 @!p1 s14, $0x4  }
0x25: {  	s17 =	simm.s32 @!p1 $0x1400;
	s14 =	sadd.s32 @!p1 s14, s16;
	s16 =	simm.s32 @!p1 $0x20  }
0x26: {  	[tilespmem:s15], [sflag:$0x1] =	stream.strided.gather @!p1 [hbm4b:s14+s16], $0x1000, s17, s16, $0x38;
	[tilespmem:$0x4040] =	vst v63  }
0x27: {  	p1 =	sge.u32 s31, s5  }
.Ltmp2:
0x28: {  	_ = 	snop;
	(pc) =	sbr.rel @p1 .LBB1_5-.Ltmp2, $1  }
0x29: {  	_ =	sdelay $0x3  }
0x2a: {  	s14 =	simm.s32 $0x1  }
0x2b: {  	_ =	swait.ge [sflag:s4], $0x1000;
	s14 =	simm.s32 @!p0 $0x0  }
0x2c: {  	[sflag:s4] =	ssyncset.done $0x0;
	s15 =	sshll.u32 s14, $0xC  }
0x2d: {  	[sflag:s4] =	ssyncadd.s32 $0xFFFFF000;
	s18 =	sor.u32 $0x10, s15  }
0x2e: {  	s14 =	smul.u32 $0x4080, s14;
	v1 =	vld [tilespmem:s18+$0x0]  }
0x2f: {  	s30 =	sand.u32 $0x1, s11;
	v0 =	vld [tilespmem:s18+$0xFFFFFFF0]  }
0x30: {  	s15 =	smul.u32 $0x4080, s30;
	s14 =	sshrl.u32 s14, $0x2  }
0x31: {  	s16 =	sor.u32 $0x2000, s14  }
0x32: {  	s31 =	sshrl.u32 s15, $0x2;
	s15 =	sadd.s32 $0x0, s16  }
0x33: {  	s17 =	simm.s32 $0x4;
	s18 =	sadd.s32 $0x20, s18;
	s14 =	sor.u32 $0x2000, s31;
	[tilespmem:s15+$0x810 ss:$0x81] =	vst.msk $0xffff, v1  }
.LBB1_3:
0x34: {  	v1 =	vld [tilespmem:s18+$0x0];
	p1 =	sne.s32 s17, $0x1FC;
	[tilespmem:s15+$0x0 ss:$0x81] =	vst.msk $0xffff, v0;
	s15 =	smov.u32 s17;
	s17 =	sadd.s32 $0x4, s17  }
.Ltmp3:
0x35: {  	v0 =	vld [tilespmem:s18+$0xFFFFFFF0];
	(pc) =	sbr.rel @p1 .LBB1_3-.Ltmp3, $4  }
0x36: {  	_ = 	snop  }
0x37: {  	s15 =	sshra.s32 s15, $0x2  }
0x38: {  	s15 =	sadd.s32 s15, s16  }
0x39: {  	s18 =	sadd.s32 $0x20, s18;
	[tilespmem:s15+$0x810 ss:$0x81] =	vst.msk $0xffff, v1  }
.Ltmp4:
0x3a: {  	_ = 	snop;
	(pc) =	sbr.rel .LBB1_4-.Ltmp4, $1  }
0x3b: {  	_ =	sdelay $0x3  }
.LBB1_6:
0x3c: {  	_ =	sfence.sel $0x180000  }
0x3d: {  	s2 =	simm.s32 $0x1;
	[bflag:$0x0] =	sbarrier.arrive $0xFFFF  }
0x3e: {  	s31 =	simm.s32 $0x2;
	[sflag:s2] =	ssyncpa.u1 $0x1  }
0x3f: {  	[sflag:s31] =	ssyncpa.u1 $0x1  }
0x40: {  	p0 =	sne.s32 s0, $0x0;
	_ =	strace $0x9000004D  }
0x41: {  	s0 =	sadd.s32 @!p0 $0x100000, s1;
	[bflag:$0x2] =	sbarrier.arrive $0xFFFF  }
0x42: {  	[sflag:s0] =	ssyncadd.tile.s32 @!p0 $0x1;
	_ =	shalt  }
.Lfunc_end1:
_tile_overlayer_lowered:
.L_overlay_start_2:
0x43: {  	(tag) =	ssettag $0x2  }
0x44: {  	s0 =	rddreg [dreg:$0x0];
	s2 =	stileid.u32  }
0x45: {  	s1 =	rddreg [dreg:$0x1];
	p0 =	sne.s32 s2, $0x0  }
0x46: {  	s3 =	rddreg [dreg:$0x2];
	[bflag:$0x3] =	sbarrier.arrive $0xFFFF;
	s2 =	simm.s32 @!p0 $0x1C01  }
0x47: {  	[timem:s3], [sflag:s2] =	dma.local @!p0 [hbm:s0], s1  }
0x48: {  	s0 =	simm.s32 @!p0 $0x1  }
0x49: {  	_ =	swait.ge @!p0 [sflag:s0], s1  }
0x4a: {  	s1 =	ssub.s32 @!p0 $0x0, s1;
	[sflag:s0] =	ssyncset.done @!p0 $0x0  }
0x4b: {  	[sflag:s0] =	ssyncadd.s32 @!p0 s1  }
0x4c: {  	[bflag:$0x3] =	sbarrier.arrive $0xFFFF  }
0x4d: {  	_ =	shalt  }

</sc_bundles>
